<compile_context>
chip_gen: v7x
topology: tpu7x:2x2x1
jax: 0.10.2.dev20260603
libtpu: 0.0.44.dev20260713+nightly
codegen_flags: <defaults>
</compile_context>

<pallas_src>
import functools

import jax
import jax.numpy as jnp
from jax import lax
from jax.experimental import pallas as pl
from jax.experimental.pallas import tpu as pltpu
from jax.experimental.pallas import tpu_sc as plsc

NUM_CORES = 2
NUM_TILES = 16


def _pick_chunk(ept):
    for k in (128, 120, 112, 104, 96, 88, 80, 72, 64, 56, 48, 40, 32, 24, 16, 8):
        if ept % k == 0:
            return k
    raise ValueError(f"edges-per-tile {ept} not divisible by a multiple of 8")




def _sc_mesh():
    return plsc.VectorSubcoreMesh(
        core_axis_name="c", subcore_axis_name="s",
        num_cores=NUM_CORES, num_subcores=NUM_TILES)


def _make_degree(N, E):
    ept = E // NUM_TILES
    K = 128
    nf = ept // K
    tail = ept - nf * K
    slab = (N // NUM_TILES) & ~7
    rem = N - slab * NUM_TILES

    @functools.partial(
        pl.kernel,
        out_type=jax.ShapeDtypeStruct((NUM_CORES * N, 16), jnp.float32),
        mesh=_sc_mesh(),
        scratch_types=[
            pltpu.VMEM_SHARED((N, 16), jnp.float32),
            pltpu.VMEM((nf, K), jnp.int32),
            pltpu.VMEM((max(tail, 1),), jnp.int32),
            pltpu.VMEM((K, 16), jnp.float32),
            pltpu.SemaphoreType.DMA,
        ],
    )
    def deg_kernel(dst_hbm, dstt_hbm, ones_hbm, zeros_hbm, out_hbm, acc,
                   dst_all, dst_t, ones_v, sem_a):
        c = lax.axis_index("c")
        s = lax.axis_index("s")
        wid = c * NUM_TILES + s
        pltpu.sync_copy(zeros_hbm.at[pl.ds(0, slab)],
                        acc.at[pl.ds(s * slab, slab)])
        if rem:
            @pl.when(s == 0)
            def _zrem():
                pltpu.sync_copy(zeros_hbm.at[pl.ds(0, rem)],
                                acc.at[pl.ds(NUM_TILES * slab, rem)])
        pltpu.sync_copy(ones_hbm, ones_v)
        pltpu.sync_copy(dst_hbm.at[wid], dst_all)
        if tail:
            pltpu.sync_copy(dstt_hbm.at[wid], dst_t)
        plsc.subcore_barrier()

        W = next(w for w in (10, 8, 7, 5, 4, 3, 2, 1) if nf % w == 0)

        def _drain():
            for w in range(W):
                pltpu.make_async_copy(ones_v, acc.at[dst_all.at[0]],
                                      sem_a).wait()

        for w in range(W):
            pltpu.async_copy(ones_v, acc.at[dst_all.at[w]], sem_a, add=True)

        @pl.loop(W, nf, step=W)
        def _window(j):
            for w in range(W):
                pltpu.async_copy(ones_v, acc.at[dst_all.at[j + w]], sem_a,
                                 add=True)
            _drain()

        _drain()
        if tail:
            pltpu.sync_copy(ones_v.at[pl.ds(0, tail)], acc.at[dst_t],
                            add=True)

        plsc.subcore_barrier()
        pltpu.sync_copy(acc.at[pl.ds(s * slab, slab)],
                        out_hbm.at[pl.ds(c * N + s * slab, slab)])
        if rem:
            @pl.when(s == 0)
            def _orem():
                pltpu.sync_copy(
                    acc.at[pl.ds(NUM_TILES * slab, rem)],
                    out_hbm.at[pl.ds(c * N + NUM_TILES * slab, rem)])

    return deg_kernel


def _make_segsum(N, E, D):
    ept = E // NUM_TILES
    K = _pick_chunk(ept)
    nch = ept // K
    slab = (N // NUM_TILES) & ~7
    rem = N - slab * NUM_TILES
    assert nch % 3 == 1 and nch >= 7, nch

    @functools.partial(
        pl.kernel,
        out_type=jax.ShapeDtypeStruct((NUM_CORES * N, D), jnp.float32),
        mesh=_sc_mesh(),
        scratch_types=(
            [pltpu.VMEM_SHARED((N, D), jnp.float32)]
            + [pltpu.VMEM((2, K), jnp.int32)] * 3
            + [pltpu.VMEM((K, D), jnp.float32)] * 3
            + [pltpu.SemaphoreType.DMA] * 9
        ),
    )
    def seg_kernel(ys_hbm, comb_hbm, zeros_hbm, out_hbm, acc,
                   idx0, idx1, idx2, buf0, buf1, buf2,
                   si0, si1, si2, sg0, sg1, sg2, ss0, ss1, ss2):
        c = lax.axis_index("c")
        s = lax.axis_index("s")
        pltpu.sync_copy(zeros_hbm.at[pl.ds(0, slab)],
                        acc.at[pl.ds(s * slab, slab)])
        if rem:
            @pl.when(s == 0)
            def _zrem():
                pltpu.sync_copy(zeros_hbm.at[pl.ds(0, rem)],
                                acc.at[pl.ds(NUM_TILES * slab, rem)])
        wid = c * NUM_TILES + s

        idxs = (idx0, idx1, idx2)
        bufs = (buf0, buf1, buf2)
        sis = (si0, si1, si2)
        sgs = (sg0, sg1, sg2)
        sss = (ss0, ss1, ss2)

        def idx_descs(j, l):
            return (pltpu.make_async_copy(comb_hbm.at[wid, j], idxs[l],
                                          sis[l]),)

        def g_desc(l):
            return pltpu.make_async_copy(ys_hbm.at[idxs[l].at[0]], bufs[l],
                                         sgs[l])

        def s_fire(l):
            pltpu.async_copy(bufs[l], acc.at[idxs[l].at[1]], sss[l],
                             add=True)

        def s_wait(l):
            pltpu.make_async_copy(bufs[l], acc.at[idxs[l].at[1]],
                                  sss[l]).wait()

        def chunk(j, l, first=False, prefetch=True):
            m = (l + 2) % 3
            if not first:
                s_wait(m)
            if prefetch:
                for d in idx_descs(j + 2, m):
                    d.start()
            g_desc(l).wait()
            s_fire(l)
            if prefetch:
                for d in idx_descs(j + 2, m):
                    d.wait()
                g_desc(m).start()

        for d in idx_descs(0, 0):
            d.start()
        for d in idx_descs(1, 1):
            d.start()
        plsc.subcore_barrier()
        for d in idx_descs(0, 0):
            d.wait()
        g_desc(0).start()
        for d in idx_descs(1, 1):
            d.wait()
        g_desc(1).start()

        chunk(0, 0, first=True)

        @pl.loop(0, (nch - 7) // 3)
        def _trip(t):
            j = 1 + 3 * t
            chunk(j, 1)
            chunk(j + 1, 2)
            chunk(j + 2, 0)

        for j in range(nch - 6, nch):
            chunk(j, j % 3, prefetch=(j + 2 < nch))
        s_wait((nch - 1) % 3)

        plsc.subcore_barrier()
        pltpu.sync_copy(acc.at[pl.ds(s * slab, slab)],
                        out_hbm.at[pl.ds(c * N + s * slab, slab)])
        if rem:
            @pl.when(s == 0)
            def _orem():
                pltpu.sync_copy(
                    acc.at[pl.ds(NUM_TILES * slab, rem)],
                    out_hbm.at[pl.ds(c * N + NUM_TILES * slab, rem)])

    return seg_kernel


def _mm_prescale_body(x_ref, w_ref, deg_ref, o_ref):
    dinv = lax.rsqrt(deg_ref[:, 0:1] + 1.0)
    o_ref[...] = jnp.dot(x_ref[...], w_ref[...],
                         preferred_element_type=jnp.float32) * dinv


def _mm_prescale(x, w, deg16, br):
    n2, d = x.shape
    grid = (n2 // br,)
    return pl.pallas_call(
        _mm_prescale_body,
        grid=grid,
        in_specs=[
            pl.BlockSpec((br, d), lambda i: (i, 0)),
            pl.BlockSpec((d, w.shape[1]), lambda i: (0, 0)),
            pl.BlockSpec((br, 16), lambda i: (i, 0)),
        ],
        out_specs=pl.BlockSpec((br, w.shape[1]), lambda i: (i, 0)),
        out_shape=jax.ShapeDtypeStruct((n2, w.shape[1]), jnp.float32),
    )(x, w, deg16)


def _post_mm_body(s_ref, ys_ref, b_ref, w_ref, deg_ref, o_ref):
    dinv = lax.rsqrt(deg_ref[:, 0:1] + 1.0)
    h = jnp.maximum(dinv * (s_ref[...] + ys_ref[...]) + b_ref[...], 0.0)
    o_ref[...] = jnp.dot(h, w_ref[...],
                         preferred_element_type=jnp.float32) * dinv


def _post_mm(s1, ys1, b1, w2, deg16, br):
    n2, d = s1.shape
    grid = (n2 // br,)
    return pl.pallas_call(
        _post_mm_body,
        grid=grid,
        in_specs=[
            pl.BlockSpec((br, d), lambda i: (i, 0)),
            pl.BlockSpec((br, d), lambda i: (i, 0)),
            pl.BlockSpec((1, d), lambda i: (0, 0)),
            pl.BlockSpec((d, w2.shape[1]), lambda i: (0, 0)),
            pl.BlockSpec((br, 16), lambda i: (i, 0)),
        ],
        out_specs=pl.BlockSpec((br, w2.shape[1]), lambda i: (i, 0)),
        out_shape=jax.ShapeDtypeStruct((n2, w2.shape[1]), jnp.float32),
    )(s1, ys1, b1, w2, deg16)


def _l2n(x):
    nrm = jnp.sqrt(jnp.sum(x * x, axis=1, keepdims=True))
    return x / jnp.maximum(nrm, 1e-12)


def _flash_body(N, BR, CB, s2_ref, ys2_ref, b2_ref, deg_ref, t_ref,
                out_ref, vgn_ref, tsc_ref, acc_ref):
    i = pl.program_id(0)
    nb = pl.num_programs(0)
    invt = 1.0 / t_ref[0, 0]
    M = jnp.minimum(jnp.abs(invt), 50.0)

    @pl.when(i == 0)
    def _init():
        dinv_v = lax.rsqrt(deg_ref[N:, 0:1] + 1.0)
        ev = dinv_v * (s2_ref[N:, :] + ys2_ref[N:, :]) + b2_ref[...]
        vgn_ref[...] = _l2n(ev).astype(jnp.bfloat16)
        acc_ref[0] = 0.0

    rows = pl.ds(i * BR, BR)
    dinv_t = lax.rsqrt(deg_ref[rows, 0:1] + 1.0)
    et = dinv_t * (s2_ref[rows, :] + ys2_ref[rows, :]) + b2_ref[...]
    tn = _l2n(et)
    tsc_ref[...] = (tn * invt).astype(jnp.bfloat16)
    vg_diag = vgn_ref[rows, :].astype(jnp.float32)
    picked = jnp.clip(jnp.sum(tn * vg_diag, axis=1, keepdims=True) * invt,
                      -50.0, 50.0)

    ones_col = jnp.ones((CB, 1), jnp.bfloat16)

    @pl.loop(0, N // CB, init_carry=jnp.zeros((BR, 1), jnp.float32))
    def col_loop(c, rowsum):
        vc = vgn_ref[pl.ds(c * CB, CB), :]
        simc = lax.dot_general(tsc_ref[...], vc, (((1,), (1,)), ((), ())),
                               preferred_element_type=jnp.float32)
        z = (jnp.clip(simc, -50.0, 50.0) - M).astype(jnp.bfloat16)
        e = jnp.exp(z)
        return rowsum + jnp.dot(e, ones_col,
                                preferred_element_type=jnp.float32)

    logz = M + jnp.log(col_loop)
    acc_ref[0] += jnp.sum(logz - picked)

    @pl.when(i == nb - 1)
    def _fin():
        out_ref[0, 0] = acc_ref[0] * (1.0 / N)


def _flash_loss(s2, ys2, b2, deg16, temp, N, BR, CB):
    d = s2.shape[1]
    grid = (N // BR,)
    return pl.pallas_call(
        functools.partial(_flash_body, N, BR, CB),
        grid=grid,
        in_specs=[
            pl.BlockSpec((2 * N, d), lambda i: (0, 0)),
            pl.BlockSpec((2 * N, d), lambda i: (0, 0)),
            pl.BlockSpec((1, d), lambda i: (0, 0)),
            pl.BlockSpec((2 * N, 16), lambda i: (0, 0)),
            pl.BlockSpec(memory_space=pltpu.SMEM),
        ],
        out_specs=pl.BlockSpec((1, 1), lambda i: (0, 0),
                               memory_space=pltpu.SMEM),
        out_shape=jax.ShapeDtypeStruct((1, 1), jnp.float32),
        scratch_shapes=[
            pltpu.VMEM((N, d), jnp.bfloat16),
            pltpu.VMEM((BR, d), jnp.bfloat16),
            pltpu.SMEM((1,), jnp.float32),
        ],
    )(s2, ys2, b2, deg16, temp)


def kernel(tg_x, tg_edge_index, vg_x, vg_edge_index, W1, b1, W2, b2,
           temperature):
    N, D = tg_x.shape
    E = tg_edge_index.shape[1]

    X = jnp.concatenate([tg_x, vg_x], axis=0)
    src_g = jnp.concatenate([tg_edge_index[0], vg_edge_index[0] + N])
    dst_l = jnp.concatenate([tg_edge_index[1], vg_edge_index[1]])

    npt = N // NUM_TILES
    ept = E // NUM_TILES
    Kd = _pick_chunk(ept)
    nfd = ept // 128
    taild = ept - nfd * 128
    dst_r = dst_l.reshape(NUM_CORES * NUM_TILES, ept)
    dst3 = dst_r[:, :nfd * 128].reshape(NUM_CORES * NUM_TILES, nfd, 128)
    dstt = dst_r[:, nfd * 128:]
    zeros16 = jnp.zeros((npt, 16), jnp.float32)
    ones16 = jnp.ones((128, 16), jnp.float32)
    zerosD = jnp.zeros((npt, D), jnp.float32)
    b1r = b1.reshape(1, -1)
    b2r = b2.reshape(1, -1)
    tempr = jnp.asarray(temperature, jnp.float32).reshape(1, 1)

    nchs = ept // Kd
    comb = jnp.concatenate(
        [src_g.reshape(NUM_CORES * NUM_TILES, nchs, 1, Kd),
         dst_l.reshape(NUM_CORES * NUM_TILES, nchs, 1, Kd)], axis=2)

    deg16 = _make_degree(N, E)(dst3, dstt, ones16, zeros16)
    segsum = _make_segsum(N, E, D)

    ys1 = _mm_prescale(X, W1, deg16, br=1000)
    s1 = segsum(ys1, comb, zerosD)
    ys2 = _post_mm(s1, ys1, b1r, W2, deg16, br=1000)
    s2 = segsum(ys2, comb, zerosD)
    loss = _flash_loss(s2, ys2, b2r, deg16, tempr, N, BR=2000, CB=2000)
    return loss[0, 0]

# --- scband reference (transcript-rebuilt; emitter-appended) ---
"""Pipeline reference for scband-graph-contrastive-model-10866267258979 (READ-ONLY COPY).

The authoritative reference and input builder live on the scoring server;
editing this copy changes nothing except your own understanding.
"""

import jax, jax.numpy as jnp
import numpy as np

N = 10000
E = 320000
D = 128
H = 128
O = 128


def gcn_conv(x, edge_index, W, b):
    n = x.shape[0]
    sl = jnp.arange(n, dtype=edge_index.dtype)
    src = jnp.concatenate([edge_index[0], sl])
    dst = jnp.concatenate([edge_index[1], sl])
    x = x @ W
    deg = jax.ops.segment_sum(jnp.ones(src.shape[0], dtype=x.dtype), dst, num_segments=n)
    dinv = jnp.where(deg > 0, jax.lax.rsqrt(deg), 0.0)
    norm = dinv[src] * dinv[dst]
    msg = x[src] * norm[:, None]
    out = jax.ops.segment_sum(msg, dst, num_segments=n)
    return out + b


def l2_normalize(x, eps=1e-12):
    nrm = jnp.sqrt(jnp.sum(x * x, axis=1, keepdims=True))
    return x / jnp.maximum(nrm, eps)


def setup_inputs(seed: int = 0) -> dict:
    key = jax.random.key(seed)
    ks = jax.random.split(key, 8)
    tg_x = jax.random.normal(ks[0], (N, D), dtype=jnp.float32)
    vg_x = jax.random.normal(ks[1], (N, D), dtype=jnp.float32)
    tg_edge_index = jax.random.randint(ks[2], (2, E), 0, N, dtype=jnp.int32)
    vg_edge_index = jax.random.randint(ks[3], (2, E), 0, N, dtype=jnp.int32)
    W1 = jax.random.normal(ks[4], (D, H), dtype=jnp.float32) * (1.0 / np.sqrt(D))
    b1 = jnp.zeros((H,), dtype=jnp.float32)
    W2 = jax.random.normal(ks[5], (H, O), dtype=jnp.float32) * (1.0 / np.sqrt(H))
    b2 = jnp.zeros((O,), dtype=jnp.float32)
    temperature = jnp.asarray(0.1, dtype=jnp.float32)
    return {"tg_x": tg_x, "tg_edge_index": tg_edge_index, "vg_x": vg_x, "vg_edge_index": vg_edge_index, "W1": W1, "b1": b1, "W2": W2, "b2": b2, "temperature": temperature}


def reference(tg_x, tg_edge_index, vg_x, vg_edge_index, W1, b1, W2, b2, temperature=0.1):
    # NOTE: faithful to the original torch forward, which (buggily) reuses
    # gcn_tg1/gcn_tg2 for BOTH the text graph and the vision graph.
    h_tg = jax.nn.relu(gcn_conv(tg_x, tg_edge_index, W1, b1))
    tg_emb = gcn_conv(h_tg, tg_edge_index, W2, b2)
    h_vg = jax.nn.relu(gcn_conv(vg_x, vg_edge_index, W1, b1))
    vg_emb = gcn_conv(h_vg, vg_edge_index, W2, b2)
    tg_emb = l2_normalize(tg_emb)
    vg_emb = l2_normalize(vg_emb)
    sim = (tg_emb @ vg_emb.T) / temperature
    sim = jnp.clip(sim, -50.0, 50.0)
    n = tg_emb.shape[0]
    labels = jnp.arange(n) % vg_emb.shape[0]
    logz = jax.nn.logsumexp(sim, axis=1)
    picked = jnp.take_along_axis(sim, labels[:, None], axis=1)[:, 0]
    loss = jnp.mean(logz - picked)
    return loss

if __name__ == "__main__":
    import jax
    _d = setup_inputs()
    print(jax.jit(kernel)(*tuple(_d.values())))

</pallas_src>

<mosaic_0001>
#map = affine_map<(d0, d1) -> (0, 0)>
#map1 = affine_map<(d0, d1) -> (0, 0, 0, 0)>
module attributes {stable_mosaic.version = 14 : i64} {
  func.func @seg_kernel(%arg0: i32, %arg1: i32, %arg2: memref<20000x128xf32, #tpu.memory_space<hbm>>, %arg3: memref<32x250x2x80xi32, #tpu.memory_space<hbm>>, %arg4: memref<625x128xf32, #tpu.memory_space<hbm>>, %arg5: memref<20000x128xf32, #tpu.memory_space<hbm>>, %arg6: memref<10000x128xf32, #tpu.memory_space<vmem_shared>>, %arg7: memref<2x80xi32, #tpu.memory_space<vmem>>, %arg8: memref<2x80xi32, #tpu.memory_space<vmem>>, %arg9: memref<2x80xi32, #tpu.memory_space<vmem>>, %arg10: memref<80x128xf32, #tpu.memory_space<vmem>>, %arg11: memref<80x128xf32, #tpu.memory_space<vmem>>, %arg12: memref<80x128xf32, #tpu.memory_space<vmem>>, %arg13: memref<!tpu.dma_semaphore, #tpu.memory_space<semaphore_mem>>, %arg14: memref<!tpu.dma_semaphore, #tpu.memory_space<semaphore_mem>>, %arg15: memref<!tpu.dma_semaphore, #tpu.memory_space<semaphore_mem>>, %arg16: memref<!tpu.dma_semaphore, #tpu.memory_space<semaphore_mem>>, %arg17: memref<!tpu.dma_semaphore, #tpu.memory_space<semaphore_mem>>, %arg18: memref<!tpu.dma_semaphore, #tpu.memory_space<semaphore_mem>>, %arg19: memref<!tpu.dma_semaphore, #tpu.memory_space<semaphore_mem>>, %arg20: memref<!tpu.dma_semaphore, #tpu.memory_space<semaphore_mem>>, %arg21: memref<!tpu.dma_semaphore, #tpu.memory_space<semaphore_mem>>) attributes {dimension_semantics = [#tpu.dimension_semantics<core_parallel>, #tpu.dimension_semantics<subcore_parallel>], iteration_bounds = array<i64: 2, 16>, scalar_prefetch = 0 : i64, scratch_operands = 16 : i64, tpu.core_type = #tpu.core_type<sc_vector_subcore>, window_params = [{transform_indices = #map}, {transform_indices = #map1}, {transform_indices = #map}, {transform_indices = #map}]} {
    %mul3A = arith.constant 624 : i32
    %mul3A_0 = arith.muli %arg1, %mul3A : i32
    "tpu.region"() ({
      %run_scoped3A = tpu.sem_alloc : memref<!tpu.dma_semaphore, #tpu.memory_space<semaphore_mem>>
      %dma_start3A_342 = arith.constant 0 : i32
      %dma_start3A_343 = tpu.memref_slice %arg6[%mul3A_0, %dma_start3A_342] : memref<10000x128xf32, #tpu.memory_space<vmem_shared>> -> memref<624x128xf32, #tpu.memory_space<vmem_shared>>
      %dma_start3A_344 = arith.constant 0 : i32
      %dma_start3A_345 = arith.constant 0 : i32
      %dma_start3A_346 = tpu.memref_slice %arg4[%dma_start3A_344, %dma_start3A_345] : memref<625x128xf32, #tpu.memory_space<hbm>> -> memref<624x128xf32, #tpu.memory_space<hbm>>
      tpu.enqueue_dma source(%dma_start3A_346 : memref<624x128xf32, #tpu.memory_space<hbm>>) target(%dma_start3A_343 : memref<624x128xf32, #tpu.memory_space<vmem_shared>>) target_semaphore(%run_scoped3A : memref<!tpu.dma_semaphore, #tpu.memory_space<semaphore_mem>>)
      %dma_wait3A_347 = arith.constant 0 : i32
      %dma_wait3A_348 = tpu.memref_slice %arg6[%mul3A_0, %dma_wait3A_347] : memref<10000x128xf32, #tpu.memory_space<vmem_shared>> -> memref<624x128xf32, #tpu.memory_space<vmem_shared>>
      %dma_wait3A_349 = arith.constant 0 : i32
      %dma_wait3A_350 = arith.constant 0 : i32
      %dma_wait3A_351 = tpu.memref_slice %arg4[%dma_wait3A_349, %dma_wait3A_350] : memref<625x128xf32, #tpu.memory_space<hbm>> -> memref<624x128xf32, #tpu.memory_space<hbm>>
      tpu.wait_dma2 semaphore(%run_scoped3A : memref<!tpu.dma_semaphore, #tpu.memory_space<semaphore_mem>>) src(%dma_wait3A_351 : memref<624x128xf32, #tpu.memory_space<hbm>>) dst(%dma_wait3A_348 : memref<624x128xf32, #tpu.memory_space<vmem_shared>>)
      tpu.yield
    }) : () -> ()
    %eq3A = arith.constant 0 : i32
    %eq3A_1 = arith.cmpi eq, %arg1, %eq3A : i32
    %convert_element_type3A = arith.extui %eq3A_1 : i1 to i32
    %cond3A = arith.constant 0 : i32
    %cond3A_2 = arith.cmpi ne, %convert_element_type3A, %cond3A : i32
    scf.if %cond3A_2 {
      "tpu.region"() ({
        %run_scoped3A = tpu.sem_alloc : memref<!tpu.dma_semaphore, #tpu.memory_space<semaphore_mem>>
        %dma_start3A_342 = arith.constant 9984 : i32
        %dma_start3A_343 = arith.constant 0 : i32
        %dma_start3A_344 = tpu.memref_slice %arg6[%dma_start3A_342, %dma_start3A_343] : memref<10000x128xf32, #tpu.memory_space<vmem_shared>> -> memref<16x128xf32, #tpu.memory_space<vmem_shared>>
        %dma_start3A_345 = arith.constant 0 : i32
        %dma_start3A_346 = arith.constant 0 : i32
        %dma_start3A_347 = tpu.memref_slice %arg4[%dma_start3A_345, %dma_start3A_346] : memref<625x128xf32, #tpu.memory_space<hbm>> -> memref<16x128xf32, #tpu.memory_space<hbm>>
        tpu.enqueue_dma source(%dma_start3A_347 : memref<16x128xf32, #tpu.memory_space<hbm>>) target(%dma_start3A_344 : memref<16x128xf32, #tpu.memory_space<vmem_shared>>) target_semaphore(%run_scoped3A : memref<!tpu.dma_semaphore, #tpu.memory_space<semaphore_mem>>)
        %dma_wait3A_348 = arith.constant 9984 : i32
        %dma_wait3A_349 = arith.constant 0 : i32
        %dma_wait3A_350 = tpu.memref_slice %arg6[%dma_wait3A_348, %dma_wait3A_349] : memref<10000x128xf32, #tpu.memory_space<vmem_shared>> -> memref<16x128xf32, #tpu.memory_space<vmem_shared>>
        %dma_wait3A_351 = arith.constant 0 : i32
        %dma_wait3A_352 = arith.constant 0 : i32
        %dma_wait3A_353 = tpu.memref_slice %arg4[%dma_wait3A_351, %dma_wait3A_352] : memref<625x128xf32, #tpu.memory_space<hbm>> -> memref<16x128xf32, #tpu.memory_space<hbm>>
        tpu.wait_dma2 semaphore(%run_scoped3A : memref<!tpu.dma_semaphore, #tpu.memory_space<semaphore_mem>>) src(%dma_wait3A_353 : memref<16x128xf32, #tpu.memory_space<hbm>>) dst(%dma_wait3A_350 : memref<16x128xf32, #tpu.memory_space<vmem_shared>>)
        tpu.yield
      }) : () -> ()
    } else {
    }
    %mul3A_3 = arith.constant 16 : i32
    %mul3A_4 = arith.muli %arg0, %mul3A_3 : i32
    %add3A = arith.addi %mul3A_4, %arg1 : i32
    %dma_start3A = arith.constant 0 : i32
    %dma_start3A_5 = arith.constant 0 : i32
    %dma_start3A_6 = arith.constant 0 : i32
    %dma_start3A_7 = tpu.memref_slice %arg3[%add3A, %dma_start3A, %dma_start3A_5, %dma_start3A_6] : memref<32x250x2x80xi32, #tpu.memory_space<hbm>> -> memref<1x1x2x80xi32, #tpu.memory_space<hbm>>
    %dma_start3A_8 = tpu.memref_squeeze %dma_start3A_7 : memref<1x1x2x80xi32, #tpu.memory_space<hbm>> -> memref<2x80xi32, #tpu.memory_space<hbm>>
    %dma_start3A_9 = arith.constant 0 : i32
    %dma_start3A_10 = arith.constant 0 : i32
    %dma_start3A_11 = tpu.memref_slice %arg3[%add3A, %dma_start3A, %dma_start3A_9, %dma_start3A_10] : memref<32x250x2x80xi32, #tpu.memory_space<hbm>> -> memref<1x1x2x80xi32, #tpu.memory_space<hbm>>
    %dma_start3A_12 = tpu.memref_squeeze %dma_start3A_11 : memref<1x1x2x80xi32, #tpu.memory_space<hbm>> -> memref<2x80xi32, #tpu.memory_space<hbm>>
    tpu.enqueue_dma source(%dma_start3A_12 : memref<2x80xi32, #tpu.memory_space<hbm>>) target(%arg7 : memref<2x80xi32, #tpu.memory_space<vmem>>) target_semaphore(%arg13 : memref<!tpu.dma_semaphore, #tpu.memory_space<semaphore_mem>>)
    %dma_start3A_13 = arith.constant 1 : i32
    %dma_start3A_14 = arith.constant 0 : i32
    %dma_start3A_15 = arith.constant 0 : i32
    %dma_start3A_16 = tpu.memref_slice %arg3[%add3A, %dma_start3A_13, %dma_start3A_14, %dma_start3A_15] : memref<32x250x2x80xi32, #tpu.memory_space<hbm>> -> memref<1x1x2x80xi32, #tpu.memory_space<hbm>>
    %dma_start3A_17 = tpu.memref_squeeze %dma_start3A_16 : memref<1x1x2x80xi32, #tpu.memory_space<hbm>> -> memref<2x80xi32, #tpu.memory_space<hbm>>
    %dma_start3A_18 = arith.constant 0 : i32
    %dma_start3A_19 = arith.constant 0 : i32
    %dma_start3A_20 = tpu.memref_slice %arg3[%add3A, %dma_start3A_13, %dma_start3A_18, %dma_start3A_19] : memref<32x250x2x80xi32, #tpu.memory_space<hbm>> -> memref<1x1x2x80xi32, #tpu.memory_space<hbm>>
    %dma_start3A_21 = tpu.memref_squeeze %dma_start3A_20 : memref<1x1x2x80xi32, #tpu.memory_space<hbm>> -> memref<2x80xi32, #tpu.memory_space<hbm>>
    tpu.enqueue_dma source(%dma_start3A_21 : memref<2x80xi32, #tpu.memory_space<hbm>>) target(%arg8 : memref<2x80xi32, #tpu.memory_space<vmem>>) target_semaphore(%arg14 : memref<!tpu.dma_semaphore, #tpu.memory_space<semaphore_mem>>)
    %barrier3A = arith.constant 0 : index
    tpu.barrier barrier_id(%barrier3A)
    %dma_wait3A = arith.constant 0 : i32
    %dma_wait3A_22 = arith.constant 0 : i32
    %dma_wait3A_23 = arith.constant 0 : i32
    %dma_wait3A_24 = tpu.memref_slice %arg3[%add3A, %dma_wait3A, %dma_wait3A_22, %dma_wait3A_23] : memref<32x250x2x80xi32, #tpu.memory_space<hbm>> -> memref<1x1x2x80xi32, #tpu.memory_space<hbm>>
    %dma_wait3A_25 = tpu.memref_squeeze %dma_wait3A_24 : memref<1x1x2x80xi32, #tpu.memory_space<hbm>> -> memref<2x80xi32, #tpu.memory_space<hbm>>
    %dma_wait3A_26 = arith.constant 0 : i32
    %dma_wait3A_27 = arith.constant 0 : i32
    %dma_wait3A_28 = tpu.memref_slice %arg3[%add3A, %dma_wait3A, %dma_wait3A_26, %dma_wait3A_27] : memref<32x250x2x80xi32, #tpu.memory_space<hbm>> -> memref<1x1x2x80xi32, #tpu.memory_space<hbm>>
    %dma_wait3A_29 = tpu.memref_squeeze %dma_wait3A_28 : memref<1x1x2x80xi32, #tpu.memory_space<hbm>> -> memref<2x80xi32, #tpu.memory_space<hbm>>
    tpu.wait_dma2 semaphore(%arg13 : memref<!tpu.dma_semaphore, #tpu.memory_space<semaphore_mem>>) src(%dma_wait3A_29 : memref<2x80xi32, #tpu.memory_space<hbm>>) dst(%arg7 : memref<2x80xi32, #tpu.memory_space<vmem>>)
    %dma_start3A_30 = arith.constant 0 : i32
    %dma_start3A_31 = arith.constant 0 : i32
    %dma_start3A_32 = tpu.memref_slice %arg7[%dma_start3A_30, %dma_start3A_31] : memref<2x80xi32, #tpu.memory_space<vmem>> -> memref<1x80xi32, #tpu.memory_space<vmem>>
    %dma_start3A_33 = tpu.memref_squeeze %dma_start3A_32 : memref<1x80xi32, #tpu.memory_space<vmem>> -> memref<80xi32, #tpu.memory_space<vmem>>
    %dma_start3A_34 = arith.constant 0 : i32
    %dma_start3A_35 = arith.constant 0 : i32
    %dma_start3A_36 = tpu.memref_slice %arg2[%dma_start3A_34, %dma_start3A_35] : memref<20000x128xf32, #tpu.memory_space<hbm>> -> memref<20000x128xf32, #tpu.memory_space<hbm>>
    tpu.enqueue_indirect_dma source(%dma_start3A_36 : memref<20000x128xf32, #tpu.memory_space<hbm>>) target(%arg10 : memref<80x128xf32, #tpu.memory_space<vmem>>) offsets(%dma_start3A_33 : memref<80xi32, #tpu.memory_space<vmem>>) semaphore(%arg16 : memref<!tpu.dma_semaphore, #tpu.memory_space<semaphore_mem>>)
    %dma_wait3A_37 = arith.constant 1 : i32
    %dma_wait3A_38 = arith.constant 0 : i32
    %dma_wait3A_39 = arith.constant 0 : i32
    %dma_wait3A_40 = tpu.memref_slice %arg3[%add3A, %dma_wait3A_37, %dma_wait3A_38, %dma_wait3A_39] : memref<32x250x2x80xi32, #tpu.memory_space<hbm>> -> memref<1x1x2x80xi32, #tpu.memory_space<hbm>>
    %dma_wait3A_41 = tpu.memref_squeeze %dma_wait3A_40 : memref<1x1x2x80xi32, #tpu.memory_space<hbm>> -> memref<2x80xi32, #tpu.memory_space<hbm>>
    %dma_wait3A_42 = arith.constant 0 : i32
    %dma_wait3A_43 = arith.constant 0 : i32
    %dma_wait3A_44 = tpu.memref_slice %arg3[%add3A, %dma_wait3A_37, %dma_wait3A_42, %dma_wait3A_43] : memref<32x250x2x80xi32, #tpu.memory_space<hbm>> -> memref<1x1x2x80xi32, #tpu.memory_space<hbm>>
    %dma_wait3A_45 = tpu.memref_squeeze %dma_wait3A_44 : memref<1x1x2x80xi32, #tpu.memory_space<hbm>> -> memref<2x80xi32, #tpu.memory_space<hbm>>
    tpu.wait_dma2 semaphore(%arg14 : memref<!tpu.dma_semaphore, #tpu.memory_space<semaphore_mem>>) src(%dma_wait3A_45 : memref<2x80xi32, #tpu.memory_space<hbm>>) dst(%arg8 : memref<2x80xi32, #tpu.memory_space<vmem>>)
    %dma_start3A_46 = arith.constant 0 : i32
    %dma_start3A_47 = arith.constant 0 : i32
    %dma_start3A_48 = tpu.memref_slice %arg8[%dma_start3A_46, %dma_start3A_47] : memref<2x80xi32, #tpu.memory_space<vmem>> -> memref<1x80xi32, #tpu.memory_space<vmem>>
    %dma_start3A_49 = tpu.memref_squeeze %dma_start3A_48 : memref<1x80xi32, #tpu.memory_space<vmem>> -> memref<80xi32, #tpu.memory_space<vmem>>
    %dma_start3A_50 = arith.constant 0 : i32
    %dma_start3A_51 = arith.constant 0 : i32
    %dma_start3A_52 = tpu.memref_slice %arg2[%dma_start3A_50, %dma_start3A_51] : memref<20000x128xf32, #tpu.memory_space<hbm>> -> memref<20000x128xf32, #tpu.memory_space<hbm>>
    tpu.enqueue_indirect_dma source(%dma_start3A_52 : memref<20000x128xf32, #tpu.memory_space<hbm>>) target(%arg11 : memref<80x128xf32, #tpu.memory_space<vmem>>) offsets(%dma_start3A_49 : memref<80xi32, #tpu.memory_space<vmem>>) semaphore(%arg17 : memref<!tpu.dma_semaphore, #tpu.memory_space<semaphore_mem>>)
    %dma_start3A_53 = arith.constant 2 : i32
    %dma_start3A_54 = arith.constant 0 : i32
    %dma_start3A_55 = arith.constant 0 : i32
    %dma_start3A_56 = tpu.memref_slice %arg3[%add3A, %dma_start3A_53, %dma_start3A_54, %dma_start3A_55] : memref<32x250x2x80xi32, #tpu.memory_space<hbm>> -> memref<1x1x2x80xi32, #tpu.memory_space<hbm>>
    %dma_start3A_57 = tpu.memref_squeeze %dma_start3A_56 : memref<1x1x2x80xi32, #tpu.memory_space<hbm>> -> memref<2x80xi32, #tpu.memory_space<hbm>>
    %dma_start3A_58 = arith.constant 0 : i32
    %dma_start3A_59 = arith.constant 0 : i32
    %dma_start3A_60 = tpu.memref_slice %arg3[%add3A, %dma_start3A_53, %dma_start3A_58, %dma_start3A_59] : memref<32x250x2x80xi32, #tpu.memory_space<hbm>> -> memref<1x1x2x80xi32, #tpu.memory_space<hbm>>
    %dma_start3A_61 = tpu.memref_squeeze %dma_start3A_60 : memref<1x1x2x80xi32, #tpu.memory_space<hbm>> -> memref<2x80xi32, #tpu.memory_space<hbm>>
    tpu.enqueue_dma source(%dma_start3A_61 : memref<2x80xi32, #tpu.memory_space<hbm>>) target(%arg9 : memref<2x80xi32, #tpu.memory_space<vmem>>) target_semaphore(%arg15 : memref<!tpu.dma_semaphore, #tpu.memory_space<semaphore_mem>>)
    %dma_wait3A_62 = arith.constant 0 : i32
    %dma_wait3A_63 = arith.constant 0 : i32
    %dma_wait3A_64 = tpu.memref_slice %arg7[%dma_wait3A_62, %dma_wait3A_63] : memref<2x80xi32, #tpu.memory_space<vmem>> -> memref<1x80xi32, #tpu.memory_space<vmem>>
    %dma_wait3A_65 = tpu.memref_squeeze %dma_wait3A_64 : memref<1x80xi32, #tpu.memory_space<vmem>> -> memref<80xi32, #tpu.memory_space<vmem>>
    %dma_wait3A_66 = arith.constant 0 : i32
    %dma_wait3A_67 = arith.constant 0 : i32
    %dma_wait3A_68 = tpu.memref_slice %arg2[%dma_wait3A_66, %dma_wait3A_67] : memref<20000x128xf32, #tpu.memory_space<hbm>> -> memref<20000x128xf32, #tpu.memory_space<hbm>>
    tpu.wait_indirect_dma semaphore(%arg16 : memref<!tpu.dma_semaphore, #tpu.memory_space<semaphore_mem>>) src(%dma_wait3A_68 : memref<20000x128xf32, #tpu.memory_space<hbm>>) dst(%arg10 : memref<80x128xf32, #tpu.memory_space<vmem>>)
    %dma_start3A_69 = arith.constant 1 : i32
    %dma_start3A_70 = arith.constant 0 : i32
    %dma_start3A_71 = tpu.memref_slice %arg7[%dma_start3A_69, %dma_start3A_70] : memref<2x80xi32, #tpu.memory_space<vmem>> -> memref<1x80xi32, #tpu.memory_space<vmem>>
    %dma_start3A_72 = tpu.memref_squeeze %dma_start3A_71 : memref<1x80xi32, #tpu.memory_space<vmem>> -> memref<80xi32, #tpu.memory_space<vmem>>
    %dma_start3A_73 = arith.constant 0 : i32
    %dma_start3A_74 = arith.constant 0 : i32
    %dma_start3A_75 = tpu.memref_slice %arg6[%dma_start3A_73, %dma_start3A_74] : memref<10000x128xf32, #tpu.memory_space<vmem_shared>> -> memref<10000x128xf32, #tpu.memory_space<vmem_shared>>
    tpu.enqueue_indirect_dma source(%arg10 : memref<80x128xf32, #tpu.memory_space<vmem>>) target(%dma_start3A_75 : memref<10000x128xf32, #tpu.memory_space<vmem_shared>>) offsets(%dma_start3A_72 : memref<80xi32, #tpu.memory_space<vmem>>) semaphore(%arg19 : memref<!tpu.dma_semaphore, #tpu.memory_space<semaphore_mem>>) {add = true}
    %dma_wait3A_76 = arith.constant 2 : i32
    %dma_wait3A_77 = arith.constant 0 : i32
    %dma_wait3A_78 = arith.constant 0 : i32
    %dma_wait3A_79 = tpu.memref_slice %arg3[%add3A, %dma_wait3A_76, %dma_wait3A_77, %dma_wait3A_78] : memref<32x250x2x80xi32, #tpu.memory_space<hbm>> -> memref<1x1x2x80xi32, #tpu.memory_space<hbm>>
    %dma_wait3A_80 = tpu.memref_squeeze %dma_wait3A_79 : memref<1x1x2x80xi32, #tpu.memory_space<hbm>> -> memref<2x80xi32, #tpu.memory_space<hbm>>
    %dma_wait3A_81 = arith.constant 0 : i32
    %dma_wait3A_82 = arith.constant 0 : i32
    %dma_wait3A_83 = tpu.memref_slice %arg3[%add3A, %dma_wait3A_76, %dma_wait3A_81, %dma_wait3A_82] : memref<32x250x2x80xi32, #tpu.memory_space<hbm>> -> memref<1x1x2x80xi32, #tpu.memory_space<hbm>>
    %dma_wait3A_84 = tpu.memref_squeeze %dma_wait3A_83 : memref<1x1x2x80xi32, #tpu.memory_space<hbm>> -> memref<2x80xi32, #tpu.memory_space<hbm>>
    tpu.wait_dma2 semaphore(%arg15 : memref<!tpu.dma_semaphore, #tpu.memory_space<semaphore_mem>>) src(%dma_wait3A_84 : memref<2x80xi32, #tpu.memory_space<hbm>>) dst(%arg9 : memref<2x80xi32, #tpu.memory_space<vmem>>)
    %dma_start3A_85 = arith.constant 0 : i32
    %dma_start3A_86 = arith.constant 0 : i32
    %dma_start3A_87 = tpu.memref_slice %arg9[%dma_start3A_85, %dma_start3A_86] : memref<2x80xi32, #tpu.memory_space<vmem>> -> memref<1x80xi32, #tpu.memory_space<vmem>>
    %dma_start3A_88 = tpu.memref_squeeze %dma_start3A_87 : memref<1x80xi32, #tpu.memory_space<vmem>> -> memref<80xi32, #tpu.memory_space<vmem>>
    %dma_start3A_89 = arith.constant 0 : i32
    %dma_start3A_90 = arith.constant 0 : i32
    %dma_start3A_91 = tpu.memref_slice %arg2[%dma_start3A_89, %dma_start3A_90] : memref<20000x128xf32, #tpu.memory_space<hbm>> -> memref<20000x128xf32, #tpu.memory_space<hbm>>
    tpu.enqueue_indirect_dma source(%dma_start3A_91 : memref<20000x128xf32, #tpu.memory_space<hbm>>) target(%arg12 : memref<80x128xf32, #tpu.memory_space<vmem>>) offsets(%dma_start3A_88 : memref<80xi32, #tpu.memory_space<vmem>>) semaphore(%arg18 : memref<!tpu.dma_semaphore, #tpu.memory_space<semaphore_mem>>)
    %scan3A = arith.constant 0 : i32
    %scan3A_92 = arith.constant 81 : i32
    %scan3A_93 = arith.addi %scan3A, %scan3A_92 : i32
    %scan3A_94 = arith.constant 1 : i32
    scf.for %scan3A_342 = %scan3A to %scan3A_93 step %scan3A_94  : i32 {
      %mul3A_343 = arith.constant 1 : i32
      %mul3A_344 = arith.muli %scan3A_342, %mul3A_343 : i32
      %add3A_345 = arith.constant 0 : i32
      %add3A_346 = arith.addi %add3A_345, %mul3A_344 : i32
      %mul3A_347 = arith.constant 3 : i32
      %mul3A_348 = arith.muli %mul3A_347, %add3A_346 : i32
      %add3A_349 = arith.constant 1 : i32
      %add3A_350 = arith.addi %add3A_349, %mul3A_348 : i32
      %dma_wait3A_351 = arith.constant 1 : i32
      %dma_wait3A_352 = arith.constant 0 : i32
      %dma_wait3A_353 = tpu.memref_slice %arg7[%dma_wait3A_351, %dma_wait3A_352] : memref<2x80xi32, #tpu.memory_space<vmem>> -> memref<1x80xi32, #tpu.memory_space<vmem>>
      %dma_wait3A_354 = tpu.memref_squeeze %dma_wait3A_353 : memref<1x80xi32, #tpu.memory_space<vmem>> -> memref<80xi32, #tpu.memory_space<vmem>>
      %dma_wait3A_355 = arith.constant 0 : i32
      %dma_wait3A_356 = arith.constant 0 : i32
      %dma_wait3A_357 = tpu.memref_slice %arg6[%dma_wait3A_355, %dma_wait3A_356] : memref<10000x128xf32, #tpu.memory_space<vmem_shared>> -> memref<10000x128xf32, #tpu.memory_space<vmem_shared>>
      tpu.wait_indirect_dma semaphore(%arg19 : memref<!tpu.dma_semaphore, #tpu.memory_space<semaphore_mem>>) src(%arg10 : memref<80x128xf32, #tpu.memory_space<vmem>>) dst(%dma_wait3A_357 : memref<10000x128xf32, #tpu.memory_space<vmem_shared>>)
      %add3A_358 = arith.constant 2 : i32
      %add3A_359 = arith.addi %add3A_350, %add3A_358 : i32
      %dma_start3A_360 = arith.constant 0 : i32
      %dma_start3A_361 = arith.constant 0 : i32
      %dma_start3A_362 = tpu.memref_slice %arg3[%add3A, %add3A_359, %dma_start3A_360, %dma_start3A_361] : memref<32x250x2x80xi32, #tpu.memory_space<hbm>> -> memref<1x1x2x80xi32, #tpu.memory_space<hbm>>
      %dma_start3A_363 = tpu.memref_squeeze %dma_start3A_362 : memref<1x1x2x80xi32, #tpu.memory_space<hbm>> -> memref<2x80xi32, #tpu.memory_space<hbm>>
      %dma_start3A_364 = arith.constant 0 : i32
      %dma_start3A_365 = arith.constant 0 : i32
      %dma_start3A_366 = tpu.memref_slice %arg3[%add3A, %add3A_359, %dma_start3A_364, %dma_start3A_365] : memref<32x250x2x80xi32, #tpu.memory_space<hbm>> -> memref<1x1x2x80xi32, #tpu.memory_space<hbm>>
      %dma_start3A_367 = tpu.memref_squeeze %dma_start3A_366 : memref<1x1x2x80xi32, #tpu.memory_space<hbm>> -> memref<2x80xi32, #tpu.memory_space<hbm>>
      tpu.enqueue_dma source(%dma_start3A_367 : memref<2x80xi32, #tpu.memory_space<hbm>>) target(%arg7 : memref<2x80xi32, #tpu.memory_space<vmem>>) target_semaphore(%arg13 : memref<!tpu.dma_semaphore, #tpu.memory_space<semaphore_mem>>)
      %dma_wait3A_368 = arith.constant 0 : i32
      %dma_wait3A_369 = arith.constant 0 : i32
      %dma_wait3A_370 = tpu.memref_slice %arg8[%dma_wait3A_368, %dma_wait3A_369] : memref<2x80xi32, #tpu.memory_space<vmem>> -> memref<1x80xi32, #tpu.memory_space<vmem>>
      %dma_wait3A_371 = tpu.memref_squeeze %dma_wait3A_370 : memref<1x80xi32, #tpu.memory_space<vmem>> -> memref<80xi32, #tpu.memory_space<vmem>>
      %dma_wait3A_372 = arith.constant 0 : i32
      %dma_wait3A_373 = arith.constant 0 : i32
      %dma_wait3A_374 = tpu.memref_slice %arg2[%dma_wait3A_372, %dma_wait3A_373] : memref<20000x128xf32, #tpu.memory_space<hbm>> -> memref<20000x128xf32, #tpu.memory_space<hbm>>
      tpu.wait_indirect_dma semaphore(%arg17 : memref<!tpu.dma_semaphore, #tpu.memory_space<semaphore_mem>>) src(%dma_wait3A_374 : memref<20000x128xf32, #tpu.memory_space<hbm>>) dst(%arg11 : memref<80x128xf32, #tpu.memory_space<vmem>>)
      %dma_start3A_375 = arith.constant 1 : i32
      %dma_start3A_376 = arith.constant 0 : i32
      %dma_start3A_377 = tpu.memref_slice %arg8[%dma_start3A_375, %dma_start3A_376] : memref<2x80xi32, #tpu.memory_space<vmem>> -> memref<1x80xi32, #tpu.memory_space<vmem>>
      %dma_start3A_378 = tpu.memref_squeeze %dma_start3A_377 : memref<1x80xi32, #tpu.memory_space<vmem>> -> memref<80xi32, #tpu.memory_space<vmem>>
      %dma_start3A_379 = arith.constant 0 : i32
      %dma_start3A_380 = arith.constant 0 : i32
      %dma_start3A_381 = tpu.memref_slice %arg6[%dma_start3A_379, %dma_start3A_380] : memref<10000x128xf32, #tpu.memory_space<vmem_shared>> -> memref<10000x128xf32, #tpu.memory_space<vmem_shared>>
      tpu.enqueue_indirect_dma source(%arg11 : memref<80x128xf32, #tpu.memory_space<vmem>>) target(%dma_start3A_381 : memref<10000x128xf32, #tpu.memory_space<vmem_shared>>) offsets(%dma_start3A_378 : memref<80xi32, #tpu.memory_space<vmem>>) semaphore(%arg20 : memref<!tpu.dma_semaphore, #tpu.memory_space<semaphore_mem>>) {add = true}
      %add3A_382 = arith.constant 2 : i32
      %add3A_383 = arith.addi %add3A_350, %add3A_382 : i32
      %dma_wait3A_384 = arith.constant 0 : i32
      %dma_wait3A_385 = arith.constant 0 : i32
      %dma_wait3A_386 = tpu.memref_slice %arg3[%add3A, %add3A_383, %dma_wait3A_384, %dma_wait3A_385] : memref<32x250x2x80xi32, #tpu.memory_space<hbm>> -> memref<1x1x2x80xi32, #tpu.memory_space<hbm>>
      %dma_wait3A_387 = tpu.memref_squeeze %dma_wait3A_386 : memref<1x1x2x80xi32, #tpu.memory_space<hbm>> -> memref<2x80xi32, #tpu.memory_space<hbm>>
      %dma_wait3A_388 = arith.constant 0 : i32
      %dma_wait3A_389 = arith.constant 0 : i32
      %dma_wait3A_390 = tpu.memref_slice %arg3[%add3A, %add3A_383, %dma_wait3A_388, %dma_wait3A_389] : memref<32x250x2x80xi32, #tpu.memory_space<hbm>> -> memref<1x1x2x80xi32, #tpu.memory_space<hbm>>
      %dma_wait3A_391 = tpu.memref_squeeze %dma_wait3A_390 : memref<1x1x2x80xi32, #tpu.memory_space<hbm>> -> memref<2x80xi32, #tpu.memory_space<hbm>>
      tpu.wait_dma2 semaphore(%arg13 : memref<!tpu.dma_semaphore, #tpu.memory_space<semaphore_mem>>) src(%dma_wait3A_391 : memref<2x80xi32, #tpu.memory_space<hbm>>) dst(%arg7 : memref<2x80xi32, #tpu.memory_space<vmem>>)
      %dma_start3A_392 = arith.constant 0 : i32
      %dma_start3A_393 = arith.constant 0 : i32
      %dma_start3A_394 = tpu.memref_slice %arg7[%dma_start3A_392, %dma_start3A_393] : memref<2x80xi32, #tpu.memory_space<vmem>> -> memref<1x80xi32, #tpu.memory_space<vmem>>
      %dma_start3A_395 = tpu.memref_squeeze %dma_start3A_394 : memref<1x80xi32, #tpu.memory_space<vmem>> -> memref<80xi32, #tpu.memory_space<vmem>>
      %dma_start3A_396 = arith.constant 0 : i32
      %dma_start3A_397 = arith.constant 0 : i32
      %dma_start3A_398 = tpu.memref_slice %arg2[%dma_start3A_396, %dma_start3A_397] : memref<20000x128xf32, #tpu.memory_space<hbm>> -> memref<20000x128xf32, #tpu.memory_space<hbm>>
      tpu.enqueue_indirect_dma source(%dma_start3A_398 : memref<20000x128xf32, #tpu.memory_space<hbm>>) target(%arg10 : memref<80x128xf32, #tpu.memory_space<vmem>>) offsets(%dma_start3A_395 : memref<80xi32, #tpu.memory_space<vmem>>) semaphore(%arg16 : memref<!tpu.dma_semaphore, #tpu.memory_space<semaphore_mem>>)
      %add3A_399 = arith.constant 1 : i32
      %add3A_400 = arith.addi %add3A_350, %add3A_399 : i32
      %dma_wait3A_401 = arith.constant 1 : i32
      %dma_wait3A_402 = arith.constant 0 : i32
      %dma_wait3A_403 = tpu.memref_slice %arg8[%dma_wait3A_401, %dma_wait3A_402] : memref<2x80xi32, #tpu.memory_space<vmem>> -> memref<1x80xi32, #tpu.memory_space<vmem>>
      %dma_wait3A_404 = tpu.memref_squeeze %dma_wait3A_403 : memref<1x80xi32, #tpu.memory_space<vmem>> -> memref<80xi32, #tpu.memory_space<vmem>>
      %dma_wait3A_405 = arith.constant 0 : i32
      %dma_wait3A_406 = arith.constant 0 : i32
      %dma_wait3A_407 = tpu.memref_slice %arg6[%dma_wait3A_405, %dma_wait3A_406] : memref<10000x128xf32, #tpu.memory_space<vmem_shared>> -> memref<10000x128xf32, #tpu.memory_space<vmem_shared>>
      tpu.wait_indirect_dma semaphore(%arg20 : memref<!tpu.dma_semaphore, #tpu.memory_space<semaphore_mem>>) src(%arg11 : memref<80x128xf32, #tpu.memory_space<vmem>>) dst(%dma_wait3A_407 : memref<10000x128xf32, #tpu.memory_space<vmem_shared>>)
      %add3A_408 = arith.constant 2 : i32
      %add3A_409 = arith.addi %add3A_400, %add3A_408 : i32
      %dma_start3A_410 = arith.constant 0 : i32
      %dma_start3A_411 = arith.constant 0 : i32
      %dma_start3A_412 = tpu.memref_slice %arg3[%add3A, %add3A_409, %dma_start3A_410, %dma_start3A_411] : memref<32x250x2x80xi32, #tpu.memory_space<hbm>> -> memref<1x1x2x80xi32, #tpu.memory_space<hbm>>
      %dma_start3A_413 = tpu.memref_squeeze %dma_start3A_412 : memref<1x1x2x80xi32, #tpu.memory_space<hbm>> -> memref<2x80xi32, #tpu.memory_space<hbm>>
      %dma_start3A_414 = arith.constant 0 : i32
      %dma_start3A_415 = arith.constant 0 : i32
      %dma_start3A_416 = tpu.memref_slice %arg3[%add3A, %add3A_409, %dma_start3A_414, %dma_start3A_415] : memref<32x250x2x80xi32, #tpu.memory_space<hbm>> -> memref<1x1x2x80xi32, #tpu.memory_space<hbm>>
      %dma_start3A_417 = tpu.memref_squeeze %dma_start3A_416 : memref<1x1x2x80xi32, #tpu.memory_space<hbm>> -> memref<2x80xi32, #tpu.memory_space<hbm>>
      tpu.enqueue_dma source(%dma_start3A_417 : memref<2x80xi32, #tpu.memory_space<hbm>>) target(%arg8 : memref<2x80xi32, #tpu.memory_space<vmem>>) target_semaphore(%arg14 : memref<!tpu.dma_semaphore, #tpu.memory_space<semaphore_mem>>)
      %dma_wait3A_418 = arith.constant 0 : i32
      %dma_wait3A_419 = arith.constant 0 : i32
      %dma_wait3A_420 = tpu.memref_slice %arg9[%dma_wait3A_418, %dma_wait3A_419] : memref<2x80xi32, #tpu.memory_space<vmem>> -> memref<1x80xi32, #tpu.memory_space<vmem>>
      %dma_wait3A_421 = tpu.memref_squeeze %dma_wait3A_420 : memref<1x80xi32, #tpu.memory_space<vmem>> -> memref<80xi32, #tpu.memory_space<vmem>>
      %dma_wait3A_422 = arith.constant 0 : i32
      %dma_wait3A_423 = arith.constant 0 : i32
      %dma_wait3A_424 = tpu.memref_slice %arg2[%dma_wait3A_422, %dma_wait3A_423] : memref<20000x128xf32, #tpu.memory_space<hbm>> -> memref<20000x128xf32, #tpu.memory_space<hbm>>
      tpu.wait_indirect_dma semaphore(%arg18 : memref<!tpu.dma_semaphore, #tpu.memory_space<semaphore_mem>>) src(%dma_wait3A_424 : memref<20000x128xf32, #tpu.memory_space<hbm>>) dst(%arg12 : memref<80x128xf32, #tpu.memory_space<vmem>>)
      %dma_start3A_425 = arith.constant 1 : i32
      %dma_start3A_426 = arith.constant 0 : i32
      %dma_start3A_427 = tpu.memref_slice %arg9[%dma_start3A_425, %dma_start3A_426] : memref<2x80xi32, #tpu.memory_space<vmem>> -> memref<1x80xi32, #tpu.memory_space<vmem>>
      %dma_start3A_428 = tpu.memref_squeeze %dma_start3A_427 : memref<1x80xi32, #tpu.memory_space<vmem>> -> memref<80xi32, #tpu.memory_space<vmem>>
      %dma_start3A_429 = arith.constant 0 : i32
      %dma_start3A_430 = arith.constant 0 : i32
      %dma_start3A_431 = tpu.memref_slice %arg6[%dma_start3A_429, %dma_start3A_430] : memref<10000x128xf32, #tpu.memory_space<vmem_shared>> -> memref<10000x128xf32, #tpu.memory_space<vmem_shared>>
      tpu.enqueue_indirect_dma source(%arg12 : memref<80x128xf32, #tpu.memory_space<vmem>>) target(%dma_start3A_431 : memref<10000x128xf32, #tpu.memory_space<vmem_shared>>) offsets(%dma_start3A_428 : memref<80xi32, #tpu.memory_space<vmem>>) semaphore(%arg21 : memref<!tpu.dma_semaphore, #tpu.memory_space<semaphore_mem>>) {add = true}
      %add3A_432 = arith.constant 2 : i32
      %add3A_433 = arith.addi %add3A_400, %add3A_432 : i32
      %dma_wait3A_434 = arith.constant 0 : i32
      %dma_wait3A_435 = arith.constant 0 : i32
      %dma_wait3A_436 = tpu.memref_slice %arg3[%add3A, %add3A_433, %dma_wait3A_434, %dma_wait3A_435] : memref<32x250x2x80xi32, #tpu.memory_space<hbm>> -> memref<1x1x2x80xi32, #tpu.memory_space<hbm>>
      %dma_wait3A_437 = tpu.memref_squeeze %dma_wait3A_436 : memref<1x1x2x80xi32, #tpu.memory_space<hbm>> -> memref<2x80xi32, #tpu.memory_space<hbm>>
      %dma_wait3A_438 = arith.constant 0 : i32
      %dma_wait3A_439 = arith.constant 0 : i32
      %dma_wait3A_440 = tpu.memref_slice %arg3[%add3A, %add3A_433, %dma_wait3A_438, %dma_wait3A_439] : memref<32x250x2x80xi32, #tpu.memory_space<hbm>> -> memref<1x1x2x80xi32, #tpu.memory_space<hbm>>
      %dma_wait3A_441 = tpu.memref_squeeze %dma_wait3A_440 : memref<1x1x2x80xi32, #tpu.memory_space<hbm>> -> memref<2x80xi32, #tpu.memory_space<hbm>>
      tpu.wait_dma2 semaphore(%arg14 : memref<!tpu.dma_semaphore, #tpu.memory_space<semaphore_mem>>) src(%dma_wait3A_441 : memref<2x80xi32, #tpu.memory_space<hbm>>) dst(%arg8 : memref<2x80xi32, #tpu.memory_space<vmem>>)
      %dma_start3A_442 = arith.constant 0 : i32
      %dma_start3A_443 = arith.constant 0 : i32
      %dma_start3A_444 = tpu.memref_slice %arg8[%dma_start3A_442, %dma_start3A_443] : memref<2x80xi32, #tpu.memory_space<vmem>> -> memref<1x80xi32, #tpu.memory_space<vmem>>
      %dma_start3A_445 = tpu.memref_squeeze %dma_start3A_444 : memref<1x80xi32, #tpu.memory_space<vmem>> -> memref<80xi32, #tpu.memory_space<vmem>>
      %dma_start3A_446 = arith.constant 0 : i32
      %dma_start3A_447 = arith.constant 0 : i32
      %dma_start3A_448 = tpu.memref_slice %arg2[%dma_start3A_446, %dma_start3A_447] : memref<20000x128xf32, #tpu.memory_space<hbm>> -> memref<20000x128xf32, #tpu.memory_space<hbm>>
      tpu.enqueue_indirect_dma source(%dma_start3A_448 : memref<20000x128xf32, #tpu.memory_space<hbm>>) target(%arg11 : memref<80x128xf32, #tpu.memory_space<vmem>>) offsets(%dma_start3A_445 : memref<80xi32, #tpu.memory_space<vmem>>) semaphore(%arg17 : memref<!tpu.dma_semaphore, #tpu.memory_space<semaphore_mem>>)
      %add3A_449 = arith.constant 2 : i32
      %add3A_450 = arith.addi %add3A_350, %add3A_449 : i32
      %dma_wait3A_451 = arith.constant 1 : i32
      %dma_wait3A_452 = arith.constant 0 : i32
      %dma_wait3A_453 = tpu.memref_slice %arg9[%dma_wait3A_451, %dma_wait3A_452] : memref<2x80xi32, #tpu.memory_space<vmem>> -> memref<1x80xi32, #tpu.memory_space<vmem>>
      %dma_wait3A_454 = tpu.memref_squeeze %dma_wait3A_453 : memref<1x80xi32, #tpu.memory_space<vmem>> -> memref<80xi32, #tpu.memory_space<vmem>>
      %dma_wait3A_455 = arith.constant 0 : i32
      %dma_wait3A_456 = arith.constant 0 : i32
      %dma_wait3A_457 = tpu.memref_slice %arg6[%dma_wait3A_455, %dma_wait3A_456] : memref<10000x128xf32, #tpu.memory_space<vmem_shared>> -> memref<10000x128xf32, #tpu.memory_space<vmem_shared>>
      tpu.wait_indirect_dma semaphore(%arg21 : memref<!tpu.dma_semaphore, #tpu.memory_space<semaphore_mem>>) src(%arg12 : memref<80x128xf32, #tpu.memory_space<vmem>>) dst(%dma_wait3A_457 : memref<10000x128xf32, #tpu.memory_space<vmem_shared>>)
      %add3A_458 = arith.constant 2 : i32
      %add3A_459 = arith.addi %add3A_450, %add3A_458 : i32
      %dma_start3A_460 = arith.constant 0 : i32
      %dma_start3A_461 = arith.constant 0 : i32
      %dma_start3A_462 = tpu.memref_slice %arg3[%add3A, %add3A_459, %dma_start3A_460, %dma_start3A_461] : memref<32x250x2x80xi32, #tpu.memory_space<hbm>> -> memref<1x1x2x80xi32, #tpu.memory_space<hbm>>
      %dma_start3A_463 = tpu.memref_squeeze %dma_start3A_462 : memref<1x1x2x80xi32, #tpu.memory_space<hbm>> -> memref<2x80xi32, #tpu.memory_space<hbm>>
      %dma_start3A_464 = arith.constant 0 : i32
      %dma_start3A_465 = arith.constant 0 : i32
      %dma_start3A_466 = tpu.memref_slice %arg3[%add3A, %add3A_459, %dma_start3A_464, %dma_start3A_465] : memref<32x250x2x80xi32, #tpu.memory_space<hbm>> -> memref<1x1x2x80xi32, #tpu.memory_space<hbm>>
      %dma_start3A_467 = tpu.memref_squeeze %dma_start3A_466 : memref<1x1x2x80xi32, #tpu.memory_space<hbm>> -> memref<2x80xi32, #tpu.memory_space<hbm>>
      tpu.enqueue_dma source(%dma_start3A_467 : memref<2x80xi32, #tpu.memory_space<hbm>>) target(%arg9 : memref<2x80xi32, #tpu.memory_space<vmem>>) target_semaphore(%arg15 : memref<!tpu.dma_semaphore, #tpu.memory_space<semaphore_mem>>)
      %dma_wait3A_468 = arith.constant 0 : i32
      %dma_wait3A_469 = arith.constant 0 : i32
      %dma_wait3A_470 = tpu.memref_slice %arg7[%dma_wait3A_468, %dma_wait3A_469] : memref<2x80xi32, #tpu.memory_space<vmem>> -> memref<1x80xi32, #tpu.memory_space<vmem>>
      %dma_wait3A_471 = tpu.memref_squeeze %dma_wait3A_470 : memref<1x80xi32, #tpu.memory_space<vmem>> -> memref<80xi32, #tpu.memory_space<vmem>>
      %dma_wait3A_472 = arith.constant 0 : i32
      %dma_wait3A_473 = arith.constant 0 : i32
      %dma_wait3A_474 = tpu.memref_slice %arg2[%dma_wait3A_472, %dma_wait3A_473] : memref<20000x128xf32, #tpu.memory_space<hbm>> -> memref<20000x128xf32, #tpu.memory_space<hbm>>
      tpu.wait_indirect_dma semaphore(%arg16 : memref<!tpu.dma_semaphore, #tpu.memory_space<semaphore_mem>>) src(%dma_wait3A_474 : memref<20000x128xf32, #tpu.memory_space<hbm>>) dst(%arg10 : memref<80x128xf32, #tpu.memory_space<vmem>>)
      %dma_start3A_475 = arith.constant 1 : i32
      %dma_start3A_476 = arith.constant 0 : i32
      %dma_start3A_477 = tpu.memref_slice %arg7[%dma_start3A_475, %dma_start3A_476] : memref<2x80xi32, #tpu.memory_space<vmem>> -> memref<1x80xi32, #tpu.memory_space<vmem>>
      %dma_start3A_478 = tpu.memref_squeeze %dma_start3A_477 : memref<1x80xi32, #tpu.memory_space<vmem>> -> memref<80xi32, #tpu.memory_space<vmem>>
      %dma_start3A_479 = arith.constant 0 : i32
      %dma_start3A_480 = arith.constant 0 : i32
      %dma_start3A_481 = tpu.memref_slice %arg6[%dma_start3A_479, %dma_start3A_480] : memref<10000x128xf32, #tpu.memory_space<vmem_shared>> -> memref<10000x128xf32, #tpu.memory_space<vmem_shared>>
      tpu.enqueue_indirect_dma source(%arg10 : memref<80x128xf32, #tpu.memory_space<vmem>>) target(%dma_start3A_481 : memref<10000x128xf32, #tpu.memory_space<vmem_shared>>) offsets(%dma_start3A_478 : memref<80xi32, #tpu.memory_space<vmem>>) semaphore(%arg19 : memref<!tpu.dma_semaphore, #tpu.memory_space<semaphore_mem>>) {add = true}
      %add3A_482 = arith.constant 2 : i32
      %add3A_483 = arith.addi %add3A_450, %add3A_482 : i32
      %dma_wait3A_484 = arith.constant 0 : i32
      %dma_wait3A_485 = arith.constant 0 : i32
      %dma_wait3A_486 = tpu.memref_slice %arg3[%add3A, %add3A_483, %dma_wait3A_484, %dma_wait3A_485] : memref<32x250x2x80xi32, #tpu.memory_space<hbm>> -> memref<1x1x2x80xi32, #tpu.memory_space<hbm>>
      %dma_wait3A_487 = tpu.memref_squeeze %dma_wait3A_486 : memref<1x1x2x80xi32, #tpu.memory_space<hbm>> -> memref<2x80xi32, #tpu.memory_space<hbm>>
      %dma_wait3A_488 = arith.constant 0 : i32
      %dma_wait3A_489 = arith.constant 0 : i32
      %dma_wait3A_490 = tpu.memref_slice %arg3[%add3A, %add3A_483, %dma_wait3A_488, %dma_wait3A_489] : memref<32x250x2x80xi32, #tpu.memory_space<hbm>> -> memref<1x1x2x80xi32, #tpu.memory_space<hbm>>
      %dma_wait3A_491 = tpu.memref_squeeze %dma_wait3A_490 : memref<1x1x2x80xi32, #tpu.memory_space<hbm>> -> memref<2x80xi32, #tpu.memory_space<hbm>>
      tpu.wait_dma2 semaphore(%arg15 : memref<!tpu.dma_semaphore, #tpu.memory_space<semaphore_mem>>) src(%dma_wait3A_491 : memref<2x80xi32, #tpu.memory_space<hbm>>) dst(%arg9 : memref<2x80xi32, #tpu.memory_space<vmem>>)
      %dma_start3A_492 = arith.constant 0 : i32
      %dma_start3A_493 = arith.constant 0 : i32
      %dma_start3A_494 = tpu.memref_slice %arg9[%dma_start3A_492, %dma_start3A_493] : memref<2x80xi32, #tpu.memory_space<vmem>> -> memref<1x80xi32, #tpu.memory_space<vmem>>
      %dma_start3A_495 = tpu.memref_squeeze %dma_start3A_494 : memref<1x80xi32, #tpu.memory_space<vmem>> -> memref<80xi32, #tpu.memory_space<vmem>>
      %dma_start3A_496 = arith.constant 0 : i32
      %dma_start3A_497 = arith.constant 0 : i32
      %dma_start3A_498 = tpu.memref_slice %arg2[%dma_start3A_496, %dma_start3A_497] : memref<20000x128xf32, #tpu.memory_space<hbm>> -> memref<20000x128xf32, #tpu.memory_space<hbm>>
      tpu.enqueue_indirect_dma source(%dma_start3A_498 : memref<20000x128xf32, #tpu.memory_space<hbm>>) target(%arg12 : memref<80x128xf32, #tpu.memory_space<vmem>>) offsets(%dma_start3A_495 : memref<80xi32, #tpu.memory_space<vmem>>) semaphore(%arg18 : memref<!tpu.dma_semaphore, #tpu.memory_space<semaphore_mem>>)
    }
    %scan3A_95 = arith.constant 81 : i32
    %dma_wait3A_96 = arith.constant 1 : i32
    %dma_wait3A_97 = arith.constant 0 : i32
    %dma_wait3A_98 = tpu.memref_slice %arg7[%dma_wait3A_96, %dma_wait3A_97] : memref<2x80xi32, #tpu.memory_space<vmem>> -> memref<1x80xi32, #tpu.memory_space<vmem>>
    %dma_wait3A_99 = tpu.memref_squeeze %dma_wait3A_98 : memref<1x80xi32, #tpu.memory_space<vmem>> -> memref<80xi32, #tpu.memory_space<vmem>>
    %dma_wait3A_100 = arith.constant 0 : i32
    %dma_wait3A_101 = arith.constant 0 : i32
    %dma_wait3A_102 = tpu.memref_slice %arg6[%dma_wait3A_100, %dma_wait3A_101] : memref<10000x128xf32, #tpu.memory_space<vmem_shared>> -> memref<10000x128xf32, #tpu.memory_space<vmem_shared>>
    tpu.wait_indirect_dma semaphore(%arg19 : memref<!tpu.dma_semaphore, #tpu.memory_space<semaphore_mem>>) src(%arg10 : memref<80x128xf32, #tpu.memory_space<vmem>>) dst(%dma_wait3A_102 : memref<10000x128xf32, #tpu.memory_space<vmem_shared>>)
    %dma_start3A_103 = arith.constant 246 : i32
    %dma_start3A_104 = arith.constant 0 : i32
    %dma_start3A_105 = arith.constant 0 : i32
    %dma_start3A_106 = tpu.memref_slice %arg3[%add3A, %dma_start3A_103, %dma_start3A_104, %dma_start3A_105] : memref<32x250x2x80xi32, #tpu.memory_space<hbm>> -> memref<1x1x2x80xi32, #tpu.memory_space<hbm>>
    %dma_start3A_107 = tpu.memref_squeeze %dma_start3A_106 : memref<1x1x2x80xi32, #tpu.memory_space<hbm>> -> memref<2x80xi32, #tpu.memory_space<hbm>>
    %dma_start3A_108 = arith.constant 0 : i32
    %dma_start3A_109 = arith.constant 0 : i32
    %dma_start3A_110 = tpu.memref_slice %arg3[%add3A, %dma_start3A_103, %dma_start3A_108, %dma_start3A_109] : memref<32x250x2x80xi32, #tpu.memory_space<hbm>> -> memref<1x1x2x80xi32, #tpu.memory_space<hbm>>
    %dma_start3A_111 = tpu.memref_squeeze %dma_start3A_110 : memref<1x1x2x80xi32, #tpu.memory_space<hbm>> -> memref<2x80xi32, #tpu.memory_space<hbm>>
    tpu.enqueue_dma source(%dma_start3A_111 : memref<2x80xi32, #tpu.memory_space<hbm>>) target(%arg7 : memref<2x80xi32, #tpu.memory_space<vmem>>) target_semaphore(%arg13 : memref<!tpu.dma_semaphore, #tpu.memory_space<semaphore_mem>>)
    %dma_wait3A_112 = arith.constant 0 : i32
    %dma_wait3A_113 = arith.constant 0 : i32
    %dma_wait3A_114 = tpu.memref_slice %arg8[%dma_wait3A_112, %dma_wait3A_113] : memref<2x80xi32, #tpu.memory_space<vmem>> -> memref<1x80xi32, #tpu.memory_space<vmem>>
    %dma_wait3A_115 = tpu.memref_squeeze %dma_wait3A_114 : memref<1x80xi32, #tpu.memory_space<vmem>> -> memref<80xi32, #tpu.memory_space<vmem>>
    %dma_wait3A_116 = arith.constant 0 : i32
    %dma_wait3A_117 = arith.constant 0 : i32
    %dma_wait3A_118 = tpu.memref_slice %arg2[%dma_wait3A_116, %dma_wait3A_117] : memref<20000x128xf32, #tpu.memory_space<hbm>> -> memref<20000x128xf32, #tpu.memory_space<hbm>>
    tpu.wait_indirect_dma semaphore(%arg17 : memref<!tpu.dma_semaphore, #tpu.memory_space<semaphore_mem>>) src(%dma_wait3A_118 : memref<20000x128xf32, #tpu.memory_space<hbm>>) dst(%arg11 : memref<80x128xf32, #tpu.memory_space<vmem>>)
    %dma_start3A_119 = arith.constant 1 : i32
    %dma_start3A_120 = arith.constant 0 : i32
    %dma_start3A_121 = tpu.memref_slice %arg8[%dma_start3A_119, %dma_start3A_120] : memref<2x80xi32, #tpu.memory_space<vmem>> -> memref<1x80xi32, #tpu.memory_space<vmem>>
    %dma_start3A_122 = tpu.memref_squeeze %dma_start3A_121 : memref<1x80xi32, #tpu.memory_space<vmem>> -> memref<80xi32, #tpu.memory_space<vmem>>
    %dma_start3A_123 = arith.constant 0 : i32
    %dma_start3A_124 = arith.constant 0 : i32
    %dma_start3A_125 = tpu.memref_slice %arg6[%dma_start3A_123, %dma_start3A_124] : memref<10000x128xf32, #tpu.memory_space<vmem_shared>> -> memref<10000x128xf32, #tpu.memory_space<vmem_shared>>
    tpu.enqueue_indirect_dma source(%arg11 : memref<80x128xf32, #tpu.memory_space<vmem>>) target(%dma_start3A_125 : memref<10000x128xf32, #tpu.memory_space<vmem_shared>>) offsets(%dma_start3A_122 : memref<80xi32, #tpu.memory_space<vmem>>) semaphore(%arg20 : memref<!tpu.dma_semaphore, #tpu.memory_space<semaphore_mem>>) {add = true}
    %dma_wait3A_126 = arith.constant 246 : i32
    %dma_wait3A_127 = arith.constant 0 : i32
    %dma_wait3A_128 = arith.constant 0 : i32
    %dma_wait3A_129 = tpu.memref_slice %arg3[%add3A, %dma_wait3A_126, %dma_wait3A_127, %dma_wait3A_128] : memref<32x250x2x80xi32, #tpu.memory_space<hbm>> -> memref<1x1x2x80xi32, #tpu.memory_space<hbm>>
    %dma_wait3A_130 = tpu.memref_squeeze %dma_wait3A_129 : memref<1x1x2x80xi32, #tpu.memory_space<hbm>> -> memref<2x80xi32, #tpu.memory_space<hbm>>
    %dma_wait3A_131 = arith.constant 0 : i32
    %dma_wait3A_132 = arith.constant 0 : i32
    %dma_wait3A_133 = tpu.memref_slice %arg3[%add3A, %dma_wait3A_126, %dma_wait3A_131, %dma_wait3A_132] : memref<32x250x2x80xi32, #tpu.memory_space<hbm>> -> memref<1x1x2x80xi32, #tpu.memory_space<hbm>>
    %dma_wait3A_134 = tpu.memref_squeeze %dma_wait3A_133 : memref<1x1x2x80xi32, #tpu.memory_space<hbm>> -> memref<2x80xi32, #tpu.memory_space<hbm>>
    tpu.wait_dma2 semaphore(%arg13 : memref<!tpu.dma_semaphore, #tpu.memory_space<semaphore_mem>>) src(%dma_wait3A_134 : memref<2x80xi32, #tpu.memory_space<hbm>>) dst(%arg7 : memref<2x80xi32, #tpu.memory_space<vmem>>)
    %dma_start3A_135 = arith.constant 0 : i32
    %dma_start3A_136 = arith.constant 0 : i32
    %dma_start3A_137 = tpu.memref_slice %arg7[%dma_start3A_135, %dma_start3A_136] : memref<2x80xi32, #tpu.memory_space<vmem>> -> memref<1x80xi32, #tpu.memory_space<vmem>>
    %dma_start3A_138 = tpu.memref_squeeze %dma_start3A_137 : memref<1x80xi32, #tpu.memory_space<vmem>> -> memref<80xi32, #tpu.memory_space<vmem>>
    %dma_start3A_139 = arith.constant 0 : i32
    %dma_start3A_140 = arith.constant 0 : i32
    %dma_start3A_141 = tpu.memref_slice %arg2[%dma_start3A_139, %dma_start3A_140] : memref<20000x128xf32, #tpu.memory_space<hbm>> -> memref<20000x128xf32, #tpu.memory_space<hbm>>
    tpu.enqueue_indirect_dma source(%dma_start3A_141 : memref<20000x128xf32, #tpu.memory_space<hbm>>) target(%arg10 : memref<80x128xf32, #tpu.memory_space<vmem>>) offsets(%dma_start3A_138 : memref<80xi32, #tpu.memory_space<vmem>>) semaphore(%arg16 : memref<!tpu.dma_semaphore, #tpu.memory_space<semaphore_mem>>)
    %dma_wait3A_142 = arith.constant 1 : i32
    %dma_wait3A_143 = arith.constant 0 : i32
    %dma_wait3A_144 = tpu.memref_slice %arg8[%dma_wait3A_142, %dma_wait3A_143] : memref<2x80xi32, #tpu.memory_space<vmem>> -> memref<1x80xi32, #tpu.memory_space<vmem>>
    %dma_wait3A_145 = tpu.memref_squeeze %dma_wait3A_144 : memref<1x80xi32, #tpu.memory_space<vmem>> -> memref<80xi32, #tpu.memory_space<vmem>>
    %dma_wait3A_146 = arith.constant 0 : i32
    %dma_wait3A_147 = arith.constant 0 : i32
    %dma_wait3A_148 = tpu.memref_slice %arg6[%dma_wait3A_146, %dma_wait3A_147] : memref<10000x128xf32, #tpu.memory_space<vmem_shared>> -> memref<10000x128xf32, #tpu.memory_space<vmem_shared>>
    tpu.wait_indirect_dma semaphore(%arg20 : memref<!tpu.dma_semaphore, #tpu.memory_space<semaphore_mem>>) src(%arg11 : memref<80x128xf32, #tpu.memory_space<vmem>>) dst(%dma_wait3A_148 : memref<10000x128xf32, #tpu.memory_space<vmem_shared>>)
    %dma_start3A_149 = arith.constant 247 : i32
    %dma_start3A_150 = arith.constant 0 : i32
    %dma_start3A_151 = arith.constant 0 : i32
    %dma_start3A_152 = tpu.memref_slice %arg3[%add3A, %dma_start3A_149, %dma_start3A_150, %dma_start3A_151] : memref<32x250x2x80xi32, #tpu.memory_space<hbm>> -> memref<1x1x2x80xi32, #tpu.memory_space<hbm>>
    %dma_start3A_153 = tpu.memref_squeeze %dma_start3A_152 : memref<1x1x2x80xi32, #tpu.memory_space<hbm>> -> memref<2x80xi32, #tpu.memory_space<hbm>>
    %dma_start3A_154 = arith.constant 0 : i32
    %dma_start3A_155 = arith.constant 0 : i32
    %dma_start3A_156 = tpu.memref_slice %arg3[%add3A, %dma_start3A_149, %dma_start3A_154, %dma_start3A_155] : memref<32x250x2x80xi32, #tpu.memory_space<hbm>> -> memref<1x1x2x80xi32, #tpu.memory_space<hbm>>
    %dma_start3A_157 = tpu.memref_squeeze %dma_start3A_156 : memref<1x1x2x80xi32, #tpu.memory_space<hbm>> -> memref<2x80xi32, #tpu.memory_space<hbm>>
    tpu.enqueue_dma source(%dma_start3A_157 : memref<2x80xi32, #tpu.memory_space<hbm>>) target(%arg8 : memref<2x80xi32, #tpu.memory_space<vmem>>) target_semaphore(%arg14 : memref<!tpu.dma_semaphore, #tpu.memory_space<semaphore_mem>>)
    %dma_wait3A_158 = arith.constant 0 : i32
    %dma_wait3A_159 = arith.constant 0 : i32
    %dma_wait3A_160 = tpu.memref_slice %arg9[%dma_wait3A_158, %dma_wait3A_159] : memref<2x80xi32, #tpu.memory_space<vmem>> -> memref<1x80xi32, #tpu.memory_space<vmem>>
    %dma_wait3A_161 = tpu.memref_squeeze %dma_wait3A_160 : memref<1x80xi32, #tpu.memory_space<vmem>> -> memref<80xi32, #tpu.memory_space<vmem>>
    %dma_wait3A_162 = arith.constant 0 : i32
    %dma_wait3A_163 = arith.constant 0 : i32
    %dma_wait3A_164 = tpu.memref_slice %arg2[%dma_wait3A_162, %dma_wait3A_163] : memref<20000x128xf32, #tpu.memory_space<hbm>> -> memref<20000x128xf32, #tpu.memory_space<hbm>>
    tpu.wait_indirect_dma semaphore(%arg18 : memref<!tpu.dma_semaphore, #tpu.memory_space<semaphore_mem>>) src(%dma_wait3A_164 : memref<20000x128xf32, #tpu.memory_space<hbm>>) dst(%arg12 : memref<80x128xf32, #tpu.memory_space<vmem>>)
    %dma_start3A_165 = arith.constant 1 : i32
    %dma_start3A_166 = arith.constant 0 : i32
    %dma_start3A_167 = tpu.memref_slice %arg9[%dma_start3A_165, %dma_start3A_166] : memref<2x80xi32, #tpu.memory_space<vmem>> -> memref<1x80xi32, #tpu.memory_space<vmem>>
    %dma_start3A_168 = tpu.memref_squeeze %dma_start3A_167 : memref<1x80xi32, #tpu.memory_space<vmem>> -> memref<80xi32, #tpu.memory_space<vmem>>
    %dma_start3A_169 = arith.constant 0 : i32
    %dma_start3A_170 = arith.constant 0 : i32
    %dma_start3A_171 = tpu.memref_slice %arg6[%dma_start3A_169, %dma_start3A_170] : memref<10000x128xf32, #tpu.memory_space<vmem_shared>> -> memref<10000x128xf32, #tpu.memory_space<vmem_shared>>
    tpu.enqueue_indirect_dma source(%arg12 : memref<80x128xf32, #tpu.memory_space<vmem>>) target(%dma_start3A_171 : memref<10000x128xf32, #tpu.memory_space<vmem_shared>>) offsets(%dma_start3A_168 : memref<80xi32, #tpu.memory_space<vmem>>) semaphore(%arg21 : memref<!tpu.dma_semaphore, #tpu.memory_space<semaphore_mem>>) {add = true}
    %dma_wait3A_172 = arith.constant 247 : i32
    %dma_wait3A_173 = arith.constant 0 : i32
    %dma_wait3A_174 = arith.constant 0 : i32
    %dma_wait3A_175 = tpu.memref_slice %arg3[%add3A, %dma_wait3A_172, %dma_wait3A_173, %dma_wait3A_174] : memref<32x250x2x80xi32, #tpu.memory_space<hbm>> -> memref<1x1x2x80xi32, #tpu.memory_space<hbm>>
    %dma_wait3A_176 = tpu.memref_squeeze %dma_wait3A_175 : memref<1x1x2x80xi32, #tpu.memory_space<hbm>> -> memref<2x80xi32, #tpu.memory_space<hbm>>
    %dma_wait3A_177 = arith.constant 0 : i32
    %dma_wait3A_178 = arith.constant 0 : i32
    %dma_wait3A_179 = tpu.memref_slice %arg3[%add3A, %dma_wait3A_172, %dma_wait3A_177, %dma_wait3A_178] : memref<32x250x2x80xi32, #tpu.memory_space<hbm>> -> memref<1x1x2x80xi32, #tpu.memory_space<hbm>>
    %dma_wait3A_180 = tpu.memref_squeeze %dma_wait3A_179 : memref<1x1x2x80xi32, #tpu.memory_space<hbm>> -> memref<2x80xi32, #tpu.memory_space<hbm>>
    tpu.wait_dma2 semaphore(%arg14 : memref<!tpu.dma_semaphore, #tpu.memory_space<semaphore_mem>>) src(%dma_wait3A_180 : memref<2x80xi32, #tpu.memory_space<hbm>>) dst(%arg8 : memref<2x80xi32, #tpu.memory_space<vmem>>)
    %dma_start3A_181 = arith.constant 0 : i32
    %dma_start3A_182 = arith.constant 0 : i32
    %dma_start3A_183 = tpu.memref_slice %arg8[%dma_start3A_181, %dma_start3A_182] : memref<2x80xi32, #tpu.memory_space<vmem>> -> memref<1x80xi32, #tpu.memory_space<vmem>>
    %dma_start3A_184 = tpu.memref_squeeze %dma_start3A_183 : memref<1x80xi32, #tpu.memory_space<vmem>> -> memref<80xi32, #tpu.memory_space<vmem>>
    %dma_start3A_185 = arith.constant 0 : i32
    %dma_start3A_186 = arith.constant 0 : i32
    %dma_start3A_187 = tpu.memref_slice %arg2[%dma_start3A_185, %dma_start3A_186] : memref<20000x128xf32, #tpu.memory_space<hbm>> -> memref<20000x128xf32, #tpu.memory_space<hbm>>
    tpu.enqueue_indirect_dma source(%dma_start3A_187 : memref<20000x128xf32, #tpu.memory_space<hbm>>) target(%arg11 : memref<80x128xf32, #tpu.memory_space<vmem>>) offsets(%dma_start3A_184 : memref<80xi32, #tpu.memory_space<vmem>>) semaphore(%arg17 : memref<!tpu.dma_semaphore, #tpu.memory_space<semaphore_mem>>)
    %dma_wait3A_188 = arith.constant 1 : i32
    %dma_wait3A_189 = arith.constant 0 : i32
    %dma_wait3A_190 = tpu.memref_slice %arg9[%dma_wait3A_188, %dma_wait3A_189] : memref<2x80xi32, #tpu.memory_space<vmem>> -> memref<1x80xi32, #tpu.memory_space<vmem>>
    %dma_wait3A_191 = tpu.memref_squeeze %dma_wait3A_190 : memref<1x80xi32, #tpu.memory_space<vmem>> -> memref<80xi32, #tpu.memory_space<vmem>>
    %dma_wait3A_192 = arith.constant 0 : i32
    %dma_wait3A_193 = arith.constant 0 : i32
    %dma_wait3A_194 = tpu.memref_slice %arg6[%dma_wait3A_192, %dma_wait3A_193] : memref<10000x128xf32, #tpu.memory_space<vmem_shared>> -> memref<10000x128xf32, #tpu.memory_space<vmem_shared>>
    tpu.wait_indirect_dma semaphore(%arg21 : memref<!tpu.dma_semaphore, #tpu.memory_space<semaphore_mem>>) src(%arg12 : memref<80x128xf32, #tpu.memory_space<vmem>>) dst(%dma_wait3A_194 : memref<10000x128xf32, #tpu.memory_space<vmem_shared>>)
    %dma_start3A_195 = arith.constant 248 : i32
    %dma_start3A_196 = arith.constant 0 : i32
    %dma_start3A_197 = arith.constant 0 : i32
    %dma_start3A_198 = tpu.memref_slice %arg3[%add3A, %dma_start3A_195, %dma_start3A_196, %dma_start3A_197] : memref<32x250x2x80xi32, #tpu.memory_space<hbm>> -> memref<1x1x2x80xi32, #tpu.memory_space<hbm>>
    %dma_start3A_199 = tpu.memref_squeeze %dma_start3A_198 : memref<1x1x2x80xi32, #tpu.memory_space<hbm>> -> memref<2x80xi32, #tpu.memory_space<hbm>>
    %dma_start3A_200 = arith.constant 0 : i32
    %dma_start3A_201 = arith.constant 0 : i32
    %dma_start3A_202 = tpu.memref_slice %arg3[%add3A, %dma_start3A_195, %dma_start3A_200, %dma_start3A_201] : memref<32x250x2x80xi32, #tpu.memory_space<hbm>> -> memref<1x1x2x80xi32, #tpu.memory_space<hbm>>
    %dma_start3A_203 = tpu.memref_squeeze %dma_start3A_202 : memref<1x1x2x80xi32, #tpu.memory_space<hbm>> -> memref<2x80xi32, #tpu.memory_space<hbm>>
    tpu.enqueue_dma source(%dma_start3A_203 : memref<2x80xi32, #tpu.memory_space<hbm>>) target(%arg9 : memref<2x80xi32, #tpu.memory_space<vmem>>) target_semaphore(%arg15 : memref<!tpu.dma_semaphore, #tpu.memory_space<semaphore_mem>>)
    %dma_wait3A_204 = arith.constant 0 : i32
    %dma_wait3A_205 = arith.constant 0 : i32
    %dma_wait3A_206 = tpu.memref_slice %arg7[%dma_wait3A_204, %dma_wait3A_205] : memref<2x80xi32, #tpu.memory_space<vmem>> -> memref<1x80xi32, #tpu.memory_space<vmem>>
    %dma_wait3A_207 = tpu.memref_squeeze %dma_wait3A_206 : memref<1x80xi32, #tpu.memory_space<vmem>> -> memref<80xi32, #tpu.memory_space<vmem>>
    %dma_wait3A_208 = arith.constant 0 : i32
    %dma_wait3A_209 = arith.constant 0 : i32
    %dma_wait3A_210 = tpu.memref_slice %arg2[%dma_wait3A_208, %dma_wait3A_209] : memref<20000x128xf32, #tpu.memory_space<hbm>> -> memref<20000x128xf32, #tpu.memory_space<hbm>>
    tpu.wait_indirect_dma semaphore(%arg16 : memref<!tpu.dma_semaphore, #tpu.memory_space<semaphore_mem>>) src(%dma_wait3A_210 : memref<20000x128xf32, #tpu.memory_space<hbm>>) dst(%arg10 : memref<80x128xf32, #tpu.memory_space<vmem>>)
    %dma_start3A_211 = arith.constant 1 : i32
    %dma_start3A_212 = arith.constant 0 : i32
    %dma_start3A_213 = tpu.memref_slice %arg7[%dma_start3A_211, %dma_start3A_212] : memref<2x80xi32, #tpu.memory_space<vmem>> -> memref<1x80xi32, #tpu.memory_space<vmem>>
    %dma_start3A_214 = tpu.memref_squeeze %dma_start3A_213 : memref<1x80xi32, #tpu.memory_space<vmem>> -> memref<80xi32, #tpu.memory_space<vmem>>
    %dma_start3A_215 = arith.constant 0 : i32
    %dma_start3A_216 = arith.constant 0 : i32
    %dma_start3A_217 = tpu.memref_slice %arg6[%dma_start3A_215, %dma_start3A_216] : memref<10000x128xf32, #tpu.memory_space<vmem_shared>> -> memref<10000x128xf32, #tpu.memory_space<vmem_shared>>
    tpu.enqueue_indirect_dma source(%arg10 : memref<80x128xf32, #tpu.memory_space<vmem>>) target(%dma_start3A_217 : memref<10000x128xf32, #tpu.memory_space<vmem_shared>>) offsets(%dma_start3A_214 : memref<80xi32, #tpu.memory_space<vmem>>) semaphore(%arg19 : memref<!tpu.dma_semaphore, #tpu.memory_space<semaphore_mem>>) {add = true}
    %dma_wait3A_218 = arith.constant 248 : i32
    %dma_wait3A_219 = arith.constant 0 : i32
    %dma_wait3A_220 = arith.constant 0 : i32
    %dma_wait3A_221 = tpu.memref_slice %arg3[%add3A, %dma_wait3A_218, %dma_wait3A_219, %dma_wait3A_220] : memref<32x250x2x80xi32, #tpu.memory_space<hbm>> -> memref<1x1x2x80xi32, #tpu.memory_space<hbm>>
    %dma_wait3A_222 = tpu.memref_squeeze %dma_wait3A_221 : memref<1x1x2x80xi32, #tpu.memory_space<hbm>> -> memref<2x80xi32, #tpu.memory_space<hbm>>
    %dma_wait3A_223 = arith.constant 0 : i32
    %dma_wait3A_224 = arith.constant 0 : i32
    %dma_wait3A_225 = tpu.memref_slice %arg3[%add3A, %dma_wait3A_218, %dma_wait3A_223, %dma_wait3A_224] : memref<32x250x2x80xi32, #tpu.memory_space<hbm>> -> memref<1x1x2x80xi32, #tpu.memory_space<hbm>>
    %dma_wait3A_226 = tpu.memref_squeeze %dma_wait3A_225 : memref<1x1x2x80xi32, #tpu.memory_space<hbm>> -> memref<2x80xi32, #tpu.memory_space<hbm>>
    tpu.wait_dma2 semaphore(%arg15 : memref<!tpu.dma_semaphore, #tpu.memory_space<semaphore_mem>>) src(%dma_wait3A_226 : memref<2x80xi32, #tpu.memory_space<hbm>>) dst(%arg9 : memref<2x80xi32, #tpu.memory_space<vmem>>)
    %dma_start3A_227 = arith.constant 0 : i32
    %dma_start3A_228 = arith.constant 0 : i32
    %dma_start3A_229 = tpu.memref_slice %arg9[%dma_start3A_227, %dma_start3A_228] : memref<2x80xi32, #tpu.memory_space<vmem>> -> memref<1x80xi32, #tpu.memory_space<vmem>>
    %dma_start3A_230 = tpu.memref_squeeze %dma_start3A_229 : memref<1x80xi32, #tpu.memory_space<vmem>> -> memref<80xi32, #tpu.memory_space<vmem>>
    %dma_start3A_231 = arith.constant 0 : i32
    %dma_start3A_232 = arith.constant 0 : i32
    %dma_start3A_233 = tpu.memref_slice %arg2[%dma_start3A_231, %dma_start3A_232] : memref<20000x128xf32, #tpu.memory_space<hbm>> -> memref<20000x128xf32, #tpu.memory_space<hbm>>
    tpu.enqueue_indirect_dma source(%dma_start3A_233 : memref<20000x128xf32, #tpu.memory_space<hbm>>) target(%arg12 : memref<80x128xf32, #tpu.memory_space<vmem>>) offsets(%dma_start3A_230 : memref<80xi32, #tpu.memory_space<vmem>>) semaphore(%arg18 : memref<!tpu.dma_semaphore, #tpu.memory_space<semaphore_mem>>)
    %dma_wait3A_234 = arith.constant 1 : i32
    %dma_wait3A_235 = arith.constant 0 : i32
    %dma_wait3A_236 = tpu.memref_slice %arg7[%dma_wait3A_234, %dma_wait3A_235] : memref<2x80xi32, #tpu.memory_space<vmem>> -> memref<1x80xi32, #tpu.memory_space<vmem>>
    %dma_wait3A_237 = tpu.memref_squeeze %dma_wait3A_236 : memref<1x80xi32, #tpu.memory_space<vmem>> -> memref<80xi32, #tpu.memory_space<vmem>>
    %dma_wait3A_238 = arith.constant 0 : i32
    %dma_wait3A_239 = arith.constant 0 : i32
    %dma_wait3A_240 = tpu.memref_slice %arg6[%dma_wait3A_238, %dma_wait3A_239] : memref<10000x128xf32, #tpu.memory_space<vmem_shared>> -> memref<10000x128xf32, #tpu.memory_space<vmem_shared>>
    tpu.wait_indirect_dma semaphore(%arg19 : memref<!tpu.dma_semaphore, #tpu.memory_space<semaphore_mem>>) src(%arg10 : memref<80x128xf32, #tpu.memory_space<vmem>>) dst(%dma_wait3A_240 : memref<10000x128xf32, #tpu.memory_space<vmem_shared>>)
    %dma_start3A_241 = arith.constant 249 : i32
    %dma_start3A_242 = arith.constant 0 : i32
    %dma_start3A_243 = arith.constant 0 : i32
    %dma_start3A_244 = tpu.memref_slice %arg3[%add3A, %dma_start3A_241, %dma_start3A_242, %dma_start3A_243] : memref<32x250x2x80xi32, #tpu.memory_space<hbm>> -> memref<1x1x2x80xi32, #tpu.memory_space<hbm>>
    %dma_start3A_245 = tpu.memref_squeeze %dma_start3A_244 : memref<1x1x2x80xi32, #tpu.memory_space<hbm>> -> memref<2x80xi32, #tpu.memory_space<hbm>>
    %dma_start3A_246 = arith.constant 0 : i32
    %dma_start3A_247 = arith.constant 0 : i32
    %dma_start3A_248 = tpu.memref_slice %arg3[%add3A, %dma_start3A_241, %dma_start3A_246, %dma_start3A_247] : memref<32x250x2x80xi32, #tpu.memory_space<hbm>> -> memref<1x1x2x80xi32, #tpu.memory_space<hbm>>
    %dma_start3A_249 = tpu.memref_squeeze %dma_start3A_248 : memref<1x1x2x80xi32, #tpu.memory_space<hbm>> -> memref<2x80xi32, #tpu.memory_space<hbm>>
    tpu.enqueue_dma source(%dma_start3A_249 : memref<2x80xi32, #tpu.memory_space<hbm>>) target(%arg7 : memref<2x80xi32, #tpu.memory_space<vmem>>) target_semaphore(%arg13 : memref<!tpu.dma_semaphore, #tpu.memory_space<semaphore_mem>>)
    %dma_wait3A_250 = arith.constant 0 : i32
    %dma_wait3A_251 = arith.constant 0 : i32
    %dma_wait3A_252 = tpu.memref_slice %arg8[%dma_wait3A_250, %dma_wait3A_251] : memref<2x80xi32, #tpu.memory_space<vmem>> -> memref<1x80xi32, #tpu.memory_space<vmem>>
    %dma_wait3A_253 = tpu.memref_squeeze %dma_wait3A_252 : memref<1x80xi32, #tpu.memory_space<vmem>> -> memref<80xi32, #tpu.memory_space<vmem>>
    %dma_wait3A_254 = arith.constant 0 : i32
    %dma_wait3A_255 = arith.constant 0 : i32
    %dma_wait3A_256 = tpu.memref_slice %arg2[%dma_wait3A_254, %dma_wait3A_255] : memref<20000x128xf32, #tpu.memory_space<hbm>> -> memref<20000x128xf32, #tpu.memory_space<hbm>>
    tpu.wait_indirect_dma semaphore(%arg17 : memref<!tpu.dma_semaphore, #tpu.memory_space<semaphore_mem>>) src(%dma_wait3A_256 : memref<20000x128xf32, #tpu.memory_space<hbm>>) dst(%arg11 : memref<80x128xf32, #tpu.memory_space<vmem>>)
    %dma_start3A_257 = arith.constant 1 : i32
    %dma_start3A_258 = arith.constant 0 : i32
    %dma_start3A_259 = tpu.memref_slice %arg8[%dma_start3A_257, %dma_start3A_258] : memref<2x80xi32, #tpu.memory_space<vmem>> -> memref<1x80xi32, #tpu.memory_space<vmem>>
    %dma_start3A_260 = tpu.memref_squeeze %dma_start3A_259 : memref<1x80xi32, #tpu.memory_space<vmem>> -> memref<80xi32, #tpu.memory_space<vmem>>
    %dma_start3A_261 = arith.constant 0 : i32
    %dma_start3A_262 = arith.constant 0 : i32
    %dma_start3A_263 = tpu.memref_slice %arg6[%dma_start3A_261, %dma_start3A_262] : memref<10000x128xf32, #tpu.memory_space<vmem_shared>> -> memref<10000x128xf32, #tpu.memory_space<vmem_shared>>
    tpu.enqueue_indirect_dma source(%arg11 : memref<80x128xf32, #tpu.memory_space<vmem>>) target(%dma_start3A_263 : memref<10000x128xf32, #tpu.memory_space<vmem_shared>>) offsets(%dma_start3A_260 : memref<80xi32, #tpu.memory_space<vmem>>) semaphore(%arg20 : memref<!tpu.dma_semaphore, #tpu.memory_space<semaphore_mem>>) {add = true}
    %dma_wait3A_264 = arith.constant 249 : i32
    %dma_wait3A_265 = arith.constant 0 : i32
    %dma_wait3A_266 = arith.constant 0 : i32
    %dma_wait3A_267 = tpu.memref_slice %arg3[%add3A, %dma_wait3A_264, %dma_wait3A_265, %dma_wait3A_266] : memref<32x250x2x80xi32, #tpu.memory_space<hbm>> -> memref<1x1x2x80xi32, #tpu.memory_space<hbm>>
    %dma_wait3A_268 = tpu.memref_squeeze %dma_wait3A_267 : memref<1x1x2x80xi32, #tpu.memory_space<hbm>> -> memref<2x80xi32, #tpu.memory_space<hbm>>
    %dma_wait3A_269 = arith.constant 0 : i32
    %dma_wait3A_270 = arith.constant 0 : i32
    %dma_wait3A_271 = tpu.memref_slice %arg3[%add3A, %dma_wait3A_264, %dma_wait3A_269, %dma_wait3A_270] : memref<32x250x2x80xi32, #tpu.memory_space<hbm>> -> memref<1x1x2x80xi32, #tpu.memory_space<hbm>>
    %dma_wait3A_272 = tpu.memref_squeeze %dma_wait3A_271 : memref<1x1x2x80xi32, #tpu.memory_space<hbm>> -> memref<2x80xi32, #tpu.memory_space<hbm>>
    tpu.wait_dma2 semaphore(%arg13 : memref<!tpu.dma_semaphore, #tpu.memory_space<semaphore_mem>>) src(%dma_wait3A_272 : memref<2x80xi32, #tpu.memory_space<hbm>>) dst(%arg7 : memref<2x80xi32, #tpu.memory_space<vmem>>)
    %dma_start3A_273 = arith.constant 0 : i32
    %dma_start3A_274 = arith.constant 0 : i32
    %dma_start3A_275 = tpu.memref_slice %arg7[%dma_start3A_273, %dma_start3A_274] : memref<2x80xi32, #tpu.memory_space<vmem>> -> memref<1x80xi32, #tpu.memory_space<vmem>>
    %dma_start3A_276 = tpu.memref_squeeze %dma_start3A_275 : memref<1x80xi32, #tpu.memory_space<vmem>> -> memref<80xi32, #tpu.memory_space<vmem>>
    %dma_start3A_277 = arith.constant 0 : i32
    %dma_start3A_278 = arith.constant 0 : i32
    %dma_start3A_279 = tpu.memref_slice %arg2[%dma_start3A_277, %dma_start3A_278] : memref<20000x128xf32, #tpu.memory_space<hbm>> -> memref<20000x128xf32, #tpu.memory_space<hbm>>
    tpu.enqueue_indirect_dma source(%dma_start3A_279 : memref<20000x128xf32, #tpu.memory_space<hbm>>) target(%arg10 : memref<80x128xf32, #tpu.memory_space<vmem>>) offsets(%dma_start3A_276 : memref<80xi32, #tpu.memory_space<vmem>>) semaphore(%arg16 : memref<!tpu.dma_semaphore, #tpu.memory_space<semaphore_mem>>)
    %dma_wait3A_280 = arith.constant 1 : i32
    %dma_wait3A_281 = arith.constant 0 : i32
    %dma_wait3A_282 = tpu.memref_slice %arg8[%dma_wait3A_280, %dma_wait3A_281] : memref<2x80xi32, #tpu.memory_space<vmem>> -> memref<1x80xi32, #tpu.memory_space<vmem>>
    %dma_wait3A_283 = tpu.memref_squeeze %dma_wait3A_282 : memref<1x80xi32, #tpu.memory_space<vmem>> -> memref<80xi32, #tpu.memory_space<vmem>>
    %dma_wait3A_284 = arith.constant 0 : i32
    %dma_wait3A_285 = arith.constant 0 : i32
    %dma_wait3A_286 = tpu.memref_slice %arg6[%dma_wait3A_284, %dma_wait3A_285] : memref<10000x128xf32, #tpu.memory_space<vmem_shared>> -> memref<10000x128xf32, #tpu.memory_space<vmem_shared>>
    tpu.wait_indirect_dma semaphore(%arg20 : memref<!tpu.dma_semaphore, #tpu.memory_space<semaphore_mem>>) src(%arg11 : memref<80x128xf32, #tpu.memory_space<vmem>>) dst(%dma_wait3A_286 : memref<10000x128xf32, #tpu.memory_space<vmem_shared>>)
    %dma_wait3A_287 = arith.constant 0 : i32
    %dma_wait3A_288 = arith.constant 0 : i32
    %dma_wait3A_289 = tpu.memref_slice %arg9[%dma_wait3A_287, %dma_wait3A_288] : memref<2x80xi32, #tpu.memory_space<vmem>> -> memref<1x80xi32, #tpu.memory_space<vmem>>
    %dma_wait3A_290 = tpu.memref_squeeze %dma_wait3A_289 : memref<1x80xi32, #tpu.memory_space<vmem>> -> memref<80xi32, #tpu.memory_space<vmem>>
    %dma_wait3A_291 = arith.constant 0 : i32
    %dma_wait3A_292 = arith.constant 0 : i32
    %dma_wait3A_293 = tpu.memref_slice %arg2[%dma_wait3A_291, %dma_wait3A_292] : memref<20000x128xf32, #tpu.memory_space<hbm>> -> memref<20000x128xf32, #tpu.memory_space<hbm>>
    tpu.wait_indirect_dma semaphore(%arg18 : memref<!tpu.dma_semaphore, #tpu.memory_space<semaphore_mem>>) src(%dma_wait3A_293 : memref<20000x128xf32, #tpu.memory_space<hbm>>) dst(%arg12 : memref<80x128xf32, #tpu.memory_space<vmem>>)
    %dma_start3A_294 = arith.constant 1 : i32
    %dma_start3A_295 = arith.constant 0 : i32
    %dma_start3A_296 = tpu.memref_slice %arg9[%dma_start3A_294, %dma_start3A_295] : memref<2x80xi32, #tpu.memory_space<vmem>> -> memref<1x80xi32, #tpu.memory_space<vmem>>
    %dma_start3A_297 = tpu.memref_squeeze %dma_start3A_296 : memref<1x80xi32, #tpu.memory_space<vmem>> -> memref<80xi32, #tpu.memory_space<vmem>>
    %dma_start3A_298 = arith.constant 0 : i32
    %dma_start3A_299 = arith.constant 0 : i32
    %dma_start3A_300 = tpu.memref_slice %arg6[%dma_start3A_298, %dma_start3A_299] : memref<10000x128xf32, #tpu.memory_space<vmem_shared>> -> memref<10000x128xf32, #tpu.memory_space<vmem_shared>>
    tpu.enqueue_indirect_dma source(%arg12 : memref<80x128xf32, #tpu.memory_space<vmem>>) target(%dma_start3A_300 : memref<10000x128xf32, #tpu.memory_space<vmem_shared>>) offsets(%dma_start3A_297 : memref<80xi32, #tpu.memory_space<vmem>>) semaphore(%arg21 : memref<!tpu.dma_semaphore, #tpu.memory_space<semaphore_mem>>) {add = true}
    %dma_wait3A_301 = arith.constant 1 : i32
    %dma_wait3A_302 = arith.constant 0 : i32
    %dma_wait3A_303 = tpu.memref_slice %arg9[%dma_wait3A_301, %dma_wait3A_302] : memref<2x80xi32, #tpu.memory_space<vmem>> -> memref<1x80xi32, #tpu.memory_space<vmem>>
    %dma_wait3A_304 = tpu.memref_squeeze %dma_wait3A_303 : memref<1x80xi32, #tpu.memory_space<vmem>> -> memref<80xi32, #tpu.memory_space<vmem>>
    %dma_wait3A_305 = arith.constant 0 : i32
    %dma_wait3A_306 = arith.constant 0 : i32
    %dma_wait3A_307 = tpu.memref_slice %arg6[%dma_wait3A_305, %dma_wait3A_306] : memref<10000x128xf32, #tpu.memory_space<vmem_shared>> -> memref<10000x128xf32, #tpu.memory_space<vmem_shared>>
    tpu.wait_indirect_dma semaphore(%arg21 : memref<!tpu.dma_semaphore, #tpu.memory_space<semaphore_mem>>) src(%arg12 : memref<80x128xf32, #tpu.memory_space<vmem>>) dst(%dma_wait3A_307 : memref<10000x128xf32, #tpu.memory_space<vmem_shared>>)
    %dma_wait3A_308 = arith.constant 0 : i32
    %dma_wait3A_309 = arith.constant 0 : i32
    %dma_wait3A_310 = tpu.memref_slice %arg7[%dma_wait3A_308, %dma_wait3A_309] : memref<2x80xi32, #tpu.memory_space<vmem>> -> memref<1x80xi32, #tpu.memory_space<vmem>>
    %dma_wait3A_311 = tpu.memref_squeeze %dma_wait3A_310 : memref<1x80xi32, #tpu.memory_space<vmem>> -> memref<80xi32, #tpu.memory_space<vmem>>
    %dma_wait3A_312 = arith.constant 0 : i32
    %dma_wait3A_313 = arith.constant 0 : i32
    %dma_wait3A_314 = tpu.memref_slice %arg2[%dma_wait3A_312, %dma_wait3A_313] : memref<20000x128xf32, #tpu.memory_space<hbm>> -> memref<20000x128xf32, #tpu.memory_space<hbm>>
    tpu.wait_indirect_dma semaphore(%arg16 : memref<!tpu.dma_semaphore, #tpu.memory_space<semaphore_mem>>) src(%dma_wait3A_314 : memref<20000x128xf32, #tpu.memory_space<hbm>>) dst(%arg10 : memref<80x128xf32, #tpu.memory_space<vmem>>)
    %dma_start3A_315 = arith.constant 1 : i32
    %dma_start3A_316 = arith.constant 0 : i32
    %dma_start3A_317 = tpu.memref_slice %arg7[%dma_start3A_315, %dma_start3A_316] : memref<2x80xi32, #tpu.memory_space<vmem>> -> memref<1x80xi32, #tpu.memory_space<vmem>>
    %dma_start3A_318 = tpu.memref_squeeze %dma_start3A_317 : memref<1x80xi32, #tpu.memory_space<vmem>> -> memref<80xi32, #tpu.memory_space<vmem>>
    %dma_start3A_319 = arith.constant 0 : i32
    %dma_start3A_320 = arith.constant 0 : i32
    %dma_start3A_321 = tpu.memref_slice %arg6[%dma_start3A_319, %dma_start3A_320] : memref<10000x128xf32, #tpu.memory_space<vmem_shared>> -> memref<10000x128xf32, #tpu.memory_space<vmem_shared>>
    tpu.enqueue_indirect_dma source(%arg10 : memref<80x128xf32, #tpu.memory_space<vmem>>) target(%dma_start3A_321 : memref<10000x128xf32, #tpu.memory_space<vmem_shared>>) offsets(%dma_start3A_318 : memref<80xi32, #tpu.memory_space<vmem>>) semaphore(%arg19 : memref<!tpu.dma_semaphore, #tpu.memory_space<semaphore_mem>>) {add = true}
    %dma_wait3A_322 = arith.constant 1 : i32
    %dma_wait3A_323 = arith.constant 0 : i32
    %dma_wait3A_324 = tpu.memref_slice %arg7[%dma_wait3A_322, %dma_wait3A_323] : memref<2x80xi32, #tpu.memory_space<vmem>> -> memref<1x80xi32, #tpu.memory_space<vmem>>
    %dma_wait3A_325 = tpu.memref_squeeze %dma_wait3A_324 : memref<1x80xi32, #tpu.memory_space<vmem>> -> memref<80xi32, #tpu.memory_space<vmem>>
    %dma_wait3A_326 = arith.constant 0 : i32
    %dma_wait3A_327 = arith.constant 0 : i32
    %dma_wait3A_328 = tpu.memref_slice %arg6[%dma_wait3A_326, %dma_wait3A_327] : memref<10000x128xf32, #tpu.memory_space<vmem_shared>> -> memref<10000x128xf32, #tpu.memory_space<vmem_shared>>
    tpu.wait_indirect_dma semaphore(%arg19 : memref<!tpu.dma_semaphore, #tpu.memory_space<semaphore_mem>>) src(%arg10 : memref<80x128xf32, #tpu.memory_space<vmem>>) dst(%dma_wait3A_328 : memref<10000x128xf32, #tpu.memory_space<vmem_shared>>)
    %barrier3A_329 = arith.constant 0 : index
    tpu.barrier barrier_id(%barrier3A_329)
    %mul3A_330 = arith.constant 624 : i32
    %mul3A_331 = arith.muli %arg1, %mul3A_330 : i32
    %mul3A_332 = arith.constant 10000 : i32
    %mul3A_333 = arith.muli %arg0, %mul3A_332 : i32
    %mul3A_334 = arith.constant 624 : i32
    %mul3A_335 = arith.muli %arg1, %mul3A_334 : i32
    %add3A_336 = arith.addi %mul3A_333, %mul3A_335 : i32
    "tpu.region"() ({
      %run_scoped3A = tpu.sem_alloc : memref<!tpu.dma_semaphore, #tpu.memory_space<semaphore_mem>>
      %dma_start3A_342 = arith.constant 0 : i32
      %dma_start3A_343 = tpu.memref_slice %arg5[%add3A_336, %dma_start3A_342] : memref<20000x128xf32, #tpu.memory_space<hbm>> -> memref<624x128xf32, #tpu.memory_space<hbm>>
      %dma_start3A_344 = arith.constant 0 : i32
      %dma_start3A_345 = tpu.memref_slice %arg6[%mul3A_331, %dma_start3A_344] : memref<10000x128xf32, #tpu.memory_space<vmem_shared>> -> memref<624x128xf32, #tpu.memory_space<vmem_shared>>
      tpu.enqueue_dma source(%dma_start3A_345 : memref<624x128xf32, #tpu.memory_space<vmem_shared>>) target(%dma_start3A_343 : memref<624x128xf32, #tpu.memory_space<hbm>>) target_semaphore(%run_scoped3A : memref<!tpu.dma_semaphore, #tpu.memory_space<semaphore_mem>>)
      %dma_wait3A_346 = arith.constant 0 : i32
      %dma_wait3A_347 = tpu.memref_slice %arg5[%add3A_336, %dma_wait3A_346] : memref<20000x128xf32, #tpu.memory_space<hbm>> -> memref<624x128xf32, #tpu.memory_space<hbm>>
      %dma_wait3A_348 = arith.constant 0 : i32
      %dma_wait3A_349 = tpu.memref_slice %arg6[%mul3A_331, %dma_wait3A_348] : memref<10000x128xf32, #tpu.memory_space<vmem_shared>> -> memref<624x128xf32, #tpu.memory_space<vmem_shared>>
      tpu.wait_dma2 semaphore(%run_scoped3A : memref<!tpu.dma_semaphore, #tpu.memory_space<semaphore_mem>>) src(%dma_wait3A_349 : memref<624x128xf32, #tpu.memory_space<vmem_shared>>) dst(%dma_wait3A_347 : memref<624x128xf32, #tpu.memory_space<hbm>>)
      tpu.yield
    }) : () -> ()
    %eq3A_337 = arith.constant 0 : i32
    %eq3A_338 = arith.cmpi eq, %arg1, %eq3A_337 : i32
    %convert_element_type3A_339 = arith.extui %eq3A_338 : i1 to i32
    %cond3A_340 = arith.constant 0 : i32
    %cond3A_341 = arith.cmpi ne, %convert_element_type3A_339, %cond3A_340 : i32
    scf.if %cond3A_341 {
      %mul3A_342 = arith.constant 10000 : i32
      %mul3A_343 = arith.muli %arg0, %mul3A_342 : i32
      %add3A_344 = arith.constant 9984 : i32
      %add3A_345 = arith.addi %mul3A_343, %add3A_344 : i32
      "tpu.region"() ({
        %run_scoped3A = tpu.sem_alloc : memref<!tpu.dma_semaphore, #tpu.memory_space<semaphore_mem>>
        %dma_start3A_346 = arith.constant 0 : i32
        %dma_start3A_347 = tpu.memref_slice %arg5[%add3A_345, %dma_start3A_346] : memref<20000x128xf32, #tpu.memory_space<hbm>> -> memref<16x128xf32, #tpu.memory_space<hbm>>
        %dma_start3A_348 = arith.constant 9984 : i32
        %dma_start3A_349 = arith.constant 0 : i32
        %dma_start3A_350 = tpu.memref_slice %arg6[%dma_start3A_348, %dma_start3A_349] : memref<10000x128xf32, #tpu.memory_space<vmem_shared>> -> memref<16x128xf32, #tpu.memory_space<vmem_shared>>
        tpu.enqueue_dma source(%dma_start3A_350 : memref<16x128xf32, #tpu.memory_space<vmem_shared>>) target(%dma_start3A_347 : memref<16x128xf32, #tpu.memory_space<hbm>>) target_semaphore(%run_scoped3A : memref<!tpu.dma_semaphore, #tpu.memory_space<semaphore_mem>>)
        %dma_wait3A_351 = arith.constant 0 : i32
        %dma_wait3A_352 = tpu.memref_slice %arg5[%add3A_345, %dma_wait3A_351] : memref<20000x128xf32, #tpu.memory_space<hbm>> -> memref<16x128xf32, #tpu.memory_space<hbm>>
        %dma_wait3A_353 = arith.constant 9984 : i32
        %dma_wait3A_354 = arith.constant 0 : i32
        %dma_wait3A_355 = tpu.memref_slice %arg6[%dma_wait3A_353, %dma_wait3A_354] : memref<10000x128xf32, #tpu.memory_space<vmem_shared>> -> memref<16x128xf32, #tpu.memory_space<vmem_shared>>
        tpu.wait_dma2 semaphore(%run_scoped3A : memref<!tpu.dma_semaphore, #tpu.memory_space<semaphore_mem>>) src(%dma_wait3A_355 : memref<16x128xf32, #tpu.memory_space<vmem_shared>>) dst(%dma_wait3A_352 : memref<16x128xf32, #tpu.memory_space<hbm>>)
        tpu.yield
      }) : () -> ()
    } else {
    }
    return
  }
}

#map = affine_map<(d0, d1) -> (0, 0, 0)>
#map1 = affine_map<(d0, d1) -> (0, 0)>
module attributes {stable_mosaic.version = 14 : i64} {
  func.func @deg_kernel(%arg0: i32, %arg1: i32, %arg2: memref<32x156x128xi32, #tpu.memory_space<hbm>>, %arg3: memref<32x32xi32, #tpu.memory_space<hbm>>, %arg4: memref<128x16xf32, #tpu.memory_space<hbm>>, %arg5: memref<625x16xf32, #tpu.memory_space<hbm>>, %arg6: memref<20000x16xf32, #tpu.memory_space<hbm>>, %arg7: memref<10000x16xf32, #tpu.memory_space<vmem_shared>>, %arg8: memref<156x128xi32, #tpu.memory_space<vmem>>, %arg9: memref<32xi32, #tpu.memory_space<vmem>>, %arg10: memref<128x16xf32, #tpu.memory_space<vmem>>, %arg11: memref<!tpu.dma_semaphore, #tpu.memory_space<semaphore_mem>>) attributes {dimension_semantics = [#tpu.dimension_semantics<core_parallel>, #tpu.dimension_semantics<subcore_parallel>], iteration_bounds = array<i64: 2, 16>, scalar_prefetch = 0 : i64, scratch_operands = 5 : i64, tpu.core_type = #tpu.core_type<sc_vector_subcore>, window_params = [{transform_indices = #map}, {transform_indices = #map1}, {transform_indices = #map1}, {transform_indices = #map1}, {transform_indices = #map1}]} {
    %mul3A = arith.constant 16 : i32
    %mul3A_0 = arith.muli %arg0, %mul3A : i32
    %add3A = arith.addi %mul3A_0, %arg1 : i32
    %mul3A_1 = arith.constant 624 : i32
    %mul3A_2 = arith.muli %arg1, %mul3A_1 : i32
    "tpu.region"() ({
      %run_scoped3A = tpu.sem_alloc : memref<!tpu.dma_semaphore, #tpu.memory_space<semaphore_mem>>
      %dma_start3A_76 = arith.constant 0 : i32
      %dma_start3A_77 = tpu.memref_slice %arg7[%mul3A_2, %dma_start3A_76] : memref<10000x16xf32, #tpu.memory_space<vmem_shared>> -> memref<624x16xf32, #tpu.memory_space<vmem_shared>>
      %dma_start3A_78 = arith.constant 0 : i32
      %dma_start3A_79 = arith.constant 0 : i32
      %dma_start3A_80 = tpu.memref_slice %arg5[%dma_start3A_78, %dma_start3A_79] : memref<625x16xf32, #tpu.memory_space<hbm>> -> memref<624x16xf32, #tpu.memory_space<hbm>>
      tpu.enqueue_dma source(%dma_start3A_80 : memref<624x16xf32, #tpu.memory_space<hbm>>) target(%dma_start3A_77 : memref<624x16xf32, #tpu.memory_space<vmem_shared>>) target_semaphore(%run_scoped3A : memref<!tpu.dma_semaphore, #tpu.memory_space<semaphore_mem>>)
      %dma_wait3A_81 = arith.constant 0 : i32
      %dma_wait3A_82 = tpu.memref_slice %arg7[%mul3A_2, %dma_wait3A_81] : memref<10000x16xf32, #tpu.memory_space<vmem_shared>> -> memref<624x16xf32, #tpu.memory_space<vmem_shared>>
      %dma_wait3A_83 = arith.constant 0 : i32
      %dma_wait3A_84 = arith.constant 0 : i32
      %dma_wait3A_85 = tpu.memref_slice %arg5[%dma_wait3A_83, %dma_wait3A_84] : memref<625x16xf32, #tpu.memory_space<hbm>> -> memref<624x16xf32, #tpu.memory_space<hbm>>
      tpu.wait_dma2 semaphore(%run_scoped3A : memref<!tpu.dma_semaphore, #tpu.memory_space<semaphore_mem>>) src(%dma_wait3A_85 : memref<624x16xf32, #tpu.memory_space<hbm>>) dst(%dma_wait3A_82 : memref<624x16xf32, #tpu.memory_space<vmem_shared>>)
      tpu.yield
    }) : () -> ()
    %eq3A = arith.constant 0 : i32
    %eq3A_3 = arith.cmpi eq, %arg1, %eq3A : i32
    %convert_element_type3A = arith.extui %eq3A_3 : i1 to i32
    %cond3A = arith.constant 0 : i32
    %cond3A_4 = arith.cmpi ne, %convert_element_type3A, %cond3A : i32
    scf.if %cond3A_4 {
      "tpu.region"() ({
        %run_scoped3A = tpu.sem_alloc : memref<!tpu.dma_semaphore, #tpu.memory_space<semaphore_mem>>
        %dma_start3A_76 = arith.constant 9984 : i32
        %dma_start3A_77 = arith.constant 0 : i32
        %dma_start3A_78 = tpu.memref_slice %arg7[%dma_start3A_76, %dma_start3A_77] : memref<10000x16xf32, #tpu.memory_space<vmem_shared>> -> memref<16x16xf32, #tpu.memory_space<vmem_shared>>
        %dma_start3A_79 = arith.constant 0 : i32
        %dma_start3A_80 = arith.constant 0 : i32
        %dma_start3A_81 = tpu.memref_slice %arg5[%dma_start3A_79, %dma_start3A_80] : memref<625x16xf32, #tpu.memory_space<hbm>> -> memref<16x16xf32, #tpu.memory_space<hbm>>
        tpu.enqueue_dma source(%dma_start3A_81 : memref<16x16xf32, #tpu.memory_space<hbm>>) target(%dma_start3A_78 : memref<16x16xf32, #tpu.memory_space<vmem_shared>>) target_semaphore(%run_scoped3A : memref<!tpu.dma_semaphore, #tpu.memory_space<semaphore_mem>>)
        %dma_wait3A_82 = arith.constant 9984 : i32
        %dma_wait3A_83 = arith.constant 0 : i32
        %dma_wait3A_84 = tpu.memref_slice %arg7[%dma_wait3A_82, %dma_wait3A_83] : memref<10000x16xf32, #tpu.memory_space<vmem_shared>> -> memref<16x16xf32, #tpu.memory_space<vmem_shared>>
        %dma_wait3A_85 = arith.constant 0 : i32
        %dma_wait3A_86 = arith.constant 0 : i32
        %dma_wait3A_87 = tpu.memref_slice %arg5[%dma_wait3A_85, %dma_wait3A_86] : memref<625x16xf32, #tpu.memory_space<hbm>> -> memref<16x16xf32, #tpu.memory_space<hbm>>
        tpu.wait_dma2 semaphore(%run_scoped3A : memref<!tpu.dma_semaphore, #tpu.memory_space<semaphore_mem>>) src(%dma_wait3A_87 : memref<16x16xf32, #tpu.memory_space<hbm>>) dst(%dma_wait3A_84 : memref<16x16xf32, #tpu.memory_space<vmem_shared>>)
        tpu.yield
      }) : () -> ()
    } else {
    }
    "tpu.region"() ({
      %run_scoped3A = tpu.sem_alloc : memref<!tpu.dma_semaphore, #tpu.memory_space<semaphore_mem>>
      tpu.enqueue_dma source(%arg4 : memref<128x16xf32, #tpu.memory_space<hbm>>) target(%arg10 : memref<128x16xf32, #tpu.memory_space<vmem>>) target_semaphore(%run_scoped3A : memref<!tpu.dma_semaphore, #tpu.memory_space<semaphore_mem>>)
      tpu.wait_dma2 semaphore(%run_scoped3A : memref<!tpu.dma_semaphore, #tpu.memory_space<semaphore_mem>>) src(%arg4 : memref<128x16xf32, #tpu.memory_space<hbm>>) dst(%arg10 : memref<128x16xf32, #tpu.memory_space<vmem>>)
      tpu.yield
    }) : () -> ()
    "tpu.region"() ({
      %run_scoped3A = tpu.sem_alloc : memref<!tpu.dma_semaphore, #tpu.memory_space<semaphore_mem>>
      %dma_start3A_76 = arith.constant 0 : i32
      %dma_start3A_77 = arith.constant 0 : i32
      %dma_start3A_78 = tpu.memref_slice %arg2[%add3A, %dma_start3A_76, %dma_start3A_77] : memref<32x156x128xi32, #tpu.memory_space<hbm>> -> memref<1x156x128xi32, #tpu.memory_space<hbm>>
      %dma_start3A_79 = tpu.memref_squeeze %dma_start3A_78 : memref<1x156x128xi32, #tpu.memory_space<hbm>> -> memref<156x128xi32, #tpu.memory_space<hbm>>
      %dma_start3A_80 = arith.constant 0 : i32
      %dma_start3A_81 = arith.constant 0 : i32
      %dma_start3A_82 = tpu.memref_slice %arg2[%add3A, %dma_start3A_80, %dma_start3A_81] : memref<32x156x128xi32, #tpu.memory_space<hbm>> -> memref<1x156x128xi32, #tpu.memory_space<hbm>>
      %dma_start3A_83 = tpu.memref_squeeze %dma_start3A_82 : memref<1x156x128xi32, #tpu.memory_space<hbm>> -> memref<156x128xi32, #tpu.memory_space<hbm>>
      tpu.enqueue_dma source(%dma_start3A_83 : memref<156x128xi32, #tpu.memory_space<hbm>>) target(%arg8 : memref<156x128xi32, #tpu.memory_space<vmem>>) target_semaphore(%run_scoped3A : memref<!tpu.dma_semaphore, #tpu.memory_space<semaphore_mem>>)
      %dma_wait3A_84 = arith.constant 0 : i32
      %dma_wait3A_85 = arith.constant 0 : i32
      %dma_wait3A_86 = tpu.memref_slice %arg2[%add3A, %dma_wait3A_84, %dma_wait3A_85] : memref<32x156x128xi32, #tpu.memory_space<hbm>> -> memref<1x156x128xi32, #tpu.memory_space<hbm>>
      %dma_wait3A_87 = tpu.memref_squeeze %dma_wait3A_86 : memref<1x156x128xi32, #tpu.memory_space<hbm>> -> memref<156x128xi32, #tpu.memory_space<hbm>>
      %dma_wait3A_88 = arith.constant 0 : i32
      %dma_wait3A_89 = arith.constant 0 : i32
      %dma_wait3A_90 = tpu.memref_slice %arg2[%add3A, %dma_wait3A_88, %dma_wait3A_89] : memref<32x156x128xi32, #tpu.memory_space<hbm>> -> memref<1x156x128xi32, #tpu.memory_space<hbm>>
      %dma_wait3A_91 = tpu.memref_squeeze %dma_wait3A_90 : memref<1x156x128xi32, #tpu.memory_space<hbm>> -> memref<156x128xi32, #tpu.memory_space<hbm>>
      tpu.wait_dma2 semaphore(%run_scoped3A : memref<!tpu.dma_semaphore, #tpu.memory_space<semaphore_mem>>) src(%dma_wait3A_91 : memref<156x128xi32, #tpu.memory_space<hbm>>) dst(%arg8 : memref<156x128xi32, #tpu.memory_space<vmem>>)
      tpu.yield
    }) : () -> ()
    "tpu.region"() ({
      %run_scoped3A = tpu.sem_alloc : memref<!tpu.dma_semaphore, #tpu.memory_space<semaphore_mem>>
      %dma_start3A_76 = arith.constant 0 : i32
      %dma_start3A_77 = tpu.memref_slice %arg3[%add3A, %dma_start3A_76] : memref<32x32xi32, #tpu.memory_space<hbm>> -> memref<1x32xi32, #tpu.memory_space<hbm>>
      %dma_start3A_78 = tpu.memref_squeeze %dma_start3A_77 : memref<1x32xi32, #tpu.memory_space<hbm>> -> memref<32xi32, #tpu.memory_space<hbm>>
      %dma_start3A_79 = arith.constant 0 : i32
      %dma_start3A_80 = tpu.memref_slice %arg3[%add3A, %dma_start3A_79] : memref<32x32xi32, #tpu.memory_space<hbm>> -> memref<1x32xi32, #tpu.memory_space<hbm>>
      %dma_start3A_81 = tpu.memref_squeeze %dma_start3A_80 : memref<1x32xi32, #tpu.memory_space<hbm>> -> memref<32xi32, #tpu.memory_space<hbm>>
      tpu.enqueue_dma source(%dma_start3A_81 : memref<32xi32, #tpu.memory_space<hbm>>) target(%arg9 : memref<32xi32, #tpu.memory_space<vmem>>) target_semaphore(%run_scoped3A : memref<!tpu.dma_semaphore, #tpu.memory_space<semaphore_mem>>)
      %dma_wait3A_82 = arith.constant 0 : i32
      %dma_wait3A_83 = tpu.memref_slice %arg3[%add3A, %dma_wait3A_82] : memref<32x32xi32, #tpu.memory_space<hbm>> -> memref<1x32xi32, #tpu.memory_space<hbm>>
      %dma_wait3A_84 = tpu.memref_squeeze %dma_wait3A_83 : memref<1x32xi32, #tpu.memory_space<hbm>> -> memref<32xi32, #tpu.memory_space<hbm>>
      %dma_wait3A_85 = arith.constant 0 : i32
      %dma_wait3A_86 = tpu.memref_slice %arg3[%add3A, %dma_wait3A_85] : memref<32x32xi32, #tpu.memory_space<hbm>> -> memref<1x32xi32, #tpu.memory_space<hbm>>
      %dma_wait3A_87 = tpu.memref_squeeze %dma_wait3A_86 : memref<1x32xi32, #tpu.memory_space<hbm>> -> memref<32xi32, #tpu.memory_space<hbm>>
      tpu.wait_dma2 semaphore(%run_scoped3A : memref<!tpu.dma_semaphore, #tpu.memory_space<semaphore_mem>>) src(%dma_wait3A_87 : memref<32xi32, #tpu.memory_space<hbm>>) dst(%arg9 : memref<32xi32, #tpu.memory_space<vmem>>)
      tpu.yield
    }) : () -> ()
    %barrier3A = arith.constant 0 : index
    tpu.barrier barrier_id(%barrier3A)
    %dma_start3A = arith.constant 0 : i32
    %dma_start3A_5 = arith.constant 0 : i32
    %dma_start3A_6 = tpu.memref_slice %arg8[%dma_start3A, %dma_start3A_5] : memref<156x128xi32, #tpu.memory_space<vmem>> -> memref<1x128xi32, #tpu.memory_space<vmem>>
    %dma_start3A_7 = tpu.memref_squeeze %dma_start3A_6 : memref<1x128xi32, #tpu.memory_space<vmem>> -> memref<128xi32, #tpu.memory_space<vmem>>
    %dma_start3A_8 = arith.constant 0 : i32
    %dma_start3A_9 = arith.constant 0 : i32
    %dma_start3A_10 = tpu.memref_slice %arg7[%dma_start3A_8, %dma_start3A_9] : memref<10000x16xf32, #tpu.memory_space<vmem_shared>> -> memref<10000x16xf32, #tpu.memory_space<vmem_shared>>
    tpu.enqueue_indirect_dma source(%arg10 : memref<128x16xf32, #tpu.memory_space<vmem>>) target(%dma_start3A_10 : memref<10000x16xf32, #tpu.memory_space<vmem_shared>>) offsets(%dma_start3A_7 : memref<128xi32, #tpu.memory_space<vmem>>) semaphore(%arg11 : memref<!tpu.dma_semaphore, #tpu.memory_space<semaphore_mem>>) {add = true}
    %dma_start3A_11 = arith.constant 1 : i32
    %dma_start3A_12 = arith.constant 0 : i32
    %dma_start3A_13 = tpu.memref_slice %arg8[%dma_start3A_11, %dma_start3A_12] : memref<156x128xi32, #tpu.memory_space<vmem>> -> memref<1x128xi32, #tpu.memory_space<vmem>>
    %dma_start3A_14 = tpu.memref_squeeze %dma_start3A_13 : memref<1x128xi32, #tpu.memory_space<vmem>> -> memref<128xi32, #tpu.memory_space<vmem>>
    %dma_start3A_15 = arith.constant 0 : i32
    %dma_start3A_16 = arith.constant 0 : i32
    %dma_start3A_17 = tpu.memref_slice %arg7[%dma_start3A_15, %dma_start3A_16] : memref<10000x16xf32, #tpu.memory_space<vmem_shared>> -> memref<10000x16xf32, #tpu.memory_space<vmem_shared>>
    tpu.enqueue_indirect_dma source(%arg10 : memref<128x16xf32, #tpu.memory_space<vmem>>) target(%dma_start3A_17 : memref<10000x16xf32, #tpu.memory_space<vmem_shared>>) offsets(%dma_start3A_14 : memref<128xi32, #tpu.memory_space<vmem>>) semaphore(%arg11 : memref<!tpu.dma_semaphore, #tpu.memory_space<semaphore_mem>>) {add = true}
    %dma_start3A_18 = arith.constant 2 : i32
    %dma_start3A_19 = arith.constant 0 : i32
    %dma_start3A_20 = tpu.memref_slice %arg8[%dma_start3A_18, %dma_start3A_19] : memref<156x128xi32, #tpu.memory_space<vmem>> -> memref<1x128xi32, #tpu.memory_space<vmem>>
    %dma_start3A_21 = tpu.memref_squeeze %dma_start3A_20 : memref<1x128xi32, #tpu.memory_space<vmem>> -> memref<128xi32, #tpu.memory_space<vmem>>
    %dma_start3A_22 = arith.constant 0 : i32
    %dma_start3A_23 = arith.constant 0 : i32
    %dma_start3A_24 = tpu.memref_slice %arg7[%dma_start3A_22, %dma_start3A_23] : memref<10000x16xf32, #tpu.memory_space<vmem_shared>> -> memref<10000x16xf32, #tpu.memory_space<vmem_shared>>
    tpu.enqueue_indirect_dma source(%arg10 : memref<128x16xf32, #tpu.memory_space<vmem>>) target(%dma_start3A_24 : memref<10000x16xf32, #tpu.memory_space<vmem_shared>>) offsets(%dma_start3A_21 : memref<128xi32, #tpu.memory_space<vmem>>) semaphore(%arg11 : memref<!tpu.dma_semaphore, #tpu.memory_space<semaphore_mem>>) {add = true}
    %dma_start3A_25 = arith.constant 3 : i32
    %dma_start3A_26 = arith.constant 0 : i32
    %dma_start3A_27 = tpu.memref_slice %arg8[%dma_start3A_25, %dma_start3A_26] : memref<156x128xi32, #tpu.memory_space<vmem>> -> memref<1x128xi32, #tpu.memory_space<vmem>>
    %dma_start3A_28 = tpu.memref_squeeze %dma_start3A_27 : memref<1x128xi32, #tpu.memory_space<vmem>> -> memref<128xi32, #tpu.memory_space<vmem>>
    %dma_start3A_29 = arith.constant 0 : i32
    %dma_start3A_30 = arith.constant 0 : i32
    %dma_start3A_31 = tpu.memref_slice %arg7[%dma_start3A_29, %dma_start3A_30] : memref<10000x16xf32, #tpu.memory_space<vmem_shared>> -> memref<10000x16xf32, #tpu.memory_space<vmem_shared>>
    tpu.enqueue_indirect_dma source(%arg10 : memref<128x16xf32, #tpu.memory_space<vmem>>) target(%dma_start3A_31 : memref<10000x16xf32, #tpu.memory_space<vmem_shared>>) offsets(%dma_start3A_28 : memref<128xi32, #tpu.memory_space<vmem>>) semaphore(%arg11 : memref<!tpu.dma_semaphore, #tpu.memory_space<semaphore_mem>>) {add = true}
    %scan3A = arith.constant 0 : i32
    %scan3A_32 = arith.constant 38 : i32
    %scan3A_33 = arith.addi %scan3A, %scan3A_32 : i32
    %scan3A_34 = arith.constant 1 : i32
    scf.for %scan3A_76 = %scan3A to %scan3A_33 step %scan3A_34  : i32 {
      %mul3A_77 = arith.constant 4 : i32
      %mul3A_78 = arith.muli %scan3A_76, %mul3A_77 : i32
      %add3A_79 = arith.constant 4 : i32
      %add3A_80 = arith.addi %add3A_79, %mul3A_78 : i32
      %add3A_81 = arith.constant 0 : i32
      %add3A_82 = arith.addi %add3A_80, %add3A_81 : i32
      %dma_start3A_83 = arith.constant 0 : i32
      %dma_start3A_84 = tpu.memref_slice %arg8[%add3A_82, %dma_start3A_83] : memref<156x128xi32, #tpu.memory_space<vmem>> -> memref<1x128xi32, #tpu.memory_space<vmem>>
      %dma_start3A_85 = tpu.memref_squeeze %dma_start3A_84 : memref<1x128xi32, #tpu.memory_space<vmem>> -> memref<128xi32, #tpu.memory_space<vmem>>
      %dma_start3A_86 = arith.constant 0 : i32
      %dma_start3A_87 = arith.constant 0 : i32
      %dma_start3A_88 = tpu.memref_slice %arg7[%dma_start3A_86, %dma_start3A_87] : memref<10000x16xf32, #tpu.memory_space<vmem_shared>> -> memref<10000x16xf32, #tpu.memory_space<vmem_shared>>
      tpu.enqueue_indirect_dma source(%arg10 : memref<128x16xf32, #tpu.memory_space<vmem>>) target(%dma_start3A_88 : memref<10000x16xf32, #tpu.memory_space<vmem_shared>>) offsets(%dma_start3A_85 : memref<128xi32, #tpu.memory_space<vmem>>) semaphore(%arg11 : memref<!tpu.dma_semaphore, #tpu.memory_space<semaphore_mem>>) {add = true}
      %add3A_89 = arith.constant 1 : i32
      %add3A_90 = arith.addi %add3A_80, %add3A_89 : i32
      %dma_start3A_91 = arith.constant 0 : i32
      %dma_start3A_92 = tpu.memref_slice %arg8[%add3A_90, %dma_start3A_91] : memref<156x128xi32, #tpu.memory_space<vmem>> -> memref<1x128xi32, #tpu.memory_space<vmem>>
      %dma_start3A_93 = tpu.memref_squeeze %dma_start3A_92 : memref<1x128xi32, #tpu.memory_space<vmem>> -> memref<128xi32, #tpu.memory_space<vmem>>
      %dma_start3A_94 = arith.constant 0 : i32
      %dma_start3A_95 = arith.constant 0 : i32
      %dma_start3A_96 = tpu.memref_slice %arg7[%dma_start3A_94, %dma_start3A_95] : memref<10000x16xf32, #tpu.memory_space<vmem_shared>> -> memref<10000x16xf32, #tpu.memory_space<vmem_shared>>
      tpu.enqueue_indirect_dma source(%arg10 : memref<128x16xf32, #tpu.memory_space<vmem>>) target(%dma_start3A_96 : memref<10000x16xf32, #tpu.memory_space<vmem_shared>>) offsets(%dma_start3A_93 : memref<128xi32, #tpu.memory_space<vmem>>) semaphore(%arg11 : memref<!tpu.dma_semaphore, #tpu.memory_space<semaphore_mem>>) {add = true}
      %add3A_97 = arith.constant 2 : i32
      %add3A_98 = arith.addi %add3A_80, %add3A_97 : i32
      %dma_start3A_99 = arith.constant 0 : i32
      %dma_start3A_100 = tpu.memref_slice %arg8[%add3A_98, %dma_start3A_99] : memref<156x128xi32, #tpu.memory_space<vmem>> -> memref<1x128xi32, #tpu.memory_space<vmem>>
      %dma_start3A_101 = tpu.memref_squeeze %dma_start3A_100 : memref<1x128xi32, #tpu.memory_space<vmem>> -> memref<128xi32, #tpu.memory_space<vmem>>
      %dma_start3A_102 = arith.constant 0 : i32
      %dma_start3A_103 = arith.constant 0 : i32
      %dma_start3A_104 = tpu.memref_slice %arg7[%dma_start3A_102, %dma_start3A_103] : memref<10000x16xf32, #tpu.memory_space<vmem_shared>> -> memref<10000x16xf32, #tpu.memory_space<vmem_shared>>
      tpu.enqueue_indirect_dma source(%arg10 : memref<128x16xf32, #tpu.memory_space<vmem>>) target(%dma_start3A_104 : memref<10000x16xf32, #tpu.memory_space<vmem_shared>>) offsets(%dma_start3A_101 : memref<128xi32, #tpu.memory_space<vmem>>) semaphore(%arg11 : memref<!tpu.dma_semaphore, #tpu.memory_space<semaphore_mem>>) {add = true}
      %add3A_105 = arith.constant 3 : i32
      %add3A_106 = arith.addi %add3A_80, %add3A_105 : i32
      %dma_start3A_107 = arith.constant 0 : i32
      %dma_start3A_108 = tpu.memref_slice %arg8[%add3A_106, %dma_start3A_107] : memref<156x128xi32, #tpu.memory_space<vmem>> -> memref<1x128xi32, #tpu.memory_space<vmem>>
      %dma_start3A_109 = tpu.memref_squeeze %dma_start3A_108 : memref<1x128xi32, #tpu.memory_space<vmem>> -> memref<128xi32, #tpu.memory_space<vmem>>
      %dma_start3A_110 = arith.constant 0 : i32
      %dma_start3A_111 = arith.constant 0 : i32
      %dma_start3A_112 = tpu.memref_slice %arg7[%dma_start3A_110, %dma_start3A_111] : memref<10000x16xf32, #tpu.memory_space<vmem_shared>> -> memref<10000x16xf32, #tpu.memory_space<vmem_shared>>
      tpu.enqueue_indirect_dma source(%arg10 : memref<128x16xf32, #tpu.memory_space<vmem>>) target(%dma_start3A_112 : memref<10000x16xf32, #tpu.memory_space<vmem_shared>>) offsets(%dma_start3A_109 : memref<128xi32, #tpu.memory_space<vmem>>) semaphore(%arg11 : memref<!tpu.dma_semaphore, #tpu.memory_space<semaphore_mem>>) {add = true}
      %dma_wait3A_113 = arith.constant 0 : i32
      %dma_wait3A_114 = arith.constant 0 : i32
      %dma_wait3A_115 = tpu.memref_slice %arg8[%dma_wait3A_113, %dma_wait3A_114] : memref<156x128xi32, #tpu.memory_space<vmem>> -> memref<1x128xi32, #tpu.memory_space<vmem>>
      %dma_wait3A_116 = tpu.memref_squeeze %dma_wait3A_115 : memref<1x128xi32, #tpu.memory_space<vmem>> -> memref<128xi32, #tpu.memory_space<vmem>>
      %dma_wait3A_117 = arith.constant 0 : i32
      %dma_wait3A_118 = arith.constant 0 : i32
      %dma_wait3A_119 = tpu.memref_slice %arg7[%dma_wait3A_117, %dma_wait3A_118] : memref<10000x16xf32, #tpu.memory_space<vmem_shared>> -> memref<10000x16xf32, #tpu.memory_space<vmem_shared>>
      tpu.wait_indirect_dma semaphore(%arg11 : memref<!tpu.dma_semaphore, #tpu.memory_space<semaphore_mem>>) src(%arg10 : memref<128x16xf32, #tpu.memory_space<vmem>>) dst(%dma_wait3A_119 : memref<10000x16xf32, #tpu.memory_space<vmem_shared>>)
      %dma_wait3A_120 = arith.constant 0 : i32
      %dma_wait3A_121 = arith.constant 0 : i32
      %dma_wait3A_122 = tpu.memref_slice %arg8[%dma_wait3A_120, %dma_wait3A_121] : memref<156x128xi32, #tpu.memory_space<vmem>> -> memref<1x128xi32, #tpu.memory_space<vmem>>
      %dma_wait3A_123 = tpu.memref_squeeze %dma_wait3A_122 : memref<1x128xi32, #tpu.memory_space<vmem>> -> memref<128xi32, #tpu.memory_space<vmem>>
      %dma_wait3A_124 = arith.constant 0 : i32
      %dma_wait3A_125 = arith.constant 0 : i32
      %dma_wait3A_126 = tpu.memref_slice %arg7[%dma_wait3A_124, %dma_wait3A_125] : memref<10000x16xf32, #tpu.memory_space<vmem_shared>> -> memref<10000x16xf32, #tpu.memory_space<vmem_shared>>
      tpu.wait_indirect_dma semaphore(%arg11 : memref<!tpu.dma_semaphore, #tpu.memory_space<semaphore_mem>>) src(%arg10 : memref<128x16xf32, #tpu.memory_space<vmem>>) dst(%dma_wait3A_126 : memref<10000x16xf32, #tpu.memory_space<vmem_shared>>)
      %dma_wait3A_127 = arith.constant 0 : i32
      %dma_wait3A_128 = arith.constant 0 : i32
      %dma_wait3A_129 = tpu.memref_slice %arg8[%dma_wait3A_127, %dma_wait3A_128] : memref<156x128xi32, #tpu.memory_space<vmem>> -> memref<1x128xi32, #tpu.memory_space<vmem>>
      %dma_wait3A_130 = tpu.memref_squeeze %dma_wait3A_129 : memref<1x128xi32, #tpu.memory_space<vmem>> -> memref<128xi32, #tpu.memory_space<vmem>>
      %dma_wait3A_131 = arith.constant 0 : i32
      %dma_wait3A_132 = arith.constant 0 : i32
      %dma_wait3A_133 = tpu.memref_slice %arg7[%dma_wait3A_131, %dma_wait3A_132] : memref<10000x16xf32, #tpu.memory_space<vmem_shared>> -> memref<10000x16xf32, #tpu.memory_space<vmem_shared>>
      tpu.wait_indirect_dma semaphore(%arg11 : memref<!tpu.dma_semaphore, #tpu.memory_space<semaphore_mem>>) src(%arg10 : memref<128x16xf32, #tpu.memory_space<vmem>>) dst(%dma_wait3A_133 : memref<10000x16xf32, #tpu.memory_space<vmem_shared>>)
      %dma_wait3A_134 = arith.constant 0 : i32
      %dma_wait3A_135 = arith.constant 0 : i32
      %dma_wait3A_136 = tpu.memref_slice %arg8[%dma_wait3A_134, %dma_wait3A_135] : memref<156x128xi32, #tpu.memory_space<vmem>> -> memref<1x128xi32, #tpu.memory_space<vmem>>
      %dma_wait3A_137 = tpu.memref_squeeze %dma_wait3A_136 : memref<1x128xi32, #tpu.memory_space<vmem>> -> memref<128xi32, #tpu.memory_space<vmem>>
      %dma_wait3A_138 = arith.constant 0 : i32
      %dma_wait3A_139 = arith.constant 0 : i32
      %dma_wait3A_140 = tpu.memref_slice %arg7[%dma_wait3A_138, %dma_wait3A_139] : memref<10000x16xf32, #tpu.memory_space<vmem_shared>> -> memref<10000x16xf32, #tpu.memory_space<vmem_shared>>
      tpu.wait_indirect_dma semaphore(%arg11 : memref<!tpu.dma_semaphore, #tpu.memory_space<semaphore_mem>>) src(%arg10 : memref<128x16xf32, #tpu.memory_space<vmem>>) dst(%dma_wait3A_140 : memref<10000x16xf32, #tpu.memory_space<vmem_shared>>)
    }
    %scan3A_35 = arith.constant 38 : i32
    %dma_wait3A = arith.constant 0 : i32
    %dma_wait3A_36 = arith.constant 0 : i32
    %dma_wait3A_37 = tpu.memref_slice %arg8[%dma_wait3A, %dma_wait3A_36] : memref<156x128xi32, #tpu.memory_space<vmem>> -> memref<1x128xi32, #tpu.memory_space<vmem>>
    %dma_wait3A_38 = tpu.memref_squeeze %dma_wait3A_37 : memref<1x128xi32, #tpu.memory_space<vmem>> -> memref<128xi32, #tpu.memory_space<vmem>>
    %dma_wait3A_39 = arith.constant 0 : i32
    %dma_wait3A_40 = arith.constant 0 : i32
    %dma_wait3A_41 = tpu.memref_slice %arg7[%dma_wait3A_39, %dma_wait3A_40] : memref<10000x16xf32, #tpu.memory_space<vmem_shared>> -> memref<10000x16xf32, #tpu.memory_space<vmem_shared>>
    tpu.wait_indirect_dma semaphore(%arg11 : memref<!tpu.dma_semaphore, #tpu.memory_space<semaphore_mem>>) src(%arg10 : memref<128x16xf32, #tpu.memory_space<vmem>>) dst(%dma_wait3A_41 : memref<10000x16xf32, #tpu.memory_space<vmem_shared>>)
    %dma_wait3A_42 = arith.constant 0 : i32
    %dma_wait3A_43 = arith.constant 0 : i32
    %dma_wait3A_44 = tpu.memref_slice %arg8[%dma_wait3A_42, %dma_wait3A_43] : memref<156x128xi32, #tpu.memory_space<vmem>> -> memref<1x128xi32, #tpu.memory_space<vmem>>
    %dma_wait3A_45 = tpu.memref_squeeze %dma_wait3A_44 : memref<1x128xi32, #tpu.memory_space<vmem>> -> memref<128xi32, #tpu.memory_space<vmem>>
    %dma_wait3A_46 = arith.constant 0 : i32
    %dma_wait3A_47 = arith.constant 0 : i32
    %dma_wait3A_48 = tpu.memref_slice %arg7[%dma_wait3A_46, %dma_wait3A_47] : memref<10000x16xf32, #tpu.memory_space<vmem_shared>> -> memref<10000x16xf32, #tpu.memory_space<vmem_shared>>
    tpu.wait_indirect_dma semaphore(%arg11 : memref<!tpu.dma_semaphore, #tpu.memory_space<semaphore_mem>>) src(%arg10 : memref<128x16xf32, #tpu.memory_space<vmem>>) dst(%dma_wait3A_48 : memref<10000x16xf32, #tpu.memory_space<vmem_shared>>)
    %dma_wait3A_49 = arith.constant 0 : i32
    %dma_wait3A_50 = arith.constant 0 : i32
    %dma_wait3A_51 = tpu.memref_slice %arg8[%dma_wait3A_49, %dma_wait3A_50] : memref<156x128xi32, #tpu.memory_space<vmem>> -> memref<1x128xi32, #tpu.memory_space<vmem>>
    %dma_wait3A_52 = tpu.memref_squeeze %dma_wait3A_51 : memref<1x128xi32, #tpu.memory_space<vmem>> -> memref<128xi32, #tpu.memory_space<vmem>>
    %dma_wait3A_53 = arith.constant 0 : i32
    %dma_wait3A_54 = arith.constant 0 : i32
    %dma_wait3A_55 = tpu.memref_slice %arg7[%dma_wait3A_53, %dma_wait3A_54] : memref<10000x16xf32, #tpu.memory_space<vmem_shared>> -> memref<10000x16xf32, #tpu.memory_space<vmem_shared>>
    tpu.wait_indirect_dma semaphore(%arg11 : memref<!tpu.dma_semaphore, #tpu.memory_space<semaphore_mem>>) src(%arg10 : memref<128x16xf32, #tpu.memory_space<vmem>>) dst(%dma_wait3A_55 : memref<10000x16xf32, #tpu.memory_space<vmem_shared>>)
    %dma_wait3A_56 = arith.constant 0 : i32
    %dma_wait3A_57 = arith.constant 0 : i32
    %dma_wait3A_58 = tpu.memref_slice %arg8[%dma_wait3A_56, %dma_wait3A_57] : memref<156x128xi32, #tpu.memory_space<vmem>> -> memref<1x128xi32, #tpu.memory_space<vmem>>
    %dma_wait3A_59 = tpu.memref_squeeze %dma_wait3A_58 : memref<1x128xi32, #tpu.memory_space<vmem>> -> memref<128xi32, #tpu.memory_space<vmem>>
    %dma_wait3A_60 = arith.constant 0 : i32
    %dma_wait3A_61 = arith.constant 0 : i32
    %dma_wait3A_62 = tpu.memref_slice %arg7[%dma_wait3A_60, %dma_wait3A_61] : memref<10000x16xf32, #tpu.memory_space<vmem_shared>> -> memref<10000x16xf32, #tpu.memory_space<vmem_shared>>
    tpu.wait_indirect_dma semaphore(%arg11 : memref<!tpu.dma_semaphore, #tpu.memory_space<semaphore_mem>>) src(%arg10 : memref<128x16xf32, #tpu.memory_space<vmem>>) dst(%dma_wait3A_62 : memref<10000x16xf32, #tpu.memory_space<vmem_shared>>)
    "tpu.region"() ({
      %run_scoped3A = tpu.sem_alloc : memref<!tpu.dma_semaphore, #tpu.memory_space<semaphore_mem>>
      %dma_start3A_76 = arith.constant 0 : i32
      %dma_start3A_77 = arith.constant 0 : i32
      %dma_start3A_78 = tpu.memref_slice %arg10[%dma_start3A_76, %dma_start3A_77] : memref<128x16xf32, #tpu.memory_space<vmem>> -> memref<32x16xf32, #tpu.memory_space<vmem>>
      %dma_start3A_79 = arith.constant 0 : i32
      %dma_start3A_80 = arith.constant 0 : i32
      %dma_start3A_81 = tpu.memref_slice %arg7[%dma_start3A_79, %dma_start3A_80] : memref<10000x16xf32, #tpu.memory_space<vmem_shared>> -> memref<10000x16xf32, #tpu.memory_space<vmem_shared>>
      tpu.enqueue_indirect_dma source(%dma_start3A_78 : memref<32x16xf32, #tpu.memory_space<vmem>>) target(%dma_start3A_81 : memref<10000x16xf32, #tpu.memory_space<vmem_shared>>) offsets(%arg9 : memref<32xi32, #tpu.memory_space<vmem>>) semaphore(%run_scoped3A : memref<!tpu.dma_semaphore, #tpu.memory_space<semaphore_mem>>) {add = true}
      %dma_wait3A_82 = arith.constant 0 : i32
      %dma_wait3A_83 = arith.constant 0 : i32
      %dma_wait3A_84 = tpu.memref_slice %arg10[%dma_wait3A_82, %dma_wait3A_83] : memref<128x16xf32, #tpu.memory_space<vmem>> -> memref<32x16xf32, #tpu.memory_space<vmem>>
      %dma_wait3A_85 = arith.constant 0 : i32
      %dma_wait3A_86 = arith.constant 0 : i32
      %dma_wait3A_87 = tpu.memref_slice %arg7[%dma_wait3A_85, %dma_wait3A_86] : memref<10000x16xf32, #tpu.memory_space<vmem_shared>> -> memref<10000x16xf32, #tpu.memory_space<vmem_shared>>
      tpu.wait_indirect_dma semaphore(%run_scoped3A : memref<!tpu.dma_semaphore, #tpu.memory_space<semaphore_mem>>) src(%dma_wait3A_84 : memref<32x16xf32, #tpu.memory_space<vmem>>) dst(%dma_wait3A_87 : memref<10000x16xf32, #tpu.memory_space<vmem_shared>>)
      tpu.yield
    }) : () -> ()
    %barrier3A_63 = arith.constant 0 : index
    tpu.barrier barrier_id(%barrier3A_63)
    %mul3A_64 = arith.constant 624 : i32
    %mul3A_65 = arith.muli %arg1, %mul3A_64 : i32
    %mul3A_66 = arith.constant 10000 : i32
    %mul3A_67 = arith.muli %arg0, %mul3A_66 : i32
    %mul3A_68 = arith.constant 624 : i32
    %mul3A_69 = arith.muli %arg1, %mul3A_68 : i32
    %add3A_70 = arith.addi %mul3A_67, %mul3A_69 : i32
    "tpu.region"() ({
      %run_scoped3A = tpu.sem_alloc : memref<!tpu.dma_semaphore, #tpu.memory_space<semaphore_mem>>
      %dma_start3A_76 = arith.constant 0 : i32
      %dma_start3A_77 = tpu.memref_slice %arg6[%add3A_70, %dma_start3A_76] : memref<20000x16xf32, #tpu.memory_space<hbm>> -> memref<624x16xf32, #tpu.memory_space<hbm>>
      %dma_start3A_78 = arith.constant 0 : i32
      %dma_start3A_79 = tpu.memref_slice %arg7[%mul3A_65, %dma_start3A_78] : memref<10000x16xf32, #tpu.memory_space<vmem_shared>> -> memref<624x16xf32, #tpu.memory_space<vmem_shared>>
      tpu.enqueue_dma source(%dma_start3A_79 : memref<624x16xf32, #tpu.memory_space<vmem_shared>>) target(%dma_start3A_77 : memref<624x16xf32, #tpu.memory_space<hbm>>) target_semaphore(%run_scoped3A : memref<!tpu.dma_semaphore, #tpu.memory_space<semaphore_mem>>)
      %dma_wait3A_80 = arith.constant 0 : i32
      %dma_wait3A_81 = tpu.memref_slice %arg6[%add3A_70, %dma_wait3A_80] : memref<20000x16xf32, #tpu.memory_space<hbm>> -> memref<624x16xf32, #tpu.memory_space<hbm>>
      %dma_wait3A_82 = arith.constant 0 : i32
      %dma_wait3A_83 = tpu.memref_slice %arg7[%mul3A_65, %dma_wait3A_82] : memref<10000x16xf32, #tpu.memory_space<vmem_shared>> -> memref<624x16xf32, #tpu.memory_space<vmem_shared>>
      tpu.wait_dma2 semaphore(%run_scoped3A : memref<!tpu.dma_semaphore, #tpu.memory_space<semaphore_mem>>) src(%dma_wait3A_83 : memref<624x16xf32, #tpu.memory_space<vmem_shared>>) dst(%dma_wait3A_81 : memref<624x16xf32, #tpu.memory_space<hbm>>)
      tpu.yield
    }) : () -> ()
    %eq3A_71 = arith.constant 0 : i32
    %eq3A_72 = arith.cmpi eq, %arg1, %eq3A_71 : i32
    %convert_element_type3A_73 = arith.extui %eq3A_72 : i1 to i32
    %cond3A_74 = arith.constant 0 : i32
    %cond3A_75 = arith.cmpi ne, %convert_element_type3A_73, %cond3A_74 : i32
    scf.if %cond3A_75 {
      %mul3A_76 = arith.constant 10000 : i32
      %mul3A_77 = arith.muli %arg0, %mul3A_76 : i32
      %add3A_78 = arith.constant 9984 : i32
      %add3A_79 = arith.addi %mul3A_77, %add3A_78 : i32
      "tpu.region"() ({
        %run_scoped3A = tpu.sem_alloc : memref<!tpu.dma_semaphore, #tpu.memory_space<semaphore_mem>>
        %dma_start3A_80 = arith.constant 0 : i32
        %dma_start3A_81 = tpu.memref_slice %arg6[%add3A_79, %dma_start3A_80] : memref<20000x16xf32, #tpu.memory_space<hbm>> -> memref<16x16xf32, #tpu.memory_space<hbm>>
        %dma_start3A_82 = arith.constant 9984 : i32
        %dma_start3A_83 = arith.constant 0 : i32
        %dma_start3A_84 = tpu.memref_slice %arg7[%dma_start3A_82, %dma_start3A_83] : memref<10000x16xf32, #tpu.memory_space<vmem_shared>> -> memref<16x16xf32, #tpu.memory_space<vmem_shared>>
        tpu.enqueue_dma source(%dma_start3A_84 : memref<16x16xf32, #tpu.memory_space<vmem_shared>>) target(%dma_start3A_81 : memref<16x16xf32, #tpu.memory_space<hbm>>) target_semaphore(%run_scoped3A : memref<!tpu.dma_semaphore, #tpu.memory_space<semaphore_mem>>)
        %dma_wait3A_85 = arith.constant 0 : i32
        %dma_wait3A_86 = tpu.memref_slice %arg6[%add3A_79, %dma_wait3A_85] : memref<20000x16xf32, #tpu.memory_space<hbm>> -> memref<16x16xf32, #tpu.memory_space<hbm>>
        %dma_wait3A_87 = arith.constant 9984 : i32
        %dma_wait3A_88 = arith.constant 0 : i32
        %dma_wait3A_89 = tpu.memref_slice %arg7[%dma_wait3A_87, %dma_wait3A_88] : memref<10000x16xf32, #tpu.memory_space<vmem_shared>> -> memref<16x16xf32, #tpu.memory_space<vmem_shared>>
        tpu.wait_dma2 semaphore(%run_scoped3A : memref<!tpu.dma_semaphore, #tpu.memory_space<semaphore_mem>>) src(%dma_wait3A_89 : memref<16x16xf32, #tpu.memory_space<vmem_shared>>) dst(%dma_wait3A_86 : memref<16x16xf32, #tpu.memory_space<hbm>>)
        tpu.yield
      }) : () -> ()
    } else {
    }
    return
  }
}

#map = affine_map<(d0, d1) -> (0, 0)>
#map1 = affine_map<(d0, d1) -> (0, 0, 0, 0)>
module attributes {stable_mosaic.version = 14 : i64} {
  func.func @seg_kernel(%arg0: i32, %arg1: i32, %arg2: memref<20000x128xf32, #tpu.memory_space<hbm>>, %arg3: memref<32x250x2x80xi32, #tpu.memory_space<hbm>>, %arg4: memref<625x128xf32, #tpu.memory_space<hbm>>, %arg5: memref<20000x128xf32, #tpu.memory_space<hbm>>, %arg6: memref<10000x128xf32, #tpu.memory_space<vmem_shared>>, %arg7: memref<2x80xi32, #tpu.memory_space<vmem>>, %arg8: memref<2x80xi32, #tpu.memory_space<vmem>>, %arg9: memref<2x80xi32, #tpu.memory_space<vmem>>, %arg10: memref<80x128xf32, #tpu.memory_space<vmem>>, %arg11: memref<80x128xf32, #tpu.memory_space<vmem>>, %arg12: memref<80x128xf32, #tpu.memory_space<vmem>>, %arg13: memref<!tpu.dma_semaphore, #tpu.memory_space<semaphore_mem>>, %arg14: memref<!tpu.dma_semaphore, #tpu.memory_space<semaphore_mem>>, %arg15: memref<!tpu.dma_semaphore, #tpu.memory_space<semaphore_mem>>, %arg16: memref<!tpu.dma_semaphore, #tpu.memory_space<semaphore_mem>>, %arg17: memref<!tpu.dma_semaphore, #tpu.memory_space<semaphore_mem>>, %arg18: memref<!tpu.dma_semaphore, #tpu.memory_space<semaphore_mem>>, %arg19: memref<!tpu.dma_semaphore, #tpu.memory_space<semaphore_mem>>, %arg20: memref<!tpu.dma_semaphore, #tpu.memory_space<semaphore_mem>>, %arg21: memref<!tpu.dma_semaphore, #tpu.memory_space<semaphore_mem>>) attributes {dimension_semantics = [#tpu.dimension_semantics<core_parallel>, #tpu.dimension_semantics<subcore_parallel>], iteration_bounds = array<i64: 2, 16>, scalar_prefetch = 0 : i64, scratch_operands = 16 : i64, tpu.core_type = #tpu.core_type<sc_vector_subcore>, window_params = [{transform_indices = #map}, {transform_indices = #map1}, {transform_indices = #map}, {transform_indices = #map}]} {
    %mul3A = arith.constant 624 : i32
    %mul3A_0 = arith.muli %arg1, %mul3A : i32
    "tpu.region"() ({
      %run_scoped3A = tpu.sem_alloc : memref<!tpu.dma_semaphore, #tpu.memory_space<semaphore_mem>>
      %dma_start3A_342 = arith.constant 0 : i32
      %dma_start3A_343 = tpu.memref_slice %arg6[%mul3A_0, %dma_start3A_342] : memref<10000x128xf32, #tpu.memory_space<vmem_shared>> -> memref<624x128xf32, #tpu.memory_space<vmem_shared>>
      %dma_start3A_344 = arith.constant 0 : i32
      %dma_start3A_345 = arith.constant 0 : i32
      %dma_start3A_346 = tpu.memref_slice %arg4[%dma_start3A_344, %dma_start3A_345] : memref<625x128xf32, #tpu.memory_space<hbm>> -> memref<624x128xf32, #tpu.memory_space<hbm>>
      tpu.enqueue_dma source(%dma_start3A_346 : memref<624x128xf32, #tpu.memory_space<hbm>>) target(%dma_start3A_343 : memref<624x128xf32, #tpu.memory_space<vmem_shared>>) target_semaphore(%run_scoped3A : memref<!tpu.dma_semaphore, #tpu.memory_space<semaphore_mem>>)
      %dma_wait3A_347 = arith.constant 0 : i32
      %dma_wait3A_348 = tpu.memref_slice %arg6[%mul3A_0, %dma_wait3A_347] : memref<10000x128xf32, #tpu.memory_space<vmem_shared>> -> memref<624x128xf32, #tpu.memory_space<vmem_shared>>
      %dma_wait3A_349 = arith.constant 0 : i32
      %dma_wait3A_350 = arith.constant 0 : i32
      %dma_wait3A_351 = tpu.memref_slice %arg4[%dma_wait3A_349, %dma_wait3A_350] : memref<625x128xf32, #tpu.memory_space<hbm>> -> memref<624x128xf32, #tpu.memory_space<hbm>>
      tpu.wait_dma2 semaphore(%run_scoped3A : memref<!tpu.dma_semaphore, #tpu.memory_space<semaphore_mem>>) src(%dma_wait3A_351 : memref<624x128xf32, #tpu.memory_space<hbm>>) dst(%dma_wait3A_348 : memref<624x128xf32, #tpu.memory_space<vmem_shared>>)
      tpu.yield
    }) : () -> ()
    %eq3A = arith.constant 0 : i32
    %eq3A_1 = arith.cmpi eq, %arg1, %eq3A : i32
    %convert_element_type3A = arith.extui %eq3A_1 : i1 to i32
    %cond3A = arith.constant 0 : i32
    %cond3A_2 = arith.cmpi ne, %convert_element_type3A, %cond3A : i32
    scf.if %cond3A_2 {
      "tpu.region"() ({
        %run_scoped3A = tpu.sem_alloc : memref<!tpu.dma_semaphore, #tpu.memory_space<semaphore_mem>>
        %dma_start3A_342 = arith.constant 9984 : i32
        %dma_start3A_343 = arith.constant 0 : i32
        %dma_start3A_344 = tpu.memref_slice %arg6[%dma_start3A_342, %dma_start3A_343] : memref<10000x128xf32, #tpu.memory_space<vmem_shared>> -> memref<16x128xf32, #tpu.memory_space<vmem_shared>>
        %dma_start3A_345 = arith.constant 0 : i32
        %dma_start3A_346 = arith.constant 0 : i32
        %dma_start3A_347 = tpu.memref_slice %arg4[%dma_start3A_345, %dma_start3A_346] : memref<625x128xf32, #tpu.memory_space<hbm>> -> memref<16x128xf32, #tpu.memory_space<hbm>>
        tpu.enqueue_dma source(%dma_start3A_347 : memref<16x128xf32, #tpu.memory_space<hbm>>) target(%dma_start3A_344 : memref<16x128xf32, #tpu.memory_space<vmem_shared>>) target_semaphore(%run_scoped3A : memref<!tpu.dma_semaphore, #tpu.memory_space<semaphore_mem>>)
        %dma_wait3A_348 = arith.constant 9984 : i32
        %dma_wait3A_349 = arith.constant 0 : i32
        %dma_wait3A_350 = tpu.memref_slice %arg6[%dma_wait3A_348, %dma_wait3A_349] : memref<10000x128xf32, #tpu.memory_space<vmem_shared>> -> memref<16x128xf32, #tpu.memory_space<vmem_shared>>
        %dma_wait3A_351 = arith.constant 0 : i32
        %dma_wait3A_352 = arith.constant 0 : i32
        %dma_wait3A_353 = tpu.memref_slice %arg4[%dma_wait3A_351, %dma_wait3A_352] : memref<625x128xf32, #tpu.memory_space<hbm>> -> memref<16x128xf32, #tpu.memory_space<hbm>>
        tpu.wait_dma2 semaphore(%run_scoped3A : memref<!tpu.dma_semaphore, #tpu.memory_space<semaphore_mem>>) src(%dma_wait3A_353 : memref<16x128xf32, #tpu.memory_space<hbm>>) dst(%dma_wait3A_350 : memref<16x128xf32, #tpu.memory_space<vmem_shared>>)
        tpu.yield
      }) : () -> ()
    } else {
    }
    %mul3A_3 = arith.constant 16 : i32
    %mul3A_4 = arith.muli %arg0, %mul3A_3 : i32
    %add3A = arith.addi %mul3A_4, %arg1 : i32
    %dma_start3A = arith.constant 0 : i32
    %dma_start3A_5 = arith.constant 0 : i32
    %dma_start3A_6 = arith.constant 0 : i32
    %dma_start3A_7 = tpu.memref_slice %arg3[%add3A, %dma_start3A, %dma_start3A_5, %dma_start3A_6] : memref<32x250x2x80xi32, #tpu.memory_space<hbm>> -> memref<1x1x2x80xi32, #tpu.memory_space<hbm>>
    %dma_start3A_8 = tpu.memref_squeeze %dma_start3A_7 : memref<1x1x2x80xi32, #tpu.memory_space<hbm>> -> memref<2x80xi32, #tpu.memory_space<hbm>>
    %dma_start3A_9 = arith.constant 0 : i32
    %dma_start3A_10 = arith.constant 0 : i32
    %dma_start3A_11 = tpu.memref_slice %arg3[%add3A, %dma_start3A, %dma_start3A_9, %dma_start3A_10] : memref<32x250x2x80xi32, #tpu.memory_space<hbm>> -> memref<1x1x2x80xi32, #tpu.memory_space<hbm>>
    %dma_start3A_12 = tpu.memref_squeeze %dma_start3A_11 : memref<1x1x2x80xi32, #tpu.memory_space<hbm>> -> memref<2x80xi32, #tpu.memory_space<hbm>>
    tpu.enqueue_dma source(%dma_start3A_12 : memref<2x80xi32, #tpu.memory_space<hbm>>) target(%arg7 : memref<2x80xi32, #tpu.memory_space<vmem>>) target_semaphore(%arg13 : memref<!tpu.dma_semaphore, #tpu.memory_space<semaphore_mem>>)
    %dma_start3A_13 = arith.constant 1 : i32
    %dma_start3A_14 = arith.constant 0 : i32
    %dma_start3A_15 = arith.constant 0 : i32
    %dma_start3A_16 = tpu.memref_slice %arg3[%add3A, %dma_start3A_13, %dma_start3A_14, %dma_start3A_15] : memref<32x250x2x80xi32, #tpu.memory_space<hbm>> -> memref<1x1x2x80xi32, #tpu.memory_space<hbm>>
    %dma_start3A_17 = tpu.memref_squeeze %dma_start3A_16 : memref<1x1x2x80xi32, #tpu.memory_space<hbm>> -> memref<2x80xi32, #tpu.memory_space<hbm>>
    %dma_start3A_18 = arith.constant 0 : i32
    %dma_start3A_19 = arith.constant 0 : i32
    %dma_start3A_20 = tpu.memref_slice %arg3[%add3A, %dma_start3A_13, %dma_start3A_18, %dma_start3A_19] : memref<32x250x2x80xi32, #tpu.memory_space<hbm>> -> memref<1x1x2x80xi32, #tpu.memory_space<hbm>>
    %dma_start3A_21 = tpu.memref_squeeze %dma_start3A_20 : memref<1x1x2x80xi32, #tpu.memory_space<hbm>> -> memref<2x80xi32, #tpu.memory_space<hbm>>
    tpu.enqueue_dma source(%dma_start3A_21 : memref<2x80xi32, #tpu.memory_space<hbm>>) target(%arg8 : memref<2x80xi32, #tpu.memory_space<vmem>>) target_semaphore(%arg14 : memref<!tpu.dma_semaphore, #tpu.memory_space<semaphore_mem>>)
    %barrier3A = arith.constant 0 : index
    tpu.barrier barrier_id(%barrier3A)
    %dma_wait3A = arith.constant 0 : i32
    %dma_wait3A_22 = arith.constant 0 : i32
    %dma_wait3A_23 = arith.constant 0 : i32
    %dma_wait3A_24 = tpu.memref_slice %arg3[%add3A, %dma_wait3A, %dma_wait3A_22, %dma_wait3A_23] : memref<32x250x2x80xi32, #tpu.memory_space<hbm>> -> memref<1x1x2x80xi32, #tpu.memory_space<hbm>>
    %dma_wait3A_25 = tpu.memref_squeeze %dma_wait3A_24 : memref<1x1x2x80xi32, #tpu.memory_space<hbm>> -> memref<2x80xi32, #tpu.memory_space<hbm>>
    %dma_wait3A_26 = arith.constant 0 : i32
    %dma_wait3A_27 = arith.constant 0 : i32
    %dma_wait3A_28 = tpu.memref_slice %arg3[%add3A, %dma_wait3A, %dma_wait3A_26, %dma_wait3A_27] : memref<32x250x2x80xi32, #tpu.memory_space<hbm>> -> memref<1x1x2x80xi32, #tpu.memory_space<hbm>>
    %dma_wait3A_29 = tpu.memref_squeeze %dma_wait3A_28 : memref<1x1x2x80xi32, #tpu.memory_space<hbm>> -> memref<2x80xi32, #tpu.memory_space<hbm>>
    tpu.wait_dma2 semaphore(%arg13 : memref<!tpu.dma_semaphore, #tpu.memory_space<semaphore_mem>>) src(%dma_wait3A_29 : memref<2x80xi32, #tpu.memory_space<hbm>>) dst(%arg7 : memref<2x80xi32, #tpu.memory_space<vmem>>)
    %dma_start3A_30 = arith.constant 0 : i32
    %dma_start3A_31 = arith.constant 0 : i32
    %dma_start3A_32 = tpu.memref_slice %arg7[%dma_start3A_30, %dma_start3A_31] : memref<2x80xi32, #tpu.memory_space<vmem>> -> memref<1x80xi32, #tpu.memory_space<vmem>>
    %dma_start3A_33 = tpu.memref_squeeze %dma_start3A_32 : memref<1x80xi32, #tpu.memory_space<vmem>> -> memref<80xi32, #tpu.memory_space<vmem>>
    %dma_start3A_34 = arith.constant 0 : i32
    %dma_start3A_35 = arith.constant 0 : i32
    %dma_start3A_36 = tpu.memref_slice %arg2[%dma_start3A_34, %dma_start3A_35] : memref<20000x128xf32, #tpu.memory_space<hbm>> -> memref<20000x128xf32, #tpu.memory_space<hbm>>
    tpu.enqueue_indirect_dma source(%dma_start3A_36 : memref<20000x128xf32, #tpu.memory_space<hbm>>) target(%arg10 : memref<80x128xf32, #tpu.memory_space<vmem>>) offsets(%dma_start3A_33 : memref<80xi32, #tpu.memory_space<vmem>>) semaphore(%arg16 : memref<!tpu.dma_semaphore, #tpu.memory_space<semaphore_mem>>)
    %dma_wait3A_37 = arith.constant 1 : i32
    %dma_wait3A_38 = arith.constant 0 : i32
    %dma_wait3A_39 = arith.constant 0 : i32
    %dma_wait3A_40 = tpu.memref_slice %arg3[%add3A, %dma_wait3A_37, %dma_wait3A_38, %dma_wait3A_39] : memref<32x250x2x80xi32, #tpu.memory_space<hbm>> -> memref<1x1x2x80xi32, #tpu.memory_space<hbm>>
    %dma_wait3A_41 = tpu.memref_squeeze %dma_wait3A_40 : memref<1x1x2x80xi32, #tpu.memory_space<hbm>> -> memref<2x80xi32, #tpu.memory_space<hbm>>
    %dma_wait3A_42 = arith.constant 0 : i32
    %dma_wait3A_43 = arith.constant 0 : i32
    %dma_wait3A_44 = tpu.memref_slice %arg3[%add3A, %dma_wait3A_37, %dma_wait3A_42, %dma_wait3A_43] : memref<32x250x2x80xi32, #tpu.memory_space<hbm>> -> memref<1x1x2x80xi32, #tpu.memory_space<hbm>>
    %dma_wait3A_45 = tpu.memref_squeeze %dma_wait3A_44 : memref<1x1x2x80xi32, #tpu.memory_space<hbm>> -> memref<2x80xi32, #tpu.memory_space<hbm>>
    tpu.wait_dma2 semaphore(%arg14 : memref<!tpu.dma_semaphore, #tpu.memory_space<semaphore_mem>>) src(%dma_wait3A_45 : memref<2x80xi32, #tpu.memory_space<hbm>>) dst(%arg8 : memref<2x80xi32, #tpu.memory_space<vmem>>)
    %dma_start3A_46 = arith.constant 0 : i32
    %dma_start3A_47 = arith.constant 0 : i32
    %dma_start3A_48 = tpu.memref_slice %arg8[%dma_start3A_46, %dma_start3A_47] : memref<2x80xi32, #tpu.memory_space<vmem>> -> memref<1x80xi32, #tpu.memory_space<vmem>>
    %dma_start3A_49 = tpu.memref_squeeze %dma_start3A_48 : memref<1x80xi32, #tpu.memory_space<vmem>> -> memref<80xi32, #tpu.memory_space<vmem>>
    %dma_start3A_50 = arith.constant 0 : i32
    %dma_start3A_51 = arith.constant 0 : i32
    %dma_start3A_52 = tpu.memref_slice %arg2[%dma_start3A_50, %dma_start3A_51] : memref<20000x128xf32, #tpu.memory_space<hbm>> -> memref<20000x128xf32, #tpu.memory_space<hbm>>
    tpu.enqueue_indirect_dma source(%dma_start3A_52 : memref<20000x128xf32, #tpu.memory_space<hbm>>) target(%arg11 : memref<80x128xf32, #tpu.memory_space<vmem>>) offsets(%dma_start3A_49 : memref<80xi32, #tpu.memory_space<vmem>>) semaphore(%arg17 : memref<!tpu.dma_semaphore, #tpu.memory_space<semaphore_mem>>)
    %dma_start3A_53 = arith.constant 2 : i32
    %dma_start3A_54 = arith.constant 0 : i32
    %dma_start3A_55 = arith.constant 0 : i32
    %dma_start3A_56 = tpu.memref_slice %arg3[%add3A, %dma_start3A_53, %dma_start3A_54, %dma_start3A_55] : memref<32x250x2x80xi32, #tpu.memory_space<hbm>> -> memref<1x1x2x80xi32, #tpu.memory_space<hbm>>
    %dma_start3A_57 = tpu.memref_squeeze %dma_start3A_56 : memref<1x1x2x80xi32, #tpu.memory_space<hbm>> -> memref<2x80xi32, #tpu.memory_space<hbm>>
    %dma_start3A_58 = arith.constant 0 : i32
    %dma_start3A_59 = arith.constant 0 : i32
    %dma_start3A_60 = tpu.memref_slice %arg3[%add3A, %dma_start3A_53, %dma_start3A_58, %dma_start3A_59] : memref<32x250x2x80xi32, #tpu.memory_space<hbm>> -> memref<1x1x2x80xi32, #tpu.memory_space<hbm>>
    %dma_start3A_61 = tpu.memref_squeeze %dma_start3A_60 : memref<1x1x2x80xi32, #tpu.memory_space<hbm>> -> memref<2x80xi32, #tpu.memory_space<hbm>>
    tpu.enqueue_dma source(%dma_start3A_61 : memref<2x80xi32, #tpu.memory_space<hbm>>) target(%arg9 : memref<2x80xi32, #tpu.memory_space<vmem>>) target_semaphore(%arg15 : memref<!tpu.dma_semaphore, #tpu.memory_space<semaphore_mem>>)
    %dma_wait3A_62 = arith.constant 0 : i32
    %dma_wait3A_63 = arith.constant 0 : i32
    %dma_wait3A_64 = tpu.memref_slice %arg7[%dma_wait3A_62, %dma_wait3A_63] : memref<2x80xi32, #tpu.memory_space<vmem>> -> memref<1x80xi32, #tpu.memory_space<vmem>>
    %dma_wait3A_65 = tpu.memref_squeeze %dma_wait3A_64 : memref<1x80xi32, #tpu.memory_space<vmem>> -> memref<80xi32, #tpu.memory_space<vmem>>
    %dma_wait3A_66 = arith.constant 0 : i32
    %dma_wait3A_67 = arith.constant 0 : i32
    %dma_wait3A_68 = tpu.memref_slice %arg2[%dma_wait3A_66, %dma_wait3A_67] : memref<20000x128xf32, #tpu.memory_space<hbm>> -> memref<20000x128xf32, #tpu.memory_space<hbm>>
    tpu.wait_indirect_dma semaphore(%arg16 : memref<!tpu.dma_semaphore, #tpu.memory_space<semaphore_mem>>) src(%dma_wait3A_68 : memref<20000x128xf32, #tpu.memory_space<hbm>>) dst(%arg10 : memref<80x128xf32, #tpu.memory_space<vmem>>)
    %dma_start3A_69 = arith.constant 1 : i32
    %dma_start3A_70 = arith.constant 0 : i32
    %dma_start3A_71 = tpu.memref_slice %arg7[%dma_start3A_69, %dma_start3A_70] : memref<2x80xi32, #tpu.memory_space<vmem>> -> memref<1x80xi32, #tpu.memory_space<vmem>>
    %dma_start3A_72 = tpu.memref_squeeze %dma_start3A_71 : memref<1x80xi32, #tpu.memory_space<vmem>> -> memref<80xi32, #tpu.memory_space<vmem>>
    %dma_start3A_73 = arith.constant 0 : i32
    %dma_start3A_74 = arith.constant 0 : i32
    %dma_start3A_75 = tpu.memref_slice %arg6[%dma_start3A_73, %dma_start3A_74] : memref<10000x128xf32, #tpu.memory_space<vmem_shared>> -> memref<10000x128xf32, #tpu.memory_space<vmem_shared>>
    tpu.enqueue_indirect_dma source(%arg10 : memref<80x128xf32, #tpu.memory_space<vmem>>) target(%dma_start3A_75 : memref<10000x128xf32, #tpu.memory_space<vmem_shared>>) offsets(%dma_start3A_72 : memref<80xi32, #tpu.memory_space<vmem>>) semaphore(%arg19 : memref<!tpu.dma_semaphore, #tpu.memory_space<semaphore_mem>>) {add = true}
    %dma_wait3A_76 = arith.constant 2 : i32
    %dma_wait3A_77 = arith.constant 0 : i32
    %dma_wait3A_78 = arith.constant 0 : i32
    %dma_wait3A_79 = tpu.memref_slice %arg3[%add3A, %dma_wait3A_76, %dma_wait3A_77, %dma_wait3A_78] : memref<32x250x2x80xi32, #tpu.memory_space<hbm>> -> memref<1x1x2x80xi32, #tpu.memory_space<hbm>>
    %dma_wait3A_80 = tpu.memref_squeeze %dma_wait3A_79 : memref<1x1x2x80xi32, #tpu.memory_space<hbm>> -> memref<2x80xi32, #tpu.memory_space<hbm>>
    %dma_wait3A_81 = arith.constant 0 : i32
    %dma_wait3A_82 = arith.constant 0 : i32
    %dma_wait3A_83 = tpu.memref_slice %arg3[%add3A, %dma_wait3A_76, %dma_wait3A_81, %dma_wait3A_82] : memref<32x250x2x80xi32, #tpu.memory_space<hbm>> -> memref<1x1x2x80xi32, #tpu.memory_space<hbm>>
    %dma_wait3A_84 = tpu.memref_squeeze %dma_wait3A_83 : memref<1x1x2x80xi32, #tpu.memory_space<hbm>> -> memref<2x80xi32, #tpu.memory_space<hbm>>
    tpu.wait_dma2 semaphore(%arg15 : memref<!tpu.dma_semaphore, #tpu.memory_space<semaphore_mem>>) src(%dma_wait3A_84 : memref<2x80xi32, #tpu.memory_space<hbm>>) dst(%arg9 : memref<2x80xi32, #tpu.memory_space<vmem>>)
    %dma_start3A_85 = arith.constant 0 : i32
    %dma_start3A_86 = arith.constant 0 : i32
    %dma_start3A_87 = tpu.memref_slice %arg9[%dma_start3A_85, %dma_start3A_86] : memref<2x80xi32, #tpu.memory_space<vmem>> -> memref<1x80xi32, #tpu.memory_space<vmem>>
    %dma_start3A_88 = tpu.memref_squeeze %dma_start3A_87 : memref<1x80xi32, #tpu.memory_space<vmem>> -> memref<80xi32, #tpu.memory_space<vmem>>
    %dma_start3A_89 = arith.constant 0 : i32
    %dma_start3A_90 = arith.constant 0 : i32
    %dma_start3A_91 = tpu.memref_slice %arg2[%dma_start3A_89, %dma_start3A_90] : memref<20000x128xf32, #tpu.memory_space<hbm>> -> memref<20000x128xf32, #tpu.memory_space<hbm>>
    tpu.enqueue_indirect_dma source(%dma_start3A_91 : memref<20000x128xf32, #tpu.memory_space<hbm>>) target(%arg12 : memref<80x128xf32, #tpu.memory_space<vmem>>) offsets(%dma_start3A_88 : memref<80xi32, #tpu.memory_space<vmem>>) semaphore(%arg18 : memref<!tpu.dma_semaphore, #tpu.memory_space<semaphore_mem>>)
    %scan3A = arith.constant 0 : i32
    %scan3A_92 = arith.constant 81 : i32
    %scan3A_93 = arith.addi %scan3A, %scan3A_92 : i32
    %scan3A_94 = arith.constant 1 : i32
    scf.for %scan3A_342 = %scan3A to %scan3A_93 step %scan3A_94  : i32 {
      %mul3A_343 = arith.constant 1 : i32
      %mul3A_344 = arith.muli %scan3A_342, %mul3A_343 : i32
      %add3A_345 = arith.constant 0 : i32
      %add3A_346 = arith.addi %add3A_345, %mul3A_344 : i32
      %mul3A_347 = arith.constant 3 : i32
      %mul3A_348 = arith.muli %mul3A_347, %add3A_346 : i32
      %add3A_349 = arith.constant 1 : i32
      %add3A_350 = arith.addi %add3A_349, %mul3A_348 : i32
      %dma_wait3A_351 = arith.constant 1 : i32
      %dma_wait3A_352 = arith.constant 0 : i32
      %dma_wait3A_353 = tpu.memref_slice %arg7[%dma_wait3A_351, %dma_wait3A_352] : memref<2x80xi32, #tpu.memory_space<vmem>> -> memref<1x80xi32, #tpu.memory_space<vmem>>
      %dma_wait3A_354 = tpu.memref_squeeze %dma_wait3A_353 : memref<1x80xi32, #tpu.memory_space<vmem>> -> memref<80xi32, #tpu.memory_space<vmem>>
      %dma_wait3A_355 = arith.constant 0 : i32
      %dma_wait3A_356 = arith.constant 0 : i32
      %dma_wait3A_357 = tpu.memref_slice %arg6[%dma_wait3A_355, %dma_wait3A_356] : memref<10000x128xf32, #tpu.memory_space<vmem_shared>> -> memref<10000x128xf32, #tpu.memory_space<vmem_shared>>
      tpu.wait_indirect_dma semaphore(%arg19 : memref<!tpu.dma_semaphore, #tpu.memory_space<semaphore_mem>>) src(%arg10 : memref<80x128xf32, #tpu.memory_space<vmem>>) dst(%dma_wait3A_357 : memref<10000x128xf32, #tpu.memory_space<vmem_shared>>)
      %add3A_358 = arith.constant 2 : i32
      %add3A_359 = arith.addi %add3A_350, %add3A_358 : i32
      %dma_start3A_360 = arith.constant 0 : i32
      %dma_start3A_361 = arith.constant 0 : i32
      %dma_start3A_362 = tpu.memref_slice %arg3[%add3A, %add3A_359, %dma_start3A_360, %dma_start3A_361] : memref<32x250x2x80xi32, #tpu.memory_space<hbm>> -> memref<1x1x2x80xi32, #tpu.memory_space<hbm>>
      %dma_start3A_363 = tpu.memref_squeeze %dma_start3A_362 : memref<1x1x2x80xi32, #tpu.memory_space<hbm>> -> memref<2x80xi32, #tpu.memory_space<hbm>>
      %dma_start3A_364 = arith.constant 0 : i32
      %dma_start3A_365 = arith.constant 0 : i32
      %dma_start3A_366 = tpu.memref_slice %arg3[%add3A, %add3A_359, %dma_start3A_364, %dma_start3A_365] : memref<32x250x2x80xi32, #tpu.memory_space<hbm>> -> memref<1x1x2x80xi32, #tpu.memory_space<hbm>>
      %dma_start3A_367 = tpu.memref_squeeze %dma_start3A_366 : memref<1x1x2x80xi32, #tpu.memory_space<hbm>> -> memref<2x80xi32, #tpu.memory_space<hbm>>
      tpu.enqueue_dma source(%dma_start3A_367 : memref<2x80xi32, #tpu.memory_space<hbm>>) target(%arg7 : memref<2x80xi32, #tpu.memory_space<vmem>>) target_semaphore(%arg13 : memref<!tpu.dma_semaphore, #tpu.memory_space<semaphore_mem>>)
      %dma_wait3A_368 = arith.constant 0 : i32
      %dma_wait3A_369 = arith.constant 0 : i32
      %dma_wait3A_370 = tpu.memref_slice %arg8[%dma_wait3A_368, %dma_wait3A_369] : memref<2x80xi32, #tpu.memory_space<vmem>> -> memref<1x80xi32, #tpu.memory_space<vmem>>
      %dma_wait3A_371 = tpu.memref_squeeze %dma_wait3A_370 : memref<1x80xi32, #tpu.memory_space<vmem>> -> memref<80xi32, #tpu.memory_space<vmem>>
      %dma_wait3A_372 = arith.constant 0 : i32
      %dma_wait3A_373 = arith.constant 0 : i32
      %dma_wait3A_374 = tpu.memref_slice %arg2[%dma_wait3A_372, %dma_wait3A_373] : memref<20000x128xf32, #tpu.memory_space<hbm>> -> memref<20000x128xf32, #tpu.memory_space<hbm>>
      tpu.wait_indirect_dma semaphore(%arg17 : memref<!tpu.dma_semaphore, #tpu.memory_space<semaphore_mem>>) src(%dma_wait3A_374 : memref<20000x128xf32, #tpu.memory_space<hbm>>) dst(%arg11 : memref<80x128xf32, #tpu.memory_space<vmem>>)
      %dma_start3A_375 = arith.constant 1 : i32
      %dma_start3A_376 = arith.constant 0 : i32
      %dma_start3A_377 = tpu.memref_slice %arg8[%dma_start3A_375, %dma_start3A_376] : memref<2x80xi32, #tpu.memory_space<vmem>> -> memref<1x80xi32, #tpu.memory_space<vmem>>
      %dma_start3A_378 = tpu.memref_squeeze %dma_start3A_377 : memref<1x80xi32, #tpu.memory_space<vmem>> -> memref<80xi32, #tpu.memory_space<vmem>>
      %dma_start3A_379 = arith.constant 0 : i32
      %dma_start3A_380 = arith.constant 0 : i32
      %dma_start3A_381 = tpu.memref_slice %arg6[%dma_start3A_379, %dma_start3A_380] : memref<10000x128xf32, #tpu.memory_space<vmem_shared>> -> memref<10000x128xf32, #tpu.memory_space<vmem_shared>>
      tpu.enqueue_indirect_dma source(%arg11 : memref<80x128xf32, #tpu.memory_space<vmem>>) target(%dma_start3A_381 : memref<10000x128xf32, #tpu.memory_space<vmem_shared>>) offsets(%dma_start3A_378 : memref<80xi32, #tpu.memory_space<vmem>>) semaphore(%arg20 : memref<!tpu.dma_semaphore, #tpu.memory_space<semaphore_mem>>) {add = true}
      %add3A_382 = arith.constant 2 : i32
      %add3A_383 = arith.addi %add3A_350, %add3A_382 : i32
      %dma_wait3A_384 = arith.constant 0 : i32
      %dma_wait3A_385 = arith.constant 0 : i32
      %dma_wait3A_386 = tpu.memref_slice %arg3[%add3A, %add3A_383, %dma_wait3A_384, %dma_wait3A_385] : memref<32x250x2x80xi32, #tpu.memory_space<hbm>> -> memref<1x1x2x80xi32, #tpu.memory_space<hbm>>
      %dma_wait3A_387 = tpu.memref_squeeze %dma_wait3A_386 : memref<1x1x2x80xi32, #tpu.memory_space<hbm>> -> memref<2x80xi32, #tpu.memory_space<hbm>>
      %dma_wait3A_388 = arith.constant 0 : i32
      %dma_wait3A_389 = arith.constant 0 : i32
      %dma_wait3A_390 = tpu.memref_slice %arg3[%add3A, %add3A_383, %dma_wait3A_388, %dma_wait3A_389] : memref<32x250x2x80xi32, #tpu.memory_space<hbm>> -> memref<1x1x2x80xi32, #tpu.memory_space<hbm>>
      %dma_wait3A_391 = tpu.memref_squeeze %dma_wait3A_390 : memref<1x1x2x80xi32, #tpu.memory_space<hbm>> -> memref<2x80xi32, #tpu.memory_space<hbm>>
      tpu.wait_dma2 semaphore(%arg13 : memref<!tpu.dma_semaphore, #tpu.memory_space<semaphore_mem>>) src(%dma_wait3A_391 : memref<2x80xi32, #tpu.memory_space<hbm>>) dst(%arg7 : memref<2x80xi32, #tpu.memory_space<vmem>>)
      %dma_start3A_392 = arith.constant 0 : i32
      %dma_start3A_393 = arith.constant 0 : i32
      %dma_start3A_394 = tpu.memref_slice %arg7[%dma_start3A_392, %dma_start3A_393] : memref<2x80xi32, #tpu.memory_space<vmem>> -> memref<1x80xi32, #tpu.memory_space<vmem>>
      %dma_start3A_395 = tpu.memref_squeeze %dma_start3A_394 : memref<1x80xi32, #tpu.memory_space<vmem>> -> memref<80xi32, #tpu.memory_space<vmem>>
      %dma_start3A_396 = arith.constant 0 : i32
      %dma_start3A_397 = arith.constant 0 : i32
      %dma_start3A_398 = tpu.memref_slice %arg2[%dma_start3A_396, %dma_start3A_397] : memref<20000x128xf32, #tpu.memory_space<hbm>> -> memref<20000x128xf32, #tpu.memory_space<hbm>>
      tpu.enqueue_indirect_dma source(%dma_start3A_398 : memref<20000x128xf32, #tpu.memory_space<hbm>>) target(%arg10 : memref<80x128xf32, #tpu.memory_space<vmem>>) offsets(%dma_start3A_395 : memref<80xi32, #tpu.memory_space<vmem>>) semaphore(%arg16 : memref<!tpu.dma_semaphore, #tpu.memory_space<semaphore_mem>>)
      %add3A_399 = arith.constant 1 : i32
      %add3A_400 = arith.addi %add3A_350, %add3A_399 : i32
      %dma_wait3A_401 = arith.constant 1 : i32
      %dma_wait3A_402 = arith.constant 0 : i32
      %dma_wait3A_403 = tpu.memref_slice %arg8[%dma_wait3A_401, %dma_wait3A_402] : memref<2x80xi32, #tpu.memory_space<vmem>> -> memref<1x80xi32, #tpu.memory_space<vmem>>
      %dma_wait3A_404 = tpu.memref_squeeze %dma_wait3A_403 : memref<1x80xi32, #tpu.memory_space<vmem>> -> memref<80xi32, #tpu.memory_space<vmem>>
      %dma_wait3A_405 = arith.constant 0 : i32
      %dma_wait3A_406 = arith.constant 0 : i32
      %dma_wait3A_407 = tpu.memref_slice %arg6[%dma_wait3A_405, %dma_wait3A_406] : memref<10000x128xf32, #tpu.memory_space<vmem_shared>> -> memref<10000x128xf32, #tpu.memory_space<vmem_shared>>
      tpu.wait_indirect_dma semaphore(%arg20 : memref<!tpu.dma_semaphore, #tpu.memory_space<semaphore_mem>>) src(%arg11 : memref<80x128xf32, #tpu.memory_space<vmem>>) dst(%dma_wait3A_407 : memref<10000x128xf32, #tpu.memory_space<vmem_shared>>)
      %add3A_408 = arith.constant 2 : i32
      %add3A_409 = arith.addi %add3A_400, %add3A_408 : i32
      %dma_start3A_410 = arith.constant 0 : i32
      %dma_start3A_411 = arith.constant 0 : i32
      %dma_start3A_412 = tpu.memref_slice %arg3[%add3A, %add3A_409, %dma_start3A_410, %dma_start3A_411] : memref<32x250x2x80xi32, #tpu.memory_space<hbm>> -> memref<1x1x2x80xi32, #tpu.memory_space<hbm>>
      %dma_start3A_413 = tpu.memref_squeeze %dma_start3A_412 : memref<1x1x2x80xi32, #tpu.memory_space<hbm>> -> memref<2x80xi32, #tpu.memory_space<hbm>>
      %dma_start3A_414 = arith.constant 0 : i32
      %dma_start3A_415 = arith.constant 0 : i32
      %dma_start3A_416 = tpu.memref_slice %arg3[%add3A, %add3A_409, %dma_start3A_414, %dma_start3A_415] : memref<32x250x2x80xi32, #tpu.memory_space<hbm>> -> memref<1x1x2x80xi32, #tpu.memory_space<hbm>>
      %dma_start3A_417 = tpu.memref_squeeze %dma_start3A_416 : memref<1x1x2x80xi32, #tpu.memory_space<hbm>> -> memref<2x80xi32, #tpu.memory_space<hbm>>
      tpu.enqueue_dma source(%dma_start3A_417 : memref<2x80xi32, #tpu.memory_space<hbm>>) target(%arg8 : memref<2x80xi32, #tpu.memory_space<vmem>>) target_semaphore(%arg14 : memref<!tpu.dma_semaphore, #tpu.memory_space<semaphore_mem>>)
      %dma_wait3A_418 = arith.constant 0 : i32
      %dma_wait3A_419 = arith.constant 0 : i32
      %dma_wait3A_420 = tpu.memref_slice %arg9[%dma_wait3A_418, %dma_wait3A_419] : memref<2x80xi32, #tpu.memory_space<vmem>> -> memref<1x80xi32, #tpu.memory_space<vmem>>
      %dma_wait3A_421 = tpu.memref_squeeze %dma_wait3A_420 : memref<1x80xi32, #tpu.memory_space<vmem>> -> memref<80xi32, #tpu.memory_space<vmem>>
      %dma_wait3A_422 = arith.constant 0 : i32
      %dma_wait3A_423 = arith.constant 0 : i32
      %dma_wait3A_424 = tpu.memref_slice %arg2[%dma_wait3A_422, %dma_wait3A_423] : memref<20000x128xf32, #tpu.memory_space<hbm>> -> memref<20000x128xf32, #tpu.memory_space<hbm>>
      tpu.wait_indirect_dma semaphore(%arg18 : memref<!tpu.dma_semaphore, #tpu.memory_space<semaphore_mem>>) src(%dma_wait3A_424 : memref<20000x128xf32, #tpu.memory_space<hbm>>) dst(%arg12 : memref<80x128xf32, #tpu.memory_space<vmem>>)
      %dma_start3A_425 = arith.constant 1 : i32
      %dma_start3A_426 = arith.constant 0 : i32
      %dma_start3A_427 = tpu.memref_slice %arg9[%dma_start3A_425, %dma_start3A_426] : memref<2x80xi32, #tpu.memory_space<vmem>> -> memref<1x80xi32, #tpu.memory_space<vmem>>
      %dma_start3A_428 = tpu.memref_squeeze %dma_start3A_427 : memref<1x80xi32, #tpu.memory_space<vmem>> -> memref<80xi32, #tpu.memory_space<vmem>>
      %dma_start3A_429 = arith.constant 0 : i32
      %dma_start3A_430 = arith.constant 0 : i32
      %dma_start3A_431 = tpu.memref_slice %arg6[%dma_start3A_429, %dma_start3A_430] : memref<10000x128xf32, #tpu.memory_space<vmem_shared>> -> memref<10000x128xf32, #tpu.memory_space<vmem_shared>>
      tpu.enqueue_indirect_dma source(%arg12 : memref<80x128xf32, #tpu.memory_space<vmem>>) target(%dma_start3A_431 : memref<10000x128xf32, #tpu.memory_space<vmem_shared>>) offsets(%dma_start3A_428 : memref<80xi32, #tpu.memory_space<vmem>>) semaphore(%arg21 : memref<!tpu.dma_semaphore, #tpu.memory_space<semaphore_mem>>) {add = true}
      %add3A_432 = arith.constant 2 : i32
      %add3A_433 = arith.addi %add3A_400, %add3A_432 : i32
      %dma_wait3A_434 = arith.constant 0 : i32
      %dma_wait3A_435 = arith.constant 0 : i32
      %dma_wait3A_436 = tpu.memref_slice %arg3[%add3A, %add3A_433, %dma_wait3A_434, %dma_wait3A_435] : memref<32x250x2x80xi32, #tpu.memory_space<hbm>> -> memref<1x1x2x80xi32, #tpu.memory_space<hbm>>
      %dma_wait3A_437 = tpu.memref_squeeze %dma_wait3A_436 : memref<1x1x2x80xi32, #tpu.memory_space<hbm>> -> memref<2x80xi32, #tpu.memory_space<hbm>>
      %dma_wait3A_438 = arith.constant 0 : i32
      %dma_wait3A_439 = arith.constant 0 : i32
      %dma_wait3A_440 = tpu.memref_slice %arg3[%add3A, %add3A_433, %dma_wait3A_438, %dma_wait3A_439] : memref<32x250x2x80xi32, #tpu.memory_space<hbm>> -> memref<1x1x2x80xi32, #tpu.memory_space<hbm>>
      %dma_wait3A_441 = tpu.memref_squeeze %dma_wait3A_440 : memref<1x1x2x80xi32, #tpu.memory_space<hbm>> -> memref<2x80xi32, #tpu.memory_space<hbm>>
      tpu.wait_dma2 semaphore(%arg14 : memref<!tpu.dma_semaphore, #tpu.memory_space<semaphore_mem>>) src(%dma_wait3A_441 : memref<2x80xi32, #tpu.memory_space<hbm>>) dst(%arg8 : memref<2x80xi32, #tpu.memory_space<vmem>>)
      %dma_start3A_442 = arith.constant 0 : i32
      %dma_start3A_443 = arith.constant 0 : i32
      %dma_start3A_444 = tpu.memref_slice %arg8[%dma_start3A_442, %dma_start3A_443] : memref<2x80xi32, #tpu.memory_space<vmem>> -> memref<1x80xi32, #tpu.memory_space<vmem>>
      %dma_start3A_445 = tpu.memref_squeeze %dma_start3A_444 : memref<1x80xi32, #tpu.memory_space<vmem>> -> memref<80xi32, #tpu.memory_space<vmem>>
      %dma_start3A_446 = arith.constant 0 : i32
      %dma_start3A_447 = arith.constant 0 : i32
      %dma_start3A_448 = tpu.memref_slice %arg2[%dma_start3A_446, %dma_start3A_447] : memref<20000x128xf32, #tpu.memory_space<hbm>> -> memref<20000x128xf32, #tpu.memory_space<hbm>>
      tpu.enqueue_indirect_dma source(%dma_start3A_448 : memref<20000x128xf32, #tpu.memory_space<hbm>>) target(%arg11 : memref<80x128xf32, #tpu.memory_space<vmem>>) offsets(%dma_start3A_445 : memref<80xi32, #tpu.memory_space<vmem>>) semaphore(%arg17 : memref<!tpu.dma_semaphore, #tpu.memory_space<semaphore_mem>>)
      %add3A_449 = arith.constant 2 : i32
      %add3A_450 = arith.addi %add3A_350, %add3A_449 : i32
      %dma_wait3A_451 = arith.constant 1 : i32
      %dma_wait3A_452 = arith.constant 0 : i32
      %dma_wait3A_453 = tpu.memref_slice %arg9[%dma_wait3A_451, %dma_wait3A_452] : memref<2x80xi32, #tpu.memory_space<vmem>> -> memref<1x80xi32, #tpu.memory_space<vmem>>
      %dma_wait3A_454 = tpu.memref_squeeze %dma_wait3A_453 : memref<1x80xi32, #tpu.memory_space<vmem>> -> memref<80xi32, #tpu.memory_space<vmem>>
      %dma_wait3A_455 = arith.constant 0 : i32
      %dma_wait3A_456 = arith.constant 0 : i32
      %dma_wait3A_457 = tpu.memref_slice %arg6[%dma_wait3A_455, %dma_wait3A_456] : memref<10000x128xf32, #tpu.memory_space<vmem_shared>> -> memref<10000x128xf32, #tpu.memory_space<vmem_shared>>
      tpu.wait_indirect_dma semaphore(%arg21 : memref<!tpu.dma_semaphore, #tpu.memory_space<semaphore_mem>>) src(%arg12 : memref<80x128xf32, #tpu.memory_space<vmem>>) dst(%dma_wait3A_457 : memref<10000x128xf32, #tpu.memory_space<vmem_shared>>)
      %add3A_458 = arith.constant 2 : i32
      %add3A_459 = arith.addi %add3A_450, %add3A_458 : i32
      %dma_start3A_460 = arith.constant 0 : i32
      %dma_start3A_461 = arith.constant 0 : i32
      %dma_start3A_462 = tpu.memref_slice %arg3[%add3A, %add3A_459, %dma_start3A_460, %dma_start3A_461] : memref<32x250x2x80xi32, #tpu.memory_space<hbm>> -> memref<1x1x2x80xi32, #tpu.memory_space<hbm>>
      %dma_start3A_463 = tpu.memref_squeeze %dma_start3A_462 : memref<1x1x2x80xi32, #tpu.memory_space<hbm>> -> memref<2x80xi32, #tpu.memory_space<hbm>>
      %dma_start3A_464 = arith.constant 0 : i32
      %dma_start3A_465 = arith.constant 0 : i32
      %dma_start3A_466 = tpu.memref_slice %arg3[%add3A, %add3A_459, %dma_start3A_464, %dma_start3A_465] : memref<32x250x2x80xi32, #tpu.memory_space<hbm>> -> memref<1x1x2x80xi32, #tpu.memory_space<hbm>>
      %dma_start3A_467 = tpu.memref_squeeze %dma_start3A_466 : memref<1x1x2x80xi32, #tpu.memory_space<hbm>> -> memref<2x80xi32, #tpu.memory_space<hbm>>
      tpu.enqueue_dma source(%dma_start3A_467 : memref<2x80xi32, #tpu.memory_space<hbm>>) target(%arg9 : memref<2x80xi32, #tpu.memory_space<vmem>>) target_semaphore(%arg15 : memref<!tpu.dma_semaphore, #tpu.memory_space<semaphore_mem>>)
      %dma_wait3A_468 = arith.constant 0 : i32
      %dma_wait3A_469 = arith.constant 0 : i32
      %dma_wait3A_470 = tpu.memref_slice %arg7[%dma_wait3A_468, %dma_wait3A_469] : memref<2x80xi32, #tpu.memory_space<vmem>> -> memref<1x80xi32, #tpu.memory_space<vmem>>
      %dma_wait3A_471 = tpu.memref_squeeze %dma_wait3A_470 : memref<1x80xi32, #tpu.memory_space<vmem>> -> memref<80xi32, #tpu.memory_space<vmem>>
      %dma_wait3A_472 = arith.constant 0 : i32
      %dma_wait3A_473 = arith.constant 0 : i32
      %dma_wait3A_474 = tpu.memref_slice %arg2[%dma_wait3A_472, %dma_wait3A_473] : memref<20000x128xf32, #tpu.memory_space<hbm>> -> memref<20000x128xf32, #tpu.memory_space<hbm>>
      tpu.wait_indirect_dma semaphore(%arg16 : memref<!tpu.dma_semaphore, #tpu.memory_space<semaphore_mem>>) src(%dma_wait3A_474 : memref<20000x128xf32, #tpu.memory_space<hbm>>) dst(%arg10 : memref<80x128xf32, #tpu.memory_space<vmem>>)
      %dma_start3A_475 = arith.constant 1 : i32
      %dma_start3A_476 = arith.constant 0 : i32
      %dma_start3A_477 = tpu.memref_slice %arg7[%dma_start3A_475, %dma_start3A_476] : memref<2x80xi32, #tpu.memory_space<vmem>> -> memref<1x80xi32, #tpu.memory_space<vmem>>
      %dma_start3A_478 = tpu.memref_squeeze %dma_start3A_477 : memref<1x80xi32, #tpu.memory_space<vmem>> -> memref<80xi32, #tpu.memory_space<vmem>>
      %dma_start3A_479 = arith.constant 0 : i32
      %dma_start3A_480 = arith.constant 0 : i32
      %dma_start3A_481 = tpu.memref_slice %arg6[%dma_start3A_479, %dma_start3A_480] : memref<10000x128xf32, #tpu.memory_space<vmem_shared>> -> memref<10000x128xf32, #tpu.memory_space<vmem_shared>>
      tpu.enqueue_indirect_dma source(%arg10 : memref<80x128xf32, #tpu.memory_space<vmem>>) target(%dma_start3A_481 : memref<10000x128xf32, #tpu.memory_space<vmem_shared>>) offsets(%dma_start3A_478 : memref<80xi32, #tpu.memory_space<vmem>>) semaphore(%arg19 : memref<!tpu.dma_semaphore, #tpu.memory_space<semaphore_mem>>) {add = true}
      %add3A_482 = arith.constant 2 : i32
      %add3A_483 = arith.addi %add3A_450, %add3A_482 : i32
      %dma_wait3A_484 = arith.constant 0 : i32
      %dma_wait3A_485 = arith.constant 0 : i32
      %dma_wait3A_486 = tpu.memref_slice %arg3[%add3A, %add3A_483, %dma_wait3A_484, %dma_wait3A_485] : memref<32x250x2x80xi32, #tpu.memory_space<hbm>> -> memref<1x1x2x80xi32, #tpu.memory_space<hbm>>
      %dma_wait3A_487 = tpu.memref_squeeze %dma_wait3A_486 : memref<1x1x2x80xi32, #tpu.memory_space<hbm>> -> memref<2x80xi32, #tpu.memory_space<hbm>>
      %dma_wait3A_488 = arith.constant 0 : i32
      %dma_wait3A_489 = arith.constant 0 : i32
      %dma_wait3A_490 = tpu.memref_slice %arg3[%add3A, %add3A_483, %dma_wait3A_488, %dma_wait3A_489] : memref<32x250x2x80xi32, #tpu.memory_space<hbm>> -> memref<1x1x2x80xi32, #tpu.memory_space<hbm>>
      %dma_wait3A_491 = tpu.memref_squeeze %dma_wait3A_490 : memref<1x1x2x80xi32, #tpu.memory_space<hbm>> -> memref<2x80xi32, #tpu.memory_space<hbm>>
      tpu.wait_dma2 semaphore(%arg15 : memref<!tpu.dma_semaphore, #tpu.memory_space<semaphore_mem>>) src(%dma_wait3A_491 : memref<2x80xi32, #tpu.memory_space<hbm>>) dst(%arg9 : memref<2x80xi32, #tpu.memory_space<vmem>>)
      %dma_start3A_492 = arith.constant 0 : i32
      %dma_start3A_493 = arith.constant 0 : i32
      %dma_start3A_494 = tpu.memref_slice %arg9[%dma_start3A_492, %dma_start3A_493] : memref<2x80xi32, #tpu.memory_space<vmem>> -> memref<1x80xi32, #tpu.memory_space<vmem>>
      %dma_start3A_495 = tpu.memref_squeeze %dma_start3A_494 : memref<1x80xi32, #tpu.memory_space<vmem>> -> memref<80xi32, #tpu.memory_space<vmem>>
      %dma_start3A_496 = arith.constant 0 : i32
      %dma_start3A_497 = arith.constant 0 : i32
      %dma_start3A_498 = tpu.memref_slice %arg2[%dma_start3A_496, %dma_start3A_497] : memref<20000x128xf32, #tpu.memory_space<hbm>> -> memref<20000x128xf32, #tpu.memory_space<hbm>>
      tpu.enqueue_indirect_dma source(%dma_start3A_498 : memref<20000x128xf32, #tpu.memory_space<hbm>>) target(%arg12 : memref<80x128xf32, #tpu.memory_space<vmem>>) offsets(%dma_start3A_495 : memref<80xi32, #tpu.memory_space<vmem>>) semaphore(%arg18 : memref<!tpu.dma_semaphore, #tpu.memory_space<semaphore_mem>>)
    }
    %scan3A_95 = arith.constant 81 : i32
    %dma_wait3A_96 = arith.constant 1 : i32
    %dma_wait3A_97 = arith.constant 0 : i32
    %dma_wait3A_98 = tpu.memref_slice %arg7[%dma_wait3A_96, %dma_wait3A_97] : memref<2x80xi32, #tpu.memory_space<vmem>> -> memref<1x80xi32, #tpu.memory_space<vmem>>
    %dma_wait3A_99 = tpu.memref_squeeze %dma_wait3A_98 : memref<1x80xi32, #tpu.memory_space<vmem>> -> memref<80xi32, #tpu.memory_space<vmem>>
    %dma_wait3A_100 = arith.constant 0 : i32
    %dma_wait3A_101 = arith.constant 0 : i32
    %dma_wait3A_102 = tpu.memref_slice %arg6[%dma_wait3A_100, %dma_wait3A_101] : memref<10000x128xf32, #tpu.memory_space<vmem_shared>> -> memref<10000x128xf32, #tpu.memory_space<vmem_shared>>
    tpu.wait_indirect_dma semaphore(%arg19 : memref<!tpu.dma_semaphore, #tpu.memory_space<semaphore_mem>>) src(%arg10 : memref<80x128xf32, #tpu.memory_space<vmem>>) dst(%dma_wait3A_102 : memref<10000x128xf32, #tpu.memory_space<vmem_shared>>)
    %dma_start3A_103 = arith.constant 246 : i32
    %dma_start3A_104 = arith.constant 0 : i32
    %dma_start3A_105 = arith.constant 0 : i32
    %dma_start3A_106 = tpu.memref_slice %arg3[%add3A, %dma_start3A_103, %dma_start3A_104, %dma_start3A_105] : memref<32x250x2x80xi32, #tpu.memory_space<hbm>> -> memref<1x1x2x80xi32, #tpu.memory_space<hbm>>
    %dma_start3A_107 = tpu.memref_squeeze %dma_start3A_106 : memref<1x1x2x80xi32, #tpu.memory_space<hbm>> -> memref<2x80xi32, #tpu.memory_space<hbm>>
    %dma_start3A_108 = arith.constant 0 : i32
    %dma_start3A_109 = arith.constant 0 : i32
    %dma_start3A_110 = tpu.memref_slice %arg3[%add3A, %dma_start3A_103, %dma_start3A_108, %dma_start3A_109] : memref<32x250x2x80xi32, #tpu.memory_space<hbm>> -> memref<1x1x2x80xi32, #tpu.memory_space<hbm>>
    %dma_start3A_111 = tpu.memref_squeeze %dma_start3A_110 : memref<1x1x2x80xi32, #tpu.memory_space<hbm>> -> memref<2x80xi32, #tpu.memory_space<hbm>>
    tpu.enqueue_dma source(%dma_start3A_111 : memref<2x80xi32, #tpu.memory_space<hbm>>) target(%arg7 : memref<2x80xi32, #tpu.memory_space<vmem>>) target_semaphore(%arg13 : memref<!tpu.dma_semaphore, #tpu.memory_space<semaphore_mem>>)
    %dma_wait3A_112 = arith.constant 0 : i32
    %dma_wait3A_113 = arith.constant 0 : i32
    %dma_wait3A_114 = tpu.memref_slice %arg8[%dma_wait3A_112, %dma_wait3A_113] : memref<2x80xi32, #tpu.memory_space<vmem>> -> memref<1x80xi32, #tpu.memory_space<vmem>>
    %dma_wait3A_115 = tpu.memref_squeeze %dma_wait3A_114 : memref<1x80xi32, #tpu.memory_space<vmem>> -> memref<80xi32, #tpu.memory_space<vmem>>
    %dma_wait3A_116 = arith.constant 0 : i32
    %dma_wait3A_117 = arith.constant 0 : i32
    %dma_wait3A_118 = tpu.memref_slice %arg2[%dma_wait3A_116, %dma_wait3A_117] : memref<20000x128xf32, #tpu.memory_space<hbm>> -> memref<20000x128xf32, #tpu.memory_space<hbm>>
    tpu.wait_indirect_dma semaphore(%arg17 : memref<!tpu.dma_semaphore, #tpu.memory_space<semaphore_mem>>) src(%dma_wait3A_118 : memref<20000x128xf32, #tpu.memory_space<hbm>>) dst(%arg11 : memref<80x128xf32, #tpu.memory_space<vmem>>)
    %dma_start3A_119 = arith.constant 1 : i32
    %dma_start3A_120 = arith.constant 0 : i32
    %dma_start3A_121 = tpu.memref_slice %arg8[%dma_start3A_119, %dma_start3A_120] : memref<2x80xi32, #tpu.memory_space<vmem>> -> memref<1x80xi32, #tpu.memory_space<vmem>>
    %dma_start3A_122 = tpu.memref_squeeze %dma_start3A_121 : memref<1x80xi32, #tpu.memory_space<vmem>> -> memref<80xi32, #tpu.memory_space<vmem>>
    %dma_start3A_123 = arith.constant 0 : i32
    %dma_start3A_124 = arith.constant 0 : i32
    %dma_start3A_125 = tpu.memref_slice %arg6[%dma_start3A_123, %dma_start3A_124] : memref<10000x128xf32, #tpu.memory_space<vmem_shared>> -> memref<10000x128xf32, #tpu.memory_space<vmem_shared>>
    tpu.enqueue_indirect_dma source(%arg11 : memref<80x128xf32, #tpu.memory_space<vmem>>) target(%dma_start3A_125 : memref<10000x128xf32, #tpu.memory_space<vmem_shared>>) offsets(%dma_start3A_122 : memref<80xi32, #tpu.memory_space<vmem>>) semaphore(%arg20 : memref<!tpu.dma_semaphore, #tpu.memory_space<semaphore_mem>>) {add = true}
    %dma_wait3A_126 = arith.constant 246 : i32
    %dma_wait3A_127 = arith.constant 0 : i32
    %dma_wait3A_128 = arith.constant 0 : i32
    %dma_wait3A_129 = tpu.memref_slice %arg3[%add3A, %dma_wait3A_126, %dma_wait3A_127, %dma_wait3A_128] : memref<32x250x2x80xi32, #tpu.memory_space<hbm>> -> memref<1x1x2x80xi32, #tpu.memory_space<hbm>>
    %dma_wait3A_130 = tpu.memref_squeeze %dma_wait3A_129 : memref<1x1x2x80xi32, #tpu.memory_space<hbm>> -> memref<2x80xi32, #tpu.memory_space<hbm>>
    %dma_wait3A_131 = arith.constant 0 : i32
    %dma_wait3A_132 = arith.constant 0 : i32
    %dma_wait3A_133 = tpu.memref_slice %arg3[%add3A, %dma_wait3A_126, %dma_wait3A_131, %dma_wait3A_132] : memref<32x250x2x80xi32, #tpu.memory_space<hbm>> -> memref<1x1x2x80xi32, #tpu.memory_space<hbm>>
    %dma_wait3A_134 = tpu.memref_squeeze %dma_wait3A_133 : memref<1x1x2x80xi32, #tpu.memory_space<hbm>> -> memref<2x80xi32, #tpu.memory_space<hbm>>
    tpu.wait_dma2 semaphore(%arg13 : memref<!tpu.dma_semaphore, #tpu.memory_space<semaphore_mem>>) src(%dma_wait3A_134 : memref<2x80xi32, #tpu.memory_space<hbm>>) dst(%arg7 : memref<2x80xi32, #tpu.memory_space<vmem>>)
    %dma_start3A_135 = arith.constant 0 : i32
    %dma_start3A_136 = arith.constant 0 : i32
    %dma_start3A_137 = tpu.memref_slice %arg7[%dma_start3A_135, %dma_start3A_136] : memref<2x80xi32, #tpu.memory_space<vmem>> -> memref<1x80xi32, #tpu.memory_space<vmem>>
    %dma_start3A_138 = tpu.memref_squeeze %dma_start3A_137 : memref<1x80xi32, #tpu.memory_space<vmem>> -> memref<80xi32, #tpu.memory_space<vmem>>
    %dma_start3A_139 = arith.constant 0 : i32
    %dma_start3A_140 = arith.constant 0 : i32
    %dma_start3A_141 = tpu.memref_slice %arg2[%dma_start3A_139, %dma_start3A_140] : memref<20000x128xf32, #tpu.memory_space<hbm>> -> memref<20000x128xf32, #tpu.memory_space<hbm>>
    tpu.enqueue_indirect_dma source(%dma_start3A_141 : memref<20000x128xf32, #tpu.memory_space<hbm>>) target(%arg10 : memref<80x128xf32, #tpu.memory_space<vmem>>) offsets(%dma_start3A_138 : memref<80xi32, #tpu.memory_space<vmem>>) semaphore(%arg16 : memref<!tpu.dma_semaphore, #tpu.memory_space<semaphore_mem>>)
    %dma_wait3A_142 = arith.constant 1 : i32
    %dma_wait3A_143 = arith.constant 0 : i32
    %dma_wait3A_144 = tpu.memref_slice %arg8[%dma_wait3A_142, %dma_wait3A_143] : memref<2x80xi32, #tpu.memory_space<vmem>> -> memref<1x80xi32, #tpu.memory_space<vmem>>
    %dma_wait3A_145 = tpu.memref_squeeze %dma_wait3A_144 : memref<1x80xi32, #tpu.memory_space<vmem>> -> memref<80xi32, #tpu.memory_space<vmem>>
    %dma_wait3A_146 = arith.constant 0 : i32
    %dma_wait3A_147 = arith.constant 0 : i32
    %dma_wait3A_148 = tpu.memref_slice %arg6[%dma_wait3A_146, %dma_wait3A_147] : memref<10000x128xf32, #tpu.memory_space<vmem_shared>> -> memref<10000x128xf32, #tpu.memory_space<vmem_shared>>
    tpu.wait_indirect_dma semaphore(%arg20 : memref<!tpu.dma_semaphore, #tpu.memory_space<semaphore_mem>>) src(%arg11 : memref<80x128xf32, #tpu.memory_space<vmem>>) dst(%dma_wait3A_148 : memref<10000x128xf32, #tpu.memory_space<vmem_shared>>)
    %dma_start3A_149 = arith.constant 247 : i32
    %dma_start3A_150 = arith.constant 0 : i32
    %dma_start3A_151 = arith.constant 0 : i32
    %dma_start3A_152 = tpu.memref_slice %arg3[%add3A, %dma_start3A_149, %dma_start3A_150, %dma_start3A_151] : memref<32x250x2x80xi32, #tpu.memory_space<hbm>> -> memref<1x1x2x80xi32, #tpu.memory_space<hbm>>
    %dma_start3A_153 = tpu.memref_squeeze %dma_start3A_152 : memref<1x1x2x80xi32, #tpu.memory_space<hbm>> -> memref<2x80xi32, #tpu.memory_space<hbm>>
    %dma_start3A_154 = arith.constant 0 : i32
    %dma_start3A_155 = arith.constant 0 : i32
    %dma_start3A_156 = tpu.memref_slice %arg3[%add3A, %dma_start3A_149, %dma_start3A_154, %dma_start3A_155] : memref<32x250x2x80xi32, #tpu.memory_space<hbm>> -> memref<1x1x2x80xi32, #tpu.memory_space<hbm>>
    %dma_start3A_157 = tpu.memref_squeeze %dma_start3A_156 : memref<1x1x2x80xi32, #tpu.memory_space<hbm>> -> memref<2x80xi32, #tpu.memory_space<hbm>>
    tpu.enqueue_dma source(%dma_start3A_157 : memref<2x80xi32, #tpu.memory_space<hbm>>) target(%arg8 : memref<2x80xi32, #tpu.memory_space<vmem>>) target_semaphore(%arg14 : memref<!tpu.dma_semaphore, #tpu.memory_space<semaphore_mem>>)
    %dma_wait3A_158 = arith.constant 0 : i32
    %dma_wait3A_159 = arith.constant 0 : i32
    %dma_wait3A_160 = tpu.memref_slice %arg9[%dma_wait3A_158, %dma_wait3A_159] : memref<2x80xi32, #tpu.memory_space<vmem>> -> memref<1x80xi32, #tpu.memory_space<vmem>>
    %dma_wait3A_161 = tpu.memref_squeeze %dma_wait3A_160 : memref<1x80xi32, #tpu.memory_space<vmem>> -> memref<80xi32, #tpu.memory_space<vmem>>
    %dma_wait3A_162 = arith.constant 0 : i32
    %dma_wait3A_163 = arith.constant 0 : i32
    %dma_wait3A_164 = tpu.memref_slice %arg2[%dma_wait3A_162, %dma_wait3A_163] : memref<20000x128xf32, #tpu.memory_space<hbm>> -> memref<20000x128xf32, #tpu.memory_space<hbm>>
    tpu.wait_indirect_dma semaphore(%arg18 : memref<!tpu.dma_semaphore, #tpu.memory_space<semaphore_mem>>) src(%dma_wait3A_164 : memref<20000x128xf32, #tpu.memory_space<hbm>>) dst(%arg12 : memref<80x128xf32, #tpu.memory_space<vmem>>)
    %dma_start3A_165 = arith.constant 1 : i32
    %dma_start3A_166 = arith.constant 0 : i32
    %dma_start3A_167 = tpu.memref_slice %arg9[%dma_start3A_165, %dma_start3A_166] : memref<2x80xi32, #tpu.memory_space<vmem>> -> memref<1x80xi32, #tpu.memory_space<vmem>>
    %dma_start3A_168 = tpu.memref_squeeze %dma_start3A_167 : memref<1x80xi32, #tpu.memory_space<vmem>> -> memref<80xi32, #tpu.memory_space<vmem>>
    %dma_start3A_169 = arith.constant 0 : i32
    %dma_start3A_170 = arith.constant 0 : i32
    %dma_start3A_171 = tpu.memref_slice %arg6[%dma_start3A_169, %dma_start3A_170] : memref<10000x128xf32, #tpu.memory_space<vmem_shared>> -> memref<10000x128xf32, #tpu.memory_space<vmem_shared>>
    tpu.enqueue_indirect_dma source(%arg12 : memref<80x128xf32, #tpu.memory_space<vmem>>) target(%dma_start3A_171 : memref<10000x128xf32, #tpu.memory_space<vmem_shared>>) offsets(%dma_start3A_168 : memref<80xi32, #tpu.memory_space<vmem>>) semaphore(%arg21 : memref<!tpu.dma_semaphore, #tpu.memory_space<semaphore_mem>>) {add = true}
    %dma_wait3A_172 = arith.constant 247 : i32
    %dma_wait3A_173 = arith.constant 0 : i32
    %dma_wait3A_174 = arith.constant 0 : i32
    %dma_wait3A_175 = tpu.memref_slice %arg3[%add3A, %dma_wait3A_172, %dma_wait3A_173, %dma_wait3A_174] : memref<32x250x2x80xi32, #tpu.memory_space<hbm>> -> memref<1x1x2x80xi32, #tpu.memory_space<hbm>>
    %dma_wait3A_176 = tpu.memref_squeeze %dma_wait3A_175 : memref<1x1x2x80xi32, #tpu.memory_space<hbm>> -> memref<2x80xi32, #tpu.memory_space<hbm>>
    %dma_wait3A_177 = arith.constant 0 : i32
    %dma_wait3A_178 = arith.constant 0 : i32
    %dma_wait3A_179 = tpu.memref_slice %arg3[%add3A, %dma_wait3A_172, %dma_wait3A_177, %dma_wait3A_178] : memref<32x250x2x80xi32, #tpu.memory_space<hbm>> -> memref<1x1x2x80xi32, #tpu.memory_space<hbm>>
    %dma_wait3A_180 = tpu.memref_squeeze %dma_wait3A_179 : memref<1x1x2x80xi32, #tpu.memory_space<hbm>> -> memref<2x80xi32, #tpu.memory_space<hbm>>
    tpu.wait_dma2 semaphore(%arg14 : memref<!tpu.dma_semaphore, #tpu.memory_space<semaphore_mem>>) src(%dma_wait3A_180 : memref<2x80xi32, #tpu.memory_space<hbm>>) dst(%arg8 : memref<2x80xi32, #tpu.memory_space<vmem>>)
    %dma_start3A_181 = arith.constant 0 : i32
    %dma_start3A_182 = arith.constant 0 : i32
    %dma_start3A_183 = tpu.memref_slice %arg8[%dma_start3A_181, %dma_start3A_182] : memref<2x80xi32, #tpu.memory_space<vmem>> -> memref<1x80xi32, #tpu.memory_space<vmem>>
    %dma_start3A_184 = tpu.memref_squeeze %dma_start3A_183 : memref<1x80xi32, #tpu.memory_space<vmem>> -> memref<80xi32, #tpu.memory_space<vmem>>
    %dma_start3A_185 = arith.constant 0 : i32
    %dma_start3A_186 = arith.constant 0 : i32
    %dma_start3A_187 = tpu.memref_slice %arg2[%dma_start3A_185, %dma_start3A_186] : memref<20000x128xf32, #tpu.memory_space<hbm>> -> memref<20000x128xf32, #tpu.memory_space<hbm>>
    tpu.enqueue_indirect_dma source(%dma_start3A_187 : memref<20000x128xf32, #tpu.memory_space<hbm>>) target(%arg11 : memref<80x128xf32, #tpu.memory_space<vmem>>) offsets(%dma_start3A_184 : memref<80xi32, #tpu.memory_space<vmem>>) semaphore(%arg17 : memref<!tpu.dma_semaphore, #tpu.memory_space<semaphore_mem>>)
    %dma_wait3A_188 = arith.constant 1 : i32
    %dma_wait3A_189 = arith.constant 0 : i32
    %dma_wait3A_190 = tpu.memref_slice %arg9[%dma_wait3A_188, %dma_wait3A_189] : memref<2x80xi32, #tpu.memory_space<vmem>> -> memref<1x80xi32, #tpu.memory_space<vmem>>
    %dma_wait3A_191 = tpu.memref_squeeze %dma_wait3A_190 : memref<1x80xi32, #tpu.memory_space<vmem>> -> memref<80xi32, #tpu.memory_space<vmem>>
    %dma_wait3A_192 = arith.constant 0 : i32
    %dma_wait3A_193 = arith.constant 0 : i32
    %dma_wait3A_194 = tpu.memref_slice %arg6[%dma_wait3A_192, %dma_wait3A_193] : memref<10000x128xf32, #tpu.memory_space<vmem_shared>> -> memref<10000x128xf32, #tpu.memory_space<vmem_shared>>
    tpu.wait_indirect_dma semaphore(%arg21 : memref<!tpu.dma_semaphore, #tpu.memory_space<semaphore_mem>>) src(%arg12 : memref<80x128xf32, #tpu.memory_space<vmem>>) dst(%dma_wait3A_194 : memref<10000x128xf32, #tpu.memory_space<vmem_shared>>)
    %dma_start3A_195 = arith.constant 248 : i32
    %dma_start3A_196 = arith.constant 0 : i32
    %dma_start3A_197 = arith.constant 0 : i32
    %dma_start3A_198 = tpu.memref_slice %arg3[%add3A, %dma_start3A_195, %dma_start3A_196, %dma_start3A_197] : memref<32x250x2x80xi32, #tpu.memory_space<hbm>> -> memref<1x1x2x80xi32, #tpu.memory_space<hbm>>
    %dma_start3A_199 = tpu.memref_squeeze %dma_start3A_198 : memref<1x1x2x80xi32, #tpu.memory_space<hbm>> -> memref<2x80xi32, #tpu.memory_space<hbm>>
    %dma_start3A_200 = arith.constant 0 : i32
    %dma_start3A_201 = arith.constant 0 : i32
    %dma_start3A_202 = tpu.memref_slice %arg3[%add3A, %dma_start3A_195, %dma_start3A_200, %dma_start3A_201] : memref<32x250x2x80xi32, #tpu.memory_space<hbm>> -> memref<1x1x2x80xi32, #tpu.memory_space<hbm>>
    %dma_start3A_203 = tpu.memref_squeeze %dma_start3A_202 : memref<1x1x2x80xi32, #tpu.memory_space<hbm>> -> memref<2x80xi32, #tpu.memory_space<hbm>>
    tpu.enqueue_dma source(%dma_start3A_203 : memref<2x80xi32, #tpu.memory_space<hbm>>) target(%arg9 : memref<2x80xi32, #tpu.memory_space<vmem>>) target_semaphore(%arg15 : memref<!tpu.dma_semaphore, #tpu.memory_space<semaphore_mem>>)
    %dma_wait3A_204 = arith.constant 0 : i32
    %dma_wait3A_205 = arith.constant 0 : i32
    %dma_wait3A_206 = tpu.memref_slice %arg7[%dma_wait3A_204, %dma_wait3A_205] : memref<2x80xi32, #tpu.memory_space<vmem>> -> memref<1x80xi32, #tpu.memory_space<vmem>>
    %dma_wait3A_207 = tpu.memref_squeeze %dma_wait3A_206 : memref<1x80xi32, #tpu.memory_space<vmem>> -> memref<80xi32, #tpu.memory_space<vmem>>
    %dma_wait3A_208 = arith.constant 0 : i32
    %dma_wait3A_209 = arith.constant 0 : i32
    %dma_wait3A_210 = tpu.memref_slice %arg2[%dma_wait3A_208, %dma_wait3A_209] : memref<20000x128xf32, #tpu.memory_space<hbm>> -> memref<20000x128xf32, #tpu.memory_space<hbm>>
    tpu.wait_indirect_dma semaphore(%arg16 : memref<!tpu.dma_semaphore, #tpu.memory_space<semaphore_mem>>) src(%dma_wait3A_210 : memref<20000x128xf32, #tpu.memory_space<hbm>>) dst(%arg10 : memref<80x128xf32, #tpu.memory_space<vmem>>)
    %dma_start3A_211 = arith.constant 1 : i32
    %dma_start3A_212 = arith.constant 0 : i32
    %dma_start3A_213 = tpu.memref_slice %arg7[%dma_start3A_211, %dma_start3A_212] : memref<2x80xi32, #tpu.memory_space<vmem>> -> memref<1x80xi32, #tpu.memory_space<vmem>>
    %dma_start3A_214 = tpu.memref_squeeze %dma_start3A_213 : memref<1x80xi32, #tpu.memory_space<vmem>> -> memref<80xi32, #tpu.memory_space<vmem>>
    %dma_start3A_215 = arith.constant 0 : i32
    %dma_start3A_216 = arith.constant 0 : i32
    %dma_start3A_217 = tpu.memref_slice %arg6[%dma_start3A_215, %dma_start3A_216] : memref<10000x128xf32, #tpu.memory_space<vmem_shared>> -> memref<10000x128xf32, #tpu.memory_space<vmem_shared>>
    tpu.enqueue_indirect_dma source(%arg10 : memref<80x128xf32, #tpu.memory_space<vmem>>) target(%dma_start3A_217 : memref<10000x128xf32, #tpu.memory_space<vmem_shared>>) offsets(%dma_start3A_214 : memref<80xi32, #tpu.memory_space<vmem>>) semaphore(%arg19 : memref<!tpu.dma_semaphore, #tpu.memory_space<semaphore_mem>>) {add = true}
    %dma_wait3A_218 = arith.constant 248 : i32
    %dma_wait3A_219 = arith.constant 0 : i32
    %dma_wait3A_220 = arith.constant 0 : i32
    %dma_wait3A_221 = tpu.memref_slice %arg3[%add3A, %dma_wait3A_218, %dma_wait3A_219, %dma_wait3A_220] : memref<32x250x2x80xi32, #tpu.memory_space<hbm>> -> memref<1x1x2x80xi32, #tpu.memory_space<hbm>>
    %dma_wait3A_222 = tpu.memref_squeeze %dma_wait3A_221 : memref<1x1x2x80xi32, #tpu.memory_space<hbm>> -> memref<2x80xi32, #tpu.memory_space<hbm>>
    %dma_wait3A_223 = arith.constant 0 : i32
    %dma_wait3A_224 = arith.constant 0 : i32
    %dma_wait3A_225 = tpu.memref_slice %arg3[%add3A, %dma_wait3A_218, %dma_wait3A_223, %dma_wait3A_224] : memref<32x250x2x80xi32, #tpu.memory_space<hbm>> -> memref<1x1x2x80xi32, #tpu.memory_space<hbm>>
    %dma_wait3A_226 = tpu.memref_squeeze %dma_wait3A_225 : memref<1x1x2x80xi32, #tpu.memory_space<hbm>> -> memref<2x80xi32, #tpu.memory_space<hbm>>
    tpu.wait_dma2 semaphore(%arg15 : memref<!tpu.dma_semaphore, #tpu.memory_space<semaphore_mem>>) src(%dma_wait3A_226 : memref<2x80xi32, #tpu.memory_space<hbm>>) dst(%arg9 : memref<2x80xi32, #tpu.memory_space<vmem>>)
    %dma_start3A_227 = arith.constant 0 : i32
    %dma_start3A_228 = arith.constant 0 : i32
    %dma_start3A_229 = tpu.memref_slice %arg9[%dma_start3A_227, %dma_start3A_228] : memref<2x80xi32, #tpu.memory_space<vmem>> -> memref<1x80xi32, #tpu.memory_space<vmem>>
    %dma_start3A_230 = tpu.memref_squeeze %dma_start3A_229 : memref<1x80xi32, #tpu.memory_space<vmem>> -> memref<80xi32, #tpu.memory_space<vmem>>
    %dma_start3A_231 = arith.constant 0 : i32
    %dma_start3A_232 = arith.constant 0 : i32
    %dma_start3A_233 = tpu.memref_slice %arg2[%dma_start3A_231, %dma_start3A_232] : memref<20000x128xf32, #tpu.memory_space<hbm>> -> memref<20000x128xf32, #tpu.memory_space<hbm>>
    tpu.enqueue_indirect_dma source(%dma_start3A_233 : memref<20000x128xf32, #tpu.memory_space<hbm>>) target(%arg12 : memref<80x128xf32, #tpu.memory_space<vmem>>) offsets(%dma_start3A_230 : memref<80xi32, #tpu.memory_space<vmem>>) semaphore(%arg18 : memref<!tpu.dma_semaphore, #tpu.memory_space<semaphore_mem>>)
    %dma_wait3A_234 = arith.constant 1 : i32
    %dma_wait3A_235 = arith.constant 0 : i32
    %dma_wait3A_236 = tpu.memref_slice %arg7[%dma_wait3A_234, %dma_wait3A_235] : memref<2x80xi32, #tpu.memory_space<vmem>> -> memref<1x80xi32, #tpu.memory_space<vmem>>
    %dma_wait3A_237 = tpu.memref_squeeze %dma_wait3A_236 : memref<1x80xi32, #tpu.memory_space<vmem>> -> memref<80xi32, #tpu.memory_space<vmem>>
    %dma_wait3A_238 = arith.constant 0 : i32
    %dma_wait3A_239 = arith.constant 0 : i32
    %dma_wait3A_240 = tpu.memref_slice %arg6[%dma_wait3A_238, %dma_wait3A_239] : memref<10000x128xf32, #tpu.memory_space<vmem_shared>> -> memref<10000x128xf32, #tpu.memory_space<vmem_shared>>
    tpu.wait_indirect_dma semaphore(%arg19 : memref<!tpu.dma_semaphore, #tpu.memory_space<semaphore_mem>>) src(%arg10 : memref<80x128xf32, #tpu.memory_space<vmem>>) dst(%dma_wait3A_240 : memref<10000x128xf32, #tpu.memory_space<vmem_shared>>)
    %dma_start3A_241 = arith.constant 249 : i32
    %dma_start3A_242 = arith.constant 0 : i32
    %dma_start3A_243 = arith.constant 0 : i32
    %dma_start3A_244 = tpu.memref_slice %arg3[%add3A, %dma_start3A_241, %dma_start3A_242, %dma_start3A_243] : memref<32x250x2x80xi32, #tpu.memory_space<hbm>> -> memref<1x1x2x80xi32, #tpu.memory_space<hbm>>
    %dma_start3A_245 = tpu.memref_squeeze %dma_start3A_244 : memref<1x1x2x80xi32, #tpu.memory_space<hbm>> -> memref<2x80xi32, #tpu.memory_space<hbm>>
    %dma_start3A_246 = arith.constant 0 : i32
    %dma_start3A_247 = arith.constant 0 : i32
    %dma_start3A_248 = tpu.memref_slice %arg3[%add3A, %dma_start3A_241, %dma_start3A_246, %dma_start3A_247] : memref<32x250x2x80xi32, #tpu.memory_space<hbm>> -> memref<1x1x2x80xi32, #tpu.memory_space<hbm>>
    %dma_start3A_249 = tpu.memref_squeeze %dma_start3A_248 : memref<1x1x2x80xi32, #tpu.memory_space<hbm>> -> memref<2x80xi32, #tpu.memory_space<hbm>>
    tpu.enqueue_dma source(%dma_start3A_249 : memref<2x80xi32, #tpu.memory_space<hbm>>) target(%arg7 : memref<2x80xi32, #tpu.memory_space<vmem>>) target_semaphore(%arg13 : memref<!tpu.dma_semaphore, #tpu.memory_space<semaphore_mem>>)
    %dma_wait3A_250 = arith.constant 0 : i32
    %dma_wait3A_251 = arith.constant 0 : i32
    %dma_wait3A_252 = tpu.memref_slice %arg8[%dma_wait3A_250, %dma_wait3A_251] : memref<2x80xi32, #tpu.memory_space<vmem>> -> memref<1x80xi32, #tpu.memory_space<vmem>>
    %dma_wait3A_253 = tpu.memref_squeeze %dma_wait3A_252 : memref<1x80xi32, #tpu.memory_space<vmem>> -> memref<80xi32, #tpu.memory_space<vmem>>
    %dma_wait3A_254 = arith.constant 0 : i32
    %dma_wait3A_255 = arith.constant 0 : i32
    %dma_wait3A_256 = tpu.memref_slice %arg2[%dma_wait3A_254, %dma_wait3A_255] : memref<20000x128xf32, #tpu.memory_space<hbm>> -> memref<20000x128xf32, #tpu.memory_space<hbm>>
    tpu.wait_indirect_dma semaphore(%arg17 : memref<!tpu.dma_semaphore, #tpu.memory_space<semaphore_mem>>) src(%dma_wait3A_256 : memref<20000x128xf32, #tpu.memory_space<hbm>>) dst(%arg11 : memref<80x128xf32, #tpu.memory_space<vmem>>)
    %dma_start3A_257 = arith.constant 1 : i32
    %dma_start3A_258 = arith.constant 0 : i32
    %dma_start3A_259 = tpu.memref_slice %arg8[%dma_start3A_257, %dma_start3A_258] : memref<2x80xi32, #tpu.memory_space<vmem>> -> memref<1x80xi32, #tpu.memory_space<vmem>>
    %dma_start3A_260 = tpu.memref_squeeze %dma_start3A_259 : memref<1x80xi32, #tpu.memory_space<vmem>> -> memref<80xi32, #tpu.memory_space<vmem>>
    %dma_start3A_261 = arith.constant 0 : i32
    %dma_start3A_262 = arith.constant 0 : i32
    %dma_start3A_263 = tpu.memref_slice %arg6[%dma_start3A_261, %dma_start3A_262] : memref<10000x128xf32, #tpu.memory_space<vmem_shared>> -> memref<10000x128xf32, #tpu.memory_space<vmem_shared>>
    tpu.enqueue_indirect_dma source(%arg11 : memref<80x128xf32, #tpu.memory_space<vmem>>) target(%dma_start3A_263 : memref<10000x128xf32, #tpu.memory_space<vmem_shared>>) offsets(%dma_start3A_260 : memref<80xi32, #tpu.memory_space<vmem>>) semaphore(%arg20 : memref<!tpu.dma_semaphore, #tpu.memory_space<semaphore_mem>>) {add = true}
    %dma_wait3A_264 = arith.constant 249 : i32
    %dma_wait3A_265 = arith.constant 0 : i32
    %dma_wait3A_266 = arith.constant 0 : i32
    %dma_wait3A_267 = tpu.memref_slice %arg3[%add3A, %dma_wait3A_264, %dma_wait3A_265, %dma_wait3A_266] : memref<32x250x2x80xi32, #tpu.memory_space<hbm>> -> memref<1x1x2x80xi32, #tpu.memory_space<hbm>>
    %dma_wait3A_268 = tpu.memref_squeeze %dma_wait3A_267 : memref<1x1x2x80xi32, #tpu.memory_space<hbm>> -> memref<2x80xi32, #tpu.memory_space<hbm>>
    %dma_wait3A_269 = arith.constant 0 : i32
    %dma_wait3A_270 = arith.constant 0 : i32
    %dma_wait3A_271 = tpu.memref_slice %arg3[%add3A, %dma_wait3A_264, %dma_wait3A_269, %dma_wait3A_270] : memref<32x250x2x80xi32, #tpu.memory_space<hbm>> -> memref<1x1x2x80xi32, #tpu.memory_space<hbm>>
    %dma_wait3A_272 = tpu.memref_squeeze %dma_wait3A_271 : memref<1x1x2x80xi32, #tpu.memory_space<hbm>> -> memref<2x80xi32, #tpu.memory_space<hbm>>
    tpu.wait_dma2 semaphore(%arg13 : memref<!tpu.dma_semaphore, #tpu.memory_space<semaphore_mem>>) src(%dma_wait3A_272 : memref<2x80xi32, #tpu.memory_space<hbm>>) dst(%arg7 : memref<2x80xi32, #tpu.memory_space<vmem>>)
    %dma_start3A_273 = arith.constant 0 : i32
    %dma_start3A_274 = arith.constant 0 : i32
    %dma_start3A_275 = tpu.memref_slice %arg7[%dma_start3A_273, %dma_start3A_274] : memref<2x80xi32, #tpu.memory_space<vmem>> -> memref<1x80xi32, #tpu.memory_space<vmem>>
    %dma_start3A_276 = tpu.memref_squeeze %dma_start3A_275 : memref<1x80xi32, #tpu.memory_space<vmem>> -> memref<80xi32, #tpu.memory_space<vmem>>
    %dma_start3A_277 = arith.constant 0 : i32
    %dma_start3A_278 = arith.constant 0 : i32
    %dma_start3A_279 = tpu.memref_slice %arg2[%dma_start3A_277, %dma_start3A_278] : memref<20000x128xf32, #tpu.memory_space<hbm>> -> memref<20000x128xf32, #tpu.memory_space<hbm>>
    tpu.enqueue_indirect_dma source(%dma_start3A_279 : memref<20000x128xf32, #tpu.memory_space<hbm>>) target(%arg10 : memref<80x128xf32, #tpu.memory_space<vmem>>) offsets(%dma_start3A_276 : memref<80xi32, #tpu.memory_space<vmem>>) semaphore(%arg16 : memref<!tpu.dma_semaphore, #tpu.memory_space<semaphore_mem>>)
    %dma_wait3A_280 = arith.constant 1 : i32
    %dma_wait3A_281 = arith.constant 0 : i32
    %dma_wait3A_282 = tpu.memref_slice %arg8[%dma_wait3A_280, %dma_wait3A_281] : memref<2x80xi32, #tpu.memory_space<vmem>> -> memref<1x80xi32, #tpu.memory_space<vmem>>
    %dma_wait3A_283 = tpu.memref_squeeze %dma_wait3A_282 : memref<1x80xi32, #tpu.memory_space<vmem>> -> memref<80xi32, #tpu.memory_space<vmem>>
    %dma_wait3A_284 = arith.constant 0 : i32
    %dma_wait3A_285 = arith.constant 0 : i32
    %dma_wait3A_286 = tpu.memref_slice %arg6[%dma_wait3A_284, %dma_wait3A_285] : memref<10000x128xf32, #tpu.memory_space<vmem_shared>> -> memref<10000x128xf32, #tpu.memory_space<vmem_shared>>
    tpu.wait_indirect_dma semaphore(%arg20 : memref<!tpu.dma_semaphore, #tpu.memory_space<semaphore_mem>>) src(%arg11 : memref<80x128xf32, #tpu.memory_space<vmem>>) dst(%dma_wait3A_286 : memref<10000x128xf32, #tpu.memory_space<vmem_shared>>)
    %dma_wait3A_287 = arith.constant 0 : i32
    %dma_wait3A_288 = arith.constant 0 : i32
    %dma_wait3A_289 = tpu.memref_slice %arg9[%dma_wait3A_287, %dma_wait3A_288] : memref<2x80xi32, #tpu.memory_space<vmem>> -> memref<1x80xi32, #tpu.memory_space<vmem>>
    %dma_wait3A_290 = tpu.memref_squeeze %dma_wait3A_289 : memref<1x80xi32, #tpu.memory_space<vmem>> -> memref<80xi32, #tpu.memory_space<vmem>>
    %dma_wait3A_291 = arith.constant 0 : i32
    %dma_wait3A_292 = arith.constant 0 : i32
    %dma_wait3A_293 = tpu.memref_slice %arg2[%dma_wait3A_291, %dma_wait3A_292] : memref<20000x128xf32, #tpu.memory_space<hbm>> -> memref<20000x128xf32, #tpu.memory_space<hbm>>
    tpu.wait_indirect_dma semaphore(%arg18 : memref<!tpu.dma_semaphore, #tpu.memory_space<semaphore_mem>>) src(%dma_wait3A_293 : memref<20000x128xf32, #tpu.memory_space<hbm>>) dst(%arg12 : memref<80x128xf32, #tpu.memory_space<vmem>>)
    %dma_start3A_294 = arith.constant 1 : i32
    %dma_start3A_295 = arith.constant 0 : i32
    %dma_start3A_296 = tpu.memref_slice %arg9[%dma_start3A_294, %dma_start3A_295] : memref<2x80xi32, #tpu.memory_space<vmem>> -> memref<1x80xi32, #tpu.memory_space<vmem>>
    %dma_start3A_297 = tpu.memref_squeeze %dma_start3A_296 : memref<1x80xi32, #tpu.memory_space<vmem>> -> memref<80xi32, #tpu.memory_space<vmem>>
    %dma_start3A_298 = arith.constant 0 : i32
    %dma_start3A_299 = arith.constant 0 : i32
    %dma_start3A_300 = tpu.memref_slice %arg6[%dma_start3A_298, %dma_start3A_299] : memref<10000x128xf32, #tpu.memory_space<vmem_shared>> -> memref<10000x128xf32, #tpu.memory_space<vmem_shared>>
    tpu.enqueue_indirect_dma source(%arg12 : memref<80x128xf32, #tpu.memory_space<vmem>>) target(%dma_start3A_300 : memref<10000x128xf32, #tpu.memory_space<vmem_shared>>) offsets(%dma_start3A_297 : memref<80xi32, #tpu.memory_space<vmem>>) semaphore(%arg21 : memref<!tpu.dma_semaphore, #tpu.memory_space<semaphore_mem>>) {add = true}
    %dma_wait3A_301 = arith.constant 1 : i32
    %dma_wait3A_302 = arith.constant 0 : i32
    %dma_wait3A_303 = tpu.memref_slice %arg9[%dma_wait3A_301, %dma_wait3A_302] : memref<2x80xi32, #tpu.memory_space<vmem>> -> memref<1x80xi32, #tpu.memory_space<vmem>>
    %dma_wait3A_304 = tpu.memref_squeeze %dma_wait3A_303 : memref<1x80xi32, #tpu.memory_space<vmem>> -> memref<80xi32, #tpu.memory_space<vmem>>
    %dma_wait3A_305 = arith.constant 0 : i32
    %dma_wait3A_306 = arith.constant 0 : i32
    %dma_wait3A_307 = tpu.memref_slice %arg6[%dma_wait3A_305, %dma_wait3A_306] : memref<10000x128xf32, #tpu.memory_space<vmem_shared>> -> memref<10000x128xf32, #tpu.memory_space<vmem_shared>>
    tpu.wait_indirect_dma semaphore(%arg21 : memref<!tpu.dma_semaphore, #tpu.memory_space<semaphore_mem>>) src(%arg12 : memref<80x128xf32, #tpu.memory_space<vmem>>) dst(%dma_wait3A_307 : memref<10000x128xf32, #tpu.memory_space<vmem_shared>>)
    %dma_wait3A_308 = arith.constant 0 : i32
    %dma_wait3A_309 = arith.constant 0 : i32
    %dma_wait3A_310 = tpu.memref_slice %arg7[%dma_wait3A_308, %dma_wait3A_309] : memref<2x80xi32, #tpu.memory_space<vmem>> -> memref<1x80xi32, #tpu.memory_space<vmem>>
    %dma_wait3A_311 = tpu.memref_squeeze %dma_wait3A_310 : memref<1x80xi32, #tpu.memory_space<vmem>> -> memref<80xi32, #tpu.memory_space<vmem>>
    %dma_wait3A_312 = arith.constant 0 : i32
    %dma_wait3A_313 = arith.constant 0 : i32
    %dma_wait3A_314 = tpu.memref_slice %arg2[%dma_wait3A_312, %dma_wait3A_313] : memref<20000x128xf32, #tpu.memory_space<hbm>> -> memref<20000x128xf32, #tpu.memory_space<hbm>>
    tpu.wait_indirect_dma semaphore(%arg16 : memref<!tpu.dma_semaphore, #tpu.memory_space<semaphore_mem>>) src(%dma_wait3A_314 : memref<20000x128xf32, #tpu.memory_space<hbm>>) dst(%arg10 : memref<80x128xf32, #tpu.memory_space<vmem>>)
    %dma_start3A_315 = arith.constant 1 : i32
    %dma_start3A_316 = arith.constant 0 : i32
    %dma_start3A_317 = tpu.memref_slice %arg7[%dma_start3A_315, %dma_start3A_316] : memref<2x80xi32, #tpu.memory_space<vmem>> -> memref<1x80xi32, #tpu.memory_space<vmem>>
    %dma_start3A_318 = tpu.memref_squeeze %dma_start3A_317 : memref<1x80xi32, #tpu.memory_space<vmem>> -> memref<80xi32, #tpu.memory_space<vmem>>
    %dma_start3A_319 = arith.constant 0 : i32
    %dma_start3A_320 = arith.constant 0 : i32
    %dma_start3A_321 = tpu.memref_slice %arg6[%dma_start3A_319, %dma_start3A_320] : memref<10000x128xf32, #tpu.memory_space<vmem_shared>> -> memref<10000x128xf32, #tpu.memory_space<vmem_shared>>
    tpu.enqueue_indirect_dma source(%arg10 : memref<80x128xf32, #tpu.memory_space<vmem>>) target(%dma_start3A_321 : memref<10000x128xf32, #tpu.memory_space<vmem_shared>>) offsets(%dma_start3A_318 : memref<80xi32, #tpu.memory_space<vmem>>) semaphore(%arg19 : memref<!tpu.dma_semaphore, #tpu.memory_space<semaphore_mem>>) {add = true}
    %dma_wait3A_322 = arith.constant 1 : i32
    %dma_wait3A_323 = arith.constant 0 : i32
    %dma_wait3A_324 = tpu.memref_slice %arg7[%dma_wait3A_322, %dma_wait3A_323] : memref<2x80xi32, #tpu.memory_space<vmem>> -> memref<1x80xi32, #tpu.memory_space<vmem>>
    %dma_wait3A_325 = tpu.memref_squeeze %dma_wait3A_324 : memref<1x80xi32, #tpu.memory_space<vmem>> -> memref<80xi32, #tpu.memory_space<vmem>>
    %dma_wait3A_326 = arith.constant 0 : i32
    %dma_wait3A_327 = arith.constant 0 : i32
    %dma_wait3A_328 = tpu.memref_slice %arg6[%dma_wait3A_326, %dma_wait3A_327] : memref<10000x128xf32, #tpu.memory_space<vmem_shared>> -> memref<10000x128xf32, #tpu.memory_space<vmem_shared>>
    tpu.wait_indirect_dma semaphore(%arg19 : memref<!tpu.dma_semaphore, #tpu.memory_space<semaphore_mem>>) src(%arg10 : memref<80x128xf32, #tpu.memory_space<vmem>>) dst(%dma_wait3A_328 : memref<10000x128xf32, #tpu.memory_space<vmem_shared>>)
    %barrier3A_329 = arith.constant 0 : index
    tpu.barrier barrier_id(%barrier3A_329)
    %mul3A_330 = arith.constant 624 : i32
    %mul3A_331 = arith.muli %arg1, %mul3A_330 : i32
    %mul3A_332 = arith.constant 10000 : i32
    %mul3A_333 = arith.muli %arg0, %mul3A_332 : i32
    %mul3A_334 = arith.constant 624 : i32
    %mul3A_335 = arith.muli %arg1, %mul3A_334 : i32
    %add3A_336 = arith.addi %mul3A_333, %mul3A_335 : i32
    "tpu.region"() ({
      %run_scoped3A = tpu.sem_alloc : memref<!tpu.dma_semaphore, #tpu.memory_space<semaphore_mem>>
      %dma_start3A_342 = arith.constant 0 : i32
      %dma_start3A_343 = tpu.memref_slice %arg5[%add3A_336, %dma_start3A_342] : memref<20000x128xf32, #tpu.memory_space<hbm>> -> memref<624x128xf32, #tpu.memory_space<hbm>>
      %dma_start3A_344 = arith.constant 0 : i32
      %dma_start3A_345 = tpu.memref_slice %arg6[%mul3A_331, %dma_start3A_344] : memref<10000x128xf32, #tpu.memory_space<vmem_shared>> -> memref<624x128xf32, #tpu.memory_space<vmem_shared>>
      tpu.enqueue_dma source(%dma_start3A_345 : memref<624x128xf32, #tpu.memory_space<vmem_shared>>) target(%dma_start3A_343 : memref<624x128xf32, #tpu.memory_space<hbm>>) target_semaphore(%run_scoped3A : memref<!tpu.dma_semaphore, #tpu.memory_space<semaphore_mem>>)
      %dma_wait3A_346 = arith.constant 0 : i32
      %dma_wait3A_347 = tpu.memref_slice %arg5[%add3A_336, %dma_wait3A_346] : memref<20000x128xf32, #tpu.memory_space<hbm>> -> memref<624x128xf32, #tpu.memory_space<hbm>>
      %dma_wait3A_348 = arith.constant 0 : i32
      %dma_wait3A_349 = tpu.memref_slice %arg6[%mul3A_331, %dma_wait3A_348] : memref<10000x128xf32, #tpu.memory_space<vmem_shared>> -> memref<624x128xf32, #tpu.memory_space<vmem_shared>>
      tpu.wait_dma2 semaphore(%run_scoped3A : memref<!tpu.dma_semaphore, #tpu.memory_space<semaphore_mem>>) src(%dma_wait3A_349 : memref<624x128xf32, #tpu.memory_space<vmem_shared>>) dst(%dma_wait3A_347 : memref<624x128xf32, #tpu.memory_space<hbm>>)
      tpu.yield
    }) : () -> ()
    %eq3A_337 = arith.constant 0 : i32
    %eq3A_338 = arith.cmpi eq, %arg1, %eq3A_337 : i32
    %convert_element_type3A_339 = arith.extui %eq3A_338 : i1 to i32
    %cond3A_340 = arith.constant 0 : i32
    %cond3A_341 = arith.cmpi ne, %convert_element_type3A_339, %cond3A_340 : i32
    scf.if %cond3A_341 {
      %mul3A_342 = arith.constant 10000 : i32
      %mul3A_343 = arith.muli %arg0, %mul3A_342 : i32
      %add3A_344 = arith.constant 9984 : i32
      %add3A_345 = arith.addi %mul3A_343, %add3A_344 : i32
      "tpu.region"() ({
        %run_scoped3A = tpu.sem_alloc : memref<!tpu.dma_semaphore, #tpu.memory_space<semaphore_mem>>
        %dma_start3A_346 = arith.constant 0 : i32
        %dma_start3A_347 = tpu.memref_slice %arg5[%add3A_345, %dma_start3A_346] : memref<20000x128xf32, #tpu.memory_space<hbm>> -> memref<16x128xf32, #tpu.memory_space<hbm>>
        %dma_start3A_348 = arith.constant 9984 : i32
        %dma_start3A_349 = arith.constant 0 : i32
        %dma_start3A_350 = tpu.memref_slice %arg6[%dma_start3A_348, %dma_start3A_349] : memref<10000x128xf32, #tpu.memory_space<vmem_shared>> -> memref<16x128xf32, #tpu.memory_space<vmem_shared>>
        tpu.enqueue_dma source(%dma_start3A_350 : memref<16x128xf32, #tpu.memory_space<vmem_shared>>) target(%dma_start3A_347 : memref<16x128xf32, #tpu.memory_space<hbm>>) target_semaphore(%run_scoped3A : memref<!tpu.dma_semaphore, #tpu.memory_space<semaphore_mem>>)
        %dma_wait3A_351 = arith.constant 0 : i32
        %dma_wait3A_352 = tpu.memref_slice %arg5[%add3A_345, %dma_wait3A_351] : memref<20000x128xf32, #tpu.memory_space<hbm>> -> memref<16x128xf32, #tpu.memory_space<hbm>>
        %dma_wait3A_353 = arith.constant 9984 : i32
        %dma_wait3A_354 = arith.constant 0 : i32
        %dma_wait3A_355 = tpu.memref_slice %arg6[%dma_wait3A_353, %dma_wait3A_354] : memref<10000x128xf32, #tpu.memory_space<vmem_shared>> -> memref<16x128xf32, #tpu.memory_space<vmem_shared>>
        tpu.wait_dma2 semaphore(%run_scoped3A : memref<!tpu.dma_semaphore, #tpu.memory_space<semaphore_mem>>) src(%dma_wait3A_355 : memref<16x128xf32, #tpu.memory_space<vmem_shared>>) dst(%dma_wait3A_352 : memref<16x128xf32, #tpu.memory_space<hbm>>)
        tpu.yield
      }) : () -> ()
    } else {
    }
    return
  }
}

module attributes {stable_mosaic.version = 14 : i64} {
  func.func @_mm_prescale_body(%arg0: i32, %arg1: memref<1000x128xf32, #tpu.memory_space<vmem>>, %arg2: memref<128x128xf32, #tpu.memory_space<vmem>>, %arg3: memref<1000x16xf32, #tpu.memory_space<vmem>>, %arg4: memref<1000x128xf32, #tpu.memory_space<vmem>>) attributes {dimension_semantics = [#tpu.dimension_semantics<arbitrary>], iteration_bounds = array<i64: 20>, scalar_prefetch = 0 : i64, scratch_operands = 0 : i64, tpu.core_type = #tpu.core_type<tc>, window_params = [{transform_indices = @transform_0, window_bounds = array<i64: 1000, 128>}, {pipeline_mode = #tpu.pipeline_mode<synchronous>, transform_indices = @transform_1, window_bounds = array<i64: 128, 128>}, {transform_indices = @transform_2, window_bounds = array<i64: 1000, 16>}, {transform_indices = @transform_3, window_bounds = array<i64: 1000, 128>}]} {
    %get3A = arith.constant 0 : index
    %get3A_0 = arith.constant 0 : index
    %get3A_1 = vector.load %arg3[%get3A, %get3A_0] : memref<1000x16xf32, #tpu.memory_space<vmem>>, vector<1000x1xf32>
    %add3A = arith.constant 1.000000e+00 : f32
    %add3A_2 = vector.broadcast %add3A : f32 to vector<1000x1xf32>
    %add3A_3 = arith.addf %get3A_1, %add3A_2 : vector<1000x1xf32>
    %rsqrt3A = math.rsqrt %add3A_3 : vector<1000x1xf32>
    %get3A_4 = arith.constant 0 : index
    %get3A_5 = arith.constant 0 : index
    %get3A_6 = vector.load %arg1[%get3A_4, %get3A_5] : memref<1000x128xf32, #tpu.memory_space<vmem>>, vector<1000x128xf32>
    %get3A_7 = arith.constant 0 : index
    %get3A_8 = arith.constant 0 : index
    %get3A_9 = vector.load %arg2[%get3A_7, %get3A_8] : memref<128x128xf32, #tpu.memory_space<vmem>>, vector<128x128xf32>
    %dot_general3A = arith.constant dense<0.000000e+00> : vector<1000x128xf32>
    %dot_general3A_10 = tpu.matmul %get3A_6, %get3A_9, %dot_general3A {dimension_numbers = #tpu.dot_dimension_numbers<[1], [0], [0], [1], [0, 0, 1, 1], [], []>, transpose_lhs_hint = false} : vector<1000x128xf32>, vector<128x128xf32>, vector<1000x128xf32> -> vector<1000x128xf32>
    %mul3A = vector.broadcast %rsqrt3A : vector<1000x1xf32> to vector<1000x128xf32>
    %mul3A_11 = arith.mulf %dot_general3A_10, %mul3A : vector<1000x128xf32>
    %swap3A = arith.constant 0 : index
    %swap3A_12 = arith.constant 0 : index
    %swap3A_13 = vector.load %arg4[%swap3A, %swap3A_12] : memref<1000x128xf32, #tpu.memory_space<vmem>>, vector<1000x128xf32>
    tpu.vector_store %arg4[%swap3A, %swap3A_12], %mul3A_11 {strides = array<i32>} : memref<1000x128xf32, #tpu.memory_space<vmem>>, vector<1000x128xf32>,
    return
  }
  func.func @transform_0(%arg0: i32) -> (i32, i32) {
    %c0_i32 = arith.constant 0 : i32
    %c0_i32_0 = arith.constant 0 : i32
    return %arg0, %c0_i32 : i32, i32
  }
  func.func @transform_1(%arg0: i32) -> (i32, i32) {
    %c0_i32 = arith.constant 0 : i32
    %c0_i32_0 = arith.constant 0 : i32
    %c0_i32_1 = arith.constant 0 : i32
    return %c0_i32, %c0_i32_0 : i32, i32
  }
  func.func @transform_2(%arg0: i32) -> (i32, i32) {
    %c0_i32 = arith.constant 0 : i32
    %c0_i32_0 = arith.constant 0 : i32
    return %arg0, %c0_i32 : i32, i32
  }
  func.func @transform_3(%arg0: i32) -> (i32, i32) {
    %c0_i32 = arith.constant 0 : i32
    %c0_i32_0 = arith.constant 0 : i32
    return %arg0, %c0_i32 : i32, i32
  }
}

module attributes {stable_mosaic.version = 14 : i64} {
  func.func @_post_mm_body(%arg0: i32, %arg1: memref<1000x128xf32, #tpu.memory_space<vmem>>, %arg2: memref<1000x128xf32, #tpu.memory_space<vmem>>, %arg3: memref<1x128xf32, #tpu.memory_space<vmem>>, %arg4: memref<128x128xf32, #tpu.memory_space<vmem>>, %arg5: memref<1000x16xf32, #tpu.memory_space<vmem>>, %arg6: memref<1000x128xf32, #tpu.memory_space<vmem>>) attributes {dimension_semantics = [#tpu.dimension_semantics<arbitrary>], iteration_bounds = array<i64: 20>, scalar_prefetch = 0 : i64, scratch_operands = 0 : i64, tpu.core_type = #tpu.core_type<tc>, window_params = [{transform_indices = @transform_0, window_bounds = array<i64: 1000, 128>}, {transform_indices = @transform_1, window_bounds = array<i64: 1000, 128>}, {pipeline_mode = #tpu.pipeline_mode<synchronous>, transform_indices = @transform_2, window_bounds = array<i64: 1, 128>}, {pipeline_mode = #tpu.pipeline_mode<synchronous>, transform_indices = @transform_3, window_bounds = array<i64: 128, 128>}, {transform_indices = @transform_4, window_bounds = array<i64: 1000, 16>}, {transform_indices = @transform_5, window_bounds = array<i64: 1000, 128>}]} {
    %get3A = arith.constant 0 : index
    %get3A_0 = arith.constant 0 : index
    %get3A_1 = vector.load %arg5[%get3A, %get3A_0] : memref<1000x16xf32, #tpu.memory_space<vmem>>, vector<1000x1xf32>
    %add3A = arith.constant 1.000000e+00 : f32
    %add3A_2 = vector.broadcast %add3A : f32 to vector<1000x1xf32>
    %add3A_3 = arith.addf %get3A_1, %add3A_2 : vector<1000x1xf32>
    %rsqrt3A = math.rsqrt %add3A_3 : vector<1000x1xf32>
    %get3A_4 = arith.constant 0 : index
    %get3A_5 = arith.constant 0 : index
    %get3A_6 = vector.load %arg1[%get3A_4, %get3A_5] : memref<1000x128xf32, #tpu.memory_space<vmem>>, vector<1000x128xf32>
    %get3A_7 = arith.constant 0 : index
    %get3A_8 = arith.constant 0 : index
    %get3A_9 = vector.load %arg2[%get3A_7, %get3A_8] : memref<1000x128xf32, #tpu.memory_space<vmem>>, vector<1000x128xf32>
    %add3A_10 = arith.addf %get3A_6, %get3A_9 : vector<1000x128xf32>
    %mul3A = vector.broadcast %rsqrt3A : vector<1000x1xf32> to vector<1000x128xf32>
    %mul3A_11 = arith.mulf %mul3A, %add3A_10 : vector<1000x128xf32>
    %get3A_12 = arith.constant 0 : index
    %get3A_13 = arith.constant 0 : index
    %get3A_14 = vector.load %arg3[%get3A_12, %get3A_13] : memref<1x128xf32, #tpu.memory_space<vmem>>, vector<1x128xf32>
    %add3A_15 = vector.broadcast %get3A_14 : vector<1x128xf32> to vector<1000x128xf32>
    %add3A_16 = arith.addf %mul3A_11, %add3A_15 : vector<1000x128xf32>
    %max3A = arith.constant 0.000000e+00 : f32
    %max3A_17 = vector.broadcast %max3A : f32 to vector<1000x128xf32>
    %max3A_18 = arith.maximumf %add3A_16, %max3A_17 : vector<1000x128xf32>
    %get3A_19 = arith.constant 0 : index
    %get3A_20 = arith.constant 0 : index
    %get3A_21 = vector.load %arg4[%get3A_19, %get3A_20] : memref<128x128xf32, #tpu.memory_space<vmem>>, vector<128x128xf32>
    %dot_general3A = arith.constant dense<0.000000e+00> : vector<1000x128xf32>
    %dot_general3A_22 = tpu.matmul %max3A_18, %get3A_21, %dot_general3A {dimension_numbers = #tpu.dot_dimension_numbers<[1], [0], [0], [1], [0, 0, 1, 1], [], []>, transpose_lhs_hint = false} : vector<1000x128xf32>, vector<128x128xf32>, vector<1000x128xf32> -> vector<1000x128xf32>
    %mul3A_23 = vector.broadcast %rsqrt3A : vector<1000x1xf32> to vector<1000x128xf32>
    %mul3A_24 = arith.mulf %dot_general3A_22, %mul3A_23 : vector<1000x128xf32>
    %swap3A = arith.constant 0 : index
    %swap3A_25 = arith.constant 0 : index
    %swap3A_26 = vector.load %arg6[%swap3A, %swap3A_25] : memref<1000x128xf32, #tpu.memory_space<vmem>>, vector<1000x128xf32>
    tpu.vector_store %arg6[%swap3A, %swap3A_25], %mul3A_24 {strides = array<i32>} : memref<1000x128xf32, #tpu.memory_space<vmem>>, vector<1000x128xf32>,
    return
  }
  func.func @transform_0(%arg0: i32) -> (i32, i32) {
    %c0_i32 = arith.constant 0 : i32
    %c0_i32_0 = arith.constant 0 : i32
    return %arg0, %c0_i32 : i32, i32
  }
  func.func @transform_1(%arg0: i32) -> (i32, i32) {
    %c0_i32 = arith.constant 0 : i32
    %c0_i32_0 = arith.constant 0 : i32
    return %arg0, %c0_i32 : i32, i32
  }
  func.func @transform_2(%arg0: i32) -> (i32, i32) {
    %c0_i32 = arith.constant 0 : i32
    %c0_i32_0 = arith.constant 0 : i32
    %c0_i32_1 = arith.constant 0 : i32
    return %c0_i32, %c0_i32_0 : i32, i32
  }
  func.func @transform_3(%arg0: i32) -> (i32, i32) {
    %c0_i32 = arith.constant 0 : i32
    %c0_i32_0 = arith.constant 0 : i32
    %c0_i32_1 = arith.constant 0 : i32
    return %c0_i32, %c0_i32_0 : i32, i32
  }
  func.func @transform_4(%arg0: i32) -> (i32, i32) {
    %c0_i32 = arith.constant 0 : i32
    %c0_i32_0 = arith.constant 0 : i32
    return %arg0, %c0_i32 : i32, i32
  }
  func.func @transform_5(%arg0: i32) -> (i32, i32) {
    %c0_i32 = arith.constant 0 : i32
    %c0_i32_0 = arith.constant 0 : i32
    return %arg0, %c0_i32 : i32, i32
  }
}

module attributes {stable_mosaic.version = 14 : i64} {
  func.func @_flash_body(%arg0: i32, %arg1: memref<20000x128xf32, #tpu.memory_space<vmem>>, %arg2: memref<20000x128xf32, #tpu.memory_space<vmem>>, %arg3: memref<1x128xf32, #tpu.memory_space<vmem>>, %arg4: memref<20000x16xf32, #tpu.memory_space<vmem>>, %arg5: memref<1x1xf32, #tpu.memory_space<smem>>, %arg6: memref<1x1xf32, #tpu.memory_space<smem>>, %arg7: memref<10000x128xbf16, #tpu.memory_space<vmem>>, %arg8: memref<2000x128xbf16, #tpu.memory_space<vmem>>, %arg9: memref<1xf32, #tpu.memory_space<smem>>) attributes {dimension_semantics = [#tpu.dimension_semantics<arbitrary>], iteration_bounds = array<i64: 5>, scalar_prefetch = 0 : i64, scratch_operands = 3 : i64, tpu.core_type = #tpu.core_type<tc>, window_params = [{pipeline_mode = #tpu.pipeline_mode<synchronous>, transform_indices = @transform_0, window_bounds = array<i64: 20000, 128>}, {pipeline_mode = #tpu.pipeline_mode<synchronous>, transform_indices = @transform_1, window_bounds = array<i64: 20000, 128>}, {pipeline_mode = #tpu.pipeline_mode<synchronous>, transform_indices = @transform_2, window_bounds = array<i64: 1, 128>}, {pipeline_mode = #tpu.pipeline_mode<synchronous>, transform_indices = @transform_3, window_bounds = array<i64: 20000, 16>}, {transform_indices = @transform_4, window_bounds = array<i64: 1, 1>}, {transform_indices = @transform_5, window_bounds = array<i64: 1, 1>}]} {
    %get3A = arith.constant 0 : index
    %get3A_0 = arith.constant 0 : index
    %get3A_1 = memref.load %arg5[%get3A, %get3A_0] : memref<1x1xf32, #tpu.memory_space<smem>>
    %div3A = arith.constant 1.000000e+00 : f32
    %div3A_2 = arith.divf %div3A, %get3A_1 : f32
    %abs3A = math.absf %div3A_2 : f32
    %min3A = arith.constant 5.000000e+01 : f32
    %min3A_3 = arith.minimumf %abs3A, %min3A : f32
    %eq3A = arith.constant 0 : i32
    %eq3A_4 = arith.cmpi eq, %arg0, %eq3A : i32
    %convert_element_type3A = arith.extui %eq3A_4 : i1 to i32
    %cond3A = arith.constant 0 : i32
    %cond3A_5 = arith.cmpi ne, %convert_element_type3A, %cond3A : i32
    scf.if %cond3A_5 {
      %get3A_78 = arith.constant 10000 : index
      %get3A_79 = arith.constant 0 : index
      %get3A_80 = vector.load %arg4[%get3A_78, %get3A_79] : memref<20000x16xf32, #tpu.memory_space<vmem>>, vector<10000x1xf32>
      %add3A_81 = arith.constant 1.000000e+00 : f32
      %add3A_82 = vector.broadcast %add3A_81 : f32 to vector<10000x1xf32>
      %add3A_83 = arith.addf %get3A_80, %add3A_82 : vector<10000x1xf32>
      %rsqrt3A_84 = math.rsqrt %add3A_83 : vector<10000x1xf32>
      %get3A_85 = arith.constant 10000 : index
      %get3A_86 = arith.constant 0 : index
      %get3A_87 = vector.load %arg1[%get3A_85, %get3A_86] : memref<20000x128xf32, #tpu.memory_space<vmem>>, vector<10000x128xf32>
      %get3A_88 = arith.constant 10000 : index
      %get3A_89 = arith.constant 0 : index
      %get3A_90 = vector.load %arg2[%get3A_88, %get3A_89] : memref<20000x128xf32, #tpu.memory_space<vmem>>, vector<10000x128xf32>
      %add3A_91 = arith.addf %get3A_87, %get3A_90 : vector<10000x128xf32>
      %mul3A_92 = vector.broadcast %rsqrt3A_84 : vector<10000x1xf32> to vector<10000x128xf32>
      %mul3A_93 = arith.mulf %mul3A_92, %add3A_91 : vector<10000x128xf32>
      %get3A_94 = arith.constant 0 : index
      %get3A_95 = arith.constant 0 : index
      %get3A_96 = vector.load %arg3[%get3A_94, %get3A_95] : memref<1x128xf32, #tpu.memory_space<vmem>>, vector<1x128xf32>
      %add3A_97 = vector.broadcast %get3A_96 : vector<1x128xf32> to vector<10000x128xf32>
      %add3A_98 = arith.addf %mul3A_93, %add3A_97 : vector<10000x128xf32>
      %mul3A_99 = arith.mulf %add3A_98, %add3A_98 : vector<10000x128xf32>
      %reduce_sum3A_100 = arith.constant dense<0.000000e+00> : vector<10000xf32>
      %reduce_sum3A_101 = vector.multi_reduction <add>, %mul3A_99, %reduce_sum3A_100 [1] : vector<10000x128xf32> to vector<10000xf32>
      %broadcast_in_dim3A_102 = vector.shape_cast %reduce_sum3A_101 : vector<10000xf32> to vector<10000x1xf32>
      %sqrt3A_103 = math.sqrt %broadcast_in_dim3A_102 : vector<10000x1xf32>
      %max3A_104 = arith.constant 9.99999996E-13 : f32
      %max3A_105 = vector.broadcast %max3A_104 : f32 to vector<10000x1xf32>
      %max3A_106 = arith.maximumf %sqrt3A_103, %max3A_105 : vector<10000x1xf32>
      %div3A_107 = vector.broadcast %max3A_106 : vector<10000x1xf32> to vector<10000x128xf32>
      %div3A_108 = arith.divf %add3A_98, %div3A_107 : vector<10000x128xf32>
      %convert_element_type3A_109 = arith.truncf %div3A_108 : vector<10000x128xf32> to vector<10000x128xbf16>
      %swap3A_110 = arith.constant 0 : index
      %swap3A_111 = arith.constant 0 : index
      %swap3A_112 = vector.load %arg7[%swap3A_110, %swap3A_111] : memref<10000x128xbf16, #tpu.memory_space<vmem>>, vector<10000x128xbf16>
      tpu.vector_store %arg7[%swap3A_110, %swap3A_111], %convert_element_type3A_109 {strides = array<i32>} : memref<10000x128xbf16, #tpu.memory_space<vmem>>, vector<10000x128xbf16>,
      %swap3A_113 = arith.constant 0.000000e+00 : f32
      %swap3A_114 = arith.constant 0 : index
      %swap3A_115 = memref.load %arg9[%swap3A_114] : memref<1xf32, #tpu.memory_space<smem>>
      memref.store %swap3A_113, %arg9[%swap3A_114] : memref<1xf32, #tpu.memory_space<smem>>
    } else {
    }
    %mul3A = arith.constant 2000 : i32
    %mul3A_6 = arith.muli %arg0, %mul3A : i32
    %get3A_7 = arith.index_cast %mul3A_6 : i32 to index
    %get3A_8 = arith.constant 0 : index
    %get3A_9 = vector.load %arg4[%get3A_7, %get3A_8] : memref<20000x16xf32, #tpu.memory_space<vmem>>, vector<2000x1xf32>
    %add3A = arith.constant 1.000000e+00 : f32
    %add3A_10 = vector.broadcast %add3A : f32 to vector<2000x1xf32>
    %add3A_11 = arith.addf %get3A_9, %add3A_10 : vector<2000x1xf32>
    %rsqrt3A = math.rsqrt %add3A_11 : vector<2000x1xf32>
    %get3A_12 = arith.index_cast %mul3A_6 : i32 to index
    %get3A_13 = arith.constant 0 : index
    %get3A_14 = vector.load %arg1[%get3A_12, %get3A_13] : memref<20000x128xf32, #tpu.memory_space<vmem>>, vector<2000x128xf32>
    %get3A_15 = arith.index_cast %mul3A_6 : i32 to index
    %get3A_16 = arith.constant 0 : index
    %get3A_17 = vector.load %arg2[%get3A_15, %get3A_16] : memref<20000x128xf32, #tpu.memory_space<vmem>>, vector<2000x128xf32>
    %add3A_18 = arith.addf %get3A_14, %get3A_17 : vector<2000x128xf32>
    %mul3A_19 = vector.broadcast %rsqrt3A : vector<2000x1xf32> to vector<2000x128xf32>
    %mul3A_20 = arith.mulf %mul3A_19, %add3A_18 : vector<2000x128xf32>
    %get3A_21 = arith.constant 0 : index
    %get3A_22 = arith.constant 0 : index
    %get3A_23 = vector.load %arg3[%get3A_21, %get3A_22] : memref<1x128xf32, #tpu.memory_space<vmem>>, vector<1x128xf32>
    %add3A_24 = vector.broadcast %get3A_23 : vector<1x128xf32> to vector<2000x128xf32>
    %add3A_25 = arith.addf %mul3A_20, %add3A_24 : vector<2000x128xf32>
    %mul3A_26 = arith.mulf %add3A_25, %add3A_25 : vector<2000x128xf32>
    %reduce_sum3A = arith.constant dense<0.000000e+00> : vector<2000xf32>
    %reduce_sum3A_27 = vector.multi_reduction <add>, %mul3A_26, %reduce_sum3A [1] : vector<2000x128xf32> to vector<2000xf32>
    %broadcast_in_dim3A = vector.shape_cast %reduce_sum3A_27 : vector<2000xf32> to vector<2000x1xf32>
    %sqrt3A = math.sqrt %broadcast_in_dim3A : vector<2000x1xf32>
    %max3A = arith.constant 9.99999996E-13 : f32
    %max3A_28 = vector.broadcast %max3A : f32 to vector<2000x1xf32>
    %max3A_29 = arith.maximumf %sqrt3A, %max3A_28 : vector<2000x1xf32>
    %div3A_30 = vector.broadcast %max3A_29 : vector<2000x1xf32> to vector<2000x128xf32>
    %div3A_31 = arith.divf %add3A_25, %div3A_30 : vector<2000x128xf32>
    %mul3A_32 = vector.broadcast %div3A_2 : f32 to vector<2000x128xf32>
    %mul3A_33 = arith.mulf %div3A_31, %mul3A_32 : vector<2000x128xf32>
    %convert_element_type3A_34 = arith.truncf %mul3A_33 : vector<2000x128xf32> to vector<2000x128xbf16>
    %swap3A = arith.constant 0 : index
    %swap3A_35 = arith.constant 0 : index
    %swap3A_36 = vector.load %arg8[%swap3A, %swap3A_35] : memref<2000x128xbf16, #tpu.memory_space<vmem>>, vector<2000x128xbf16>
    tpu.vector_store %arg8[%swap3A, %swap3A_35], %convert_element_type3A_34 {strides = array<i32>} : memref<2000x128xbf16, #tpu.memory_space<vmem>>, vector<2000x128xbf16>,
    %get3A_37 = arith.index_cast %mul3A_6 : i32 to index
    %get3A_38 = arith.constant 0 : index
    %get3A_39 = vector.load %arg7[%get3A_37, %get3A_38] : memref<10000x128xbf16, #tpu.memory_space<vmem>>, vector<2000x128xbf16>
    %convert_element_type3A_40 = arith.extf %get3A_39 : vector<2000x128xbf16> to vector<2000x128xf32>
    %mul3A_41 = arith.mulf %div3A_31, %convert_element_type3A_40 : vector<2000x128xf32>
    %reduce_sum3A_42 = arith.constant dense<0.000000e+00> : vector<2000xf32>
    %reduce_sum3A_43 = vector.multi_reduction <add>, %mul3A_41, %reduce_sum3A_42 [1] : vector<2000x128xf32> to vector<2000xf32>
    %broadcast_in_dim3A_44 = vector.shape_cast %reduce_sum3A_43 : vector<2000xf32> to vector<2000x1xf32>
    %mul3A_45 = vector.broadcast %div3A_2 : f32 to vector<2000x1xf32>
    %mul3A_46 = arith.mulf %broadcast_in_dim3A_44, %mul3A_45 : vector<2000x1xf32>
    %jit3A = arith.constant -5.000000e+01 : f32
    %jit3A_47 = arith.constant 5.000000e+01 : f32
    %max3A_48 = vector.broadcast %jit3A : f32 to vector<2000x1xf32>
    %max3A_49 = arith.maximumf %max3A_48, %mul3A_46 : vector<2000x1xf32>
    %min3A_50 = vector.broadcast %jit3A_47 : f32 to vector<2000x1xf32>
    %min3A_51 = arith.minimumf %min3A_50, %max3A_49 : vector<2000x1xf32>
    %broadcast_in_dim3A_52 = arith.constant 1.000000e+00 : bf16
    %broadcast_in_dim3A_53 = vector.broadcast %broadcast_in_dim3A_52 : bf16 to vector<2000x1xbf16>
    %broadcast_in_dim3A_54 = arith.constant 0.000000e+00 : f32
    %broadcast_in_dim3A_55 = vector.broadcast %broadcast_in_dim3A_54 : f32 to vector<2000x1xf32>
    %scan3A = arith.constant 0 : i32
    %scan3A_56 = arith.constant 5 : i32
    %scan3A_57 = arith.addi %scan3A, %scan3A_56 : i32
    %scan3A_58 = arith.constant 1 : i32
    %scan3A_59 = scf.for %scan3A_78 = %scan3A to %scan3A_57 step %scan3A_58 iter_args(%scan3A_79 = %broadcast_in_dim3A_55) -> (vector<2000x1xf32>)  : i32 {
      %mul3A_80 = arith.constant 1 : i32
      %mul3A_81 = arith.muli %scan3A_78, %mul3A_80 : i32
      %add3A_82 = arith.constant 0 : i32
      %add3A_83 = arith.addi %add3A_82, %mul3A_81 : i32
      %mul3A_84 = arith.constant 2000 : i32
      %mul3A_85 = arith.muli %add3A_83, %mul3A_84 : i32
      %get3A_86 = arith.index_cast %mul3A_85 : i32 to index
      %get3A_87 = arith.constant 0 : index
      %get3A_88 = vector.load %arg7[%get3A_86, %get3A_87] : memref<10000x128xbf16, #tpu.memory_space<vmem>>, vector<2000x128xbf16>
      %get3A_89 = arith.constant 0 : index
      %get3A_90 = arith.constant 0 : index
      %get3A_91 = vector.load %arg8[%get3A_89, %get3A_90] : memref<2000x128xbf16, #tpu.memory_space<vmem>>, vector<2000x128xbf16>
      %dot_general3A = arith.constant dense<0.000000e+00> : vector<2000x2000xf32>
      %dot_general3A_92 = tpu.matmul %get3A_91, %get3A_88, %dot_general3A {dimension_numbers = #tpu.dot_dimension_numbers<[1], [1], [0], [0], [0, 0, 1, 0], [], []>, transpose_lhs_hint = false} : vector<2000x128xbf16>, vector<2000x128xbf16>, vector<2000x2000xf32> -> vector<2000x2000xf32>
      %jit3A_93 = arith.constant -5.000000e+01 : f32
      %jit3A_94 = arith.constant 5.000000e+01 : f32
      %max3A_95 = vector.broadcast %jit3A_93 : f32 to vector<2000x2000xf32>
      %max3A_96 = arith.maximumf %max3A_95, %dot_general3A_92 : vector<2000x2000xf32>
      %min3A_97 = vector.broadcast %jit3A_94 : f32 to vector<2000x2000xf32>
      %min3A_98 = arith.minimumf %min3A_97, %max3A_96 : vector<2000x2000xf32>
      %sub3A_99 = vector.broadcast %min3A_3 : f32 to vector<2000x2000xf32>
      %sub3A_100 = arith.subf %min3A_98, %sub3A_99 : vector<2000x2000xf32>
      %convert_element_type3A_101 = arith.truncf %sub3A_100 : vector<2000x2000xf32> to vector<2000x2000xbf16>
      %exp3A = math.exp %convert_element_type3A_101 : vector<2000x2000xbf16>
      %dot_general3A_102 = arith.constant dense<0.000000e+00> : vector<2000x1xf32>
      %dot_general3A_103 = tpu.matmul %exp3A, %broadcast_in_dim3A_53, %dot_general3A_102 {dimension_numbers = #tpu.dot_dimension_numbers<[1], [0], [0], [1], [0, 0, 1, 1], [], []>, transpose_lhs_hint = false} : vector<2000x2000xbf16>, vector<2000x1xbf16>, vector<2000x1xf32> -> vector<2000x1xf32>
      %add3A_104 = arith.addf %scan3A_79, %dot_general3A_103 : vector<2000x1xf32>
      scf.yield %add3A_104 : vector<2000x1xf32>
    }
    %scan3A_60 = arith.constant 5 : i32
    %log3A = math.log %scan3A_59 : vector<2000x1xf32>
    %add3A_61 = vector.broadcast %min3A_3 : f32 to vector<2000x1xf32>
    %add3A_62 = arith.addf %add3A_61, %log3A : vector<2000x1xf32>
    %get3A_63 = arith.constant 0 : index
    %get3A_64 = memref.load %arg9[%get3A_63] : memref<1xf32, #tpu.memory_space<smem>>
    %sub3A = arith.subf %add3A_62, %min3A_51 : vector<2000x1xf32>
    %reduce_sum3A_65 = vector.shape_cast %sub3A : vector<2000x1xf32> to vector<1x2000x1xf32>
    %reduce_sum3A_66 = arith.constant dense<0.000000e+00> : vector<1xf32>
    %reduce_sum3A_67 = vector.multi_reduction <add>, %reduce_sum3A_65, %reduce_sum3A_66 [1, 2] : vector<1x2000x1xf32> to vector<1xf32>
    %reduce_sum3A_68 = vector.shape_cast %reduce_sum3A_67 : vector<1xf32> to vector<1x1x1xf32>
    %reduce_sum3A_69 = vector.extract %reduce_sum3A_68[0, 0, 0] : f32 from vector<1x1x1xf32>
    %add3A_70 = arith.addf %get3A_64, %reduce_sum3A_69 : f32
    %swap3A_71 = arith.constant 0 : index
    %swap3A_72 = memref.load %arg9[%swap3A_71] : memref<1xf32, #tpu.memory_space<smem>>
    memref.store %add3A_70, %arg9[%swap3A_71] : memref<1xf32, #tpu.memory_space<smem>>
    %eq3A_73 = arith.constant 4 : i32
    %eq3A_74 = arith.cmpi eq, %arg0, %eq3A_73 : i32
    %convert_element_type3A_75 = arith.extui %eq3A_74 : i1 to i32
    %cond3A_76 = arith.constant 0 : i32
    %cond3A_77 = arith.cmpi ne, %convert_element_type3A_75, %cond3A_76 : i32
    scf.if %cond3A_77 {
      %get3A_78 = arith.constant 0 : index
      %get3A_79 = memref.load %arg9[%get3A_78] : memref<1xf32, #tpu.memory_space<smem>>
      %mul3A_80 = arith.constant 9.99999974E-5 : f32
      %mul3A_81 = arith.mulf %get3A_79, %mul3A_80 : f32
      %swap3A_82 = arith.constant 0 : index
      %swap3A_83 = arith.constant 0 : index
      %swap3A_84 = memref.load %arg6[%swap3A_82, %swap3A_83] : memref<1x1xf32, #tpu.memory_space<smem>>
      memref.store %mul3A_81, %arg6[%swap3A_82, %swap3A_83] : memref<1x1xf32, #tpu.memory_space<smem>>
    } else {
    }
    return
  }
  func.func @transform_0(%arg0: i32) -> (i32, i32) {
    %c0_i32 = arith.constant 0 : i32
    %c0_i32_0 = arith.constant 0 : i32
    %c0_i32_1 = arith.constant 0 : i32
    return %c0_i32, %c0_i32_0 : i32, i32
  }
  func.func @transform_1(%arg0: i32) -> (i32, i32) {
    %c0_i32 = arith.constant 0 : i32
    %c0_i32_0 = arith.constant 0 : i32
    %c0_i32_1 = arith.constant 0 : i32
    return %c0_i32, %c0_i32_0 : i32, i32
  }
  func.func @transform_2(%arg0: i32) -> (i32, i32) {
    %c0_i32 = arith.constant 0 : i32
    %c0_i32_0 = arith.constant 0 : i32
    %c0_i32_1 = arith.constant 0 : i32
    return %c0_i32, %c0_i32_0 : i32, i32
  }
  func.func @transform_3(%arg0: i32) -> (i32, i32) {
    %c0_i32 = arith.constant 0 : i32
    %c0_i32_0 = arith.constant 0 : i32
    %c0_i32_1 = arith.constant 0 : i32
    return %c0_i32, %c0_i32_0 : i32, i32
  }
  func.func @transform_4(%arg0: i32) -> (i32, i32) {
    %c0_i32 = arith.constant 0 : i32
    %c0_i32_0 = arith.constant 0 : i32
    %c0_i32_1 = arith.constant 0 : i32
    return %c0_i32, %c0_i32_0 : i32, i32
  }
  func.func @transform_5(%arg0: i32) -> (i32, i32) {
    %c0_i32 = arith.constant 0 : i32
    %c0_i32_0 = arith.constant 0 : i32
    %c0_i32_1 = arith.constant 0 : i32
    return %c0_i32, %c0_i32_0 : i32, i32
  }
}

</mosaic_0001>

<sc_bundles>
// kernel: kernel.11.cloned.1.call-start
scs
__scs_entry_jumppad:
0x0: {  	(pc) =	sbr.rel $0x88, $3  }
0x1: {  	(tag) =	ssettag $0x0;
	lr =	simm.s32 $0x1  }
0x2: {  	[smem:$0x3F98] =	sst lr;
	_ =	strace $0xD0000000  }
0x3: {  	_ = 	snop  }
0x4: {  	_ = 	snop  }
0x5: {  	_ = 	snop  }
0x6: {  	_ = 	snop  }
0x7: {  	_ = 	snop  }
__scs_overlays_trampoline_lowered:
0x8: {  	[smem:$0x3FA7] =	sst s0  }
0x9: {  	[smem:$0x3FA8] =	sst s1  }
0xa: {  	[smem:$0x3FA9] =	sst s2  }
0xb: {  	[smem:$0x3FAA] =	sst s3  }
0xc: {  	[smem:$0x3FAB] =	sst s4  }
0xd: {  	[smem:$0x3FAC] =	sst s5  }
0xe: {  	[smem:$0x3FAD] =	sst s6  }
0xf: {  	[smem:$0x3FAE] =	sst s7  }
0x10: {  	[smem:$0x3FAF] =	sst s8  }
0x11: {  	[smem:$0x3FB0] =	sst s9;
	s0 =	simm.s32 @!p0 $0x0  }
0x12: {  	s1 =	sld [smem:$0x3F96];
	s0 =	simm.s32 @p0 $0x1  }
0x13: {  	[smem:$0x3FB1] =	sst s0;
	s0 =	simm.s32 @!p1 $0x0  }
0x14: {  	s2 =	sld [smem:$0x3F95];
	s0 =	simm.s32 @p1 $0x1  }
0x15: {  	[smem:$0x3FB2] =	sst s0;
	s0 =	simm.s32 @!p2 $0x0  }
0x16: {  	s3 =	sld [smem:$0x3FDB];
	s0 =	simm.s32 @p2 $0x1  }
0x17: {  	s4 =	simm.s32 $0x1BF5;
	[smem:$0x3FB4] =	sst s0  }
0x18: {  	s0 =	sld [smem:$0x3F97];
	_ =	swait.ge [sflag:s4], $0x0  }
0x19: {  	s7 =	sld [smem:$0x3F98]  }
0x1a: {  	s8 =	sadd.s32 $0xFFFFE003, lr  }
0x1b: {  	s9 =	sadd.s32 $0xFFFFFEF7, lr;
	s5 =	simm.s32 $0xFFFFFFFF;
	p2 =	slt.u32 s8, $0xFFFFF086  }
0x1c: {  	p1 =	slt.u32 s9, $0xF7A;
	s5 =	simm.s32 @!p2 $0x0  }
0x1d: {  	s5 =	simm.s32 @p1 $0x1;
	p0 =	seq.s32 s7, s2  }
0x1e: {  	s7 =	smul.u32 @!p0 $0xF7A, s2;
	p2 =	seq.s32 @!p0 s5, $0x0  }
0x1f: {  	s9 =	smul.u32 $0xF7A, s1;
	s8 =	simm.s32 @!p0 $0x1BF5;
	p2 =	por !p2, p0  }
0x20: {  	[sflag:s8] =	ssyncset.s32 @!p0 $0xFFFFF086;
	s6 =	sadd.s32 @!p0 s3, s7;
	s7 =	simm.s32 @!p0 $0x108  }
0x21: {  	s3 =	sadd.s32 s3, s9;
	s6 =	sadd.s32 @!p0 $0x88, s6;
	s7 =	simm.s32 @p2 $0x1082  }
0x22: {  	[simem:s7], [sflag:s8] =	dma.local @!p0 [hbm:s6], $0xF7A  }
0x23: {  	s9 =	sor.u32 $0xD0000000, s2;
	s6 =	simm.s32 $0x108;
	_ =	swait.ge @!p0 [sflag:s8], $0x0  }
0x24: {  	s3 =	sadd.s32 $0x88, s3;
	s6 =	simm.s32 @!p1 $0x1082;
	[sflag:s4] =	ssyncset.s32 $0xFFFFF086  }
0x25: {  	[simem:s6], [sflag:s4] =	dma.local [hbm:s3], $0xF7A  }
0x26: {  	[smem:$0x3F98] =	sst s1;
	(tag) =	ssettag s2;
	_ =	strace s9  }
0x27: {  	s1 =	sld [smem:$0x3FA8]  }
0x28: {  	s2 =	sld [smem:$0x3FA9]  }
0x29: {  	s4 =	sld [smem:$0x3FAB]  }
0x2a: {  	p0 =	seq.s32 s5, $0x0;
	s5 =	sld [smem:$0x3FAC]  }
0x2b: {  	s6 =	sld [smem:$0x3FAD]  }
0x2c: {  	s7 =	sld [smem:$0x3FAE]  }
0x2d: {  	s3 =	simm.s32 $0x108;
	s8 =	sld [smem:$0x3FAF]  }
0x2e: {  	s3 =	simm.s32 @!p0 $0x1082;
	s9 =	sld [smem:$0x3FB0]  }
0x2f: {  	lr =	sadd.s32 s0, s3;
	s0 =	sld [smem:$0x3FA7]  }
0x30: {  	s3 =	sld [smem:$0x3FAA]  }
0x31: {  	[smem:$0x3FB3] =	sst s10  }
0x32: {  	s10 =	sld [smem:$0x3FB1];
	_ =	sdelay $0x3  }
0x33: {  	p0 =	seq.s32 s10, $0x1;
	s10 =	sld [smem:$0x3FB3];
	_ =	sdelay $0x3  }
0x34: {  	[smem:$0x3FB3] =	sst s10  }
0x35: {  	s10 =	sld [smem:$0x3FB2];
	_ =	sdelay $0x3  }
0x36: {  	p1 =	seq.s32 s10, $0x1;
	s10 =	sld [smem:$0x3FB3];
	_ =	sdelay $0x3  }
0x37: {  	[smem:$0x3FB3] =	sst s10  }
0x38: {  	s10 =	sld [smem:$0x3FB4]  }
0x39: {  	_ = 	snop;
	(pc) =	sbr.ind lr, $3  }
0x3a: {  	_ = 	snop  }
0x3b: {  	_ = 	snop  }
0x3c: {  	p2 =	seq.s32 s10, $0x1;
	s10 =	sld [smem:$0x3FB3]  }
0x3d: {  	_ =	shalt  }
0x3e: {  	_ =	shalt  }
0x3f: {  	_ =	shalt  }
0x40: {  	_ =	shalt  }
0x41: {  	_ =	shalt  }
0x42: {  	_ =	shalt  }
0x43: {  	_ =	shalt  }
0x44: {  	_ =	shalt  }
0x45: {  	_ =	shalt  }
0x46: {  	_ =	shalt  }
0x47: {  	_ =	shalt  }
0x48: {  	_ =	shalt  }
0x49: {  	_ =	shalt  }
0x4a: {  	_ =	shalt  }
0x4b: {  	_ =	shalt  }
0x4c: {  	_ =	shalt  }
0x4d: {  	_ =	shalt  }
0x4e: {  	_ =	shalt  }
0x4f: {  	_ =	shalt  }
0x50: {  	_ =	shalt  }
0x51: {  	_ =	shalt  }
0x52: {  	_ =	shalt  }
0x53: {  	_ =	shalt  }
0x54: {  	_ =	shalt  }
0x55: {  	_ =	shalt  }
0x56: {  	_ =	shalt  }
0x57: {  	_ =	shalt  }
0x58: {  	_ =	shalt  }
0x59: {  	_ =	shalt  }
0x5a: {  	_ =	shalt  }
0x5b: {  	_ =	shalt  }
0x5c: {  	_ =	shalt  }
0x5d: {  	_ =	shalt  }
0x5e: {  	_ =	shalt  }
0x5f: {  	_ =	shalt  }
0x60: {  	_ =	shalt  }
0x61: {  	_ =	shalt  }
0x62: {  	_ =	shalt  }
0x63: {  	_ =	shalt  }
0x64: {  	_ =	shalt  }
0x65: {  	_ =	shalt  }
0x66: {  	_ =	shalt  }
0x67: {  	_ =	shalt  }
0x68: {  	_ =	shalt  }
0x69: {  	_ =	shalt  }
0x6a: {  	_ =	shalt  }
0x6b: {  	_ =	shalt  }
0x6c: {  	_ =	shalt  }
0x6d: {  	_ =	shalt  }
0x6e: {  	_ =	shalt  }
0x6f: {  	_ =	shalt  }
0x70: {  	_ =	shalt  }
0x71: {  	_ =	shalt  }
0x72: {  	_ =	shalt  }
0x73: {  	_ =	shalt  }
0x74: {  	_ =	shalt  }
0x75: {  	_ =	shalt  }
0x76: {  	_ =	shalt  }
0x77: {  	_ =	shalt  }
0x78: {  	_ =	shalt  }
0x79: {  	_ =	shalt  }
0x7a: {  	_ =	shalt  }
0x7b: {  	_ =	shalt  }
0x7c: {  	_ =	shalt  }
0x7d: {  	_ =	shalt  }
0x7e: {  	_ =	shalt  }
0x7f: {  	_ =	shalt  }
0x80: {  	_ =	shalt  }
0x81: {  	_ =	shalt  }
0x82: {  	_ =	shalt  }
0x83: {  	_ =	shalt  }
0x84: {  	_ =	shalt  }
0x85: {  	_ =	shalt  }
0x86: {  	_ =	shalt  }
0x87: {  	_ =	shalt  }
.Lfunc_end0:
.L_simem_size_0:
called_computation.1_lowered:
.L_overlay_start_0:
0x88: {  	s2 =	sld [smem:$0x3FD9]  }
0x89: {  	s3 =	sld [smem:$0x3FFE];
	_ =	sdelay $0x1  }
0x8a: {  	s1 =	srdreg.scid  }
0x8b: {  	s0 =	sand.u32 $0x1, s1  }
0x8c: {  	s16 =	sshll.u32 s0, $0xA;
	s2 =	sadd.s32 s3, s2  }
0x8d: {  	s2 =	sadd.s32 s2, s16  }
0x8e: {  	[smem:$0x3FBF] =	sst s2  }
0x8f: {  	_ = 	snop  }
0x90: {  	(tm) =	ssettm $0x1  }
0x91: {  	s17 =	sld [smem:$0x3FFB];
	_ =	sdelay $0x3  }
0x92: {  	_ =	strace s17  }
0x93: {  	s2 =	sld [smem:$0x3FFC];
	_ =	sdelay $0x3  }
0x94: {  	_ =	strace s2  }
0x95: {  	s2 =	sld [smem:$0x3FFD];
	_ =	sdelay $0x3  }
0x96: {  	_ =	strace s2  }
0x97: {  	_ =	strace $0x8FFFFFFF  }
0x98: {  	s18 =	sld [smem:$0x3FDB];
	_ =	sdelay $0x1  }
0x99: {  	s19 =	simm.s32 $_scs_section_size  }
0x9a: {  	s4 =	simm.s32 $_size__tile_overlayer_lowered;
	s5 =	simm.s32 $_tile_overlayer_lowered  }
0x9b: {  	s22 =	simm.s32 $0x1BFF;
	s21 =	sshll.u32 s5, $0x1;
	s2 =	sadd.s32 s19, s18  }
0x9c: {  	s6 =	simm.s32 $0x0;
	s20 =	sshll.u32 s4, $0x1;
	s4 =	sadd.s32 s21, s2  }
0x9d: {  	[timem:s6], [sflag:s22] =	dma.local [hbm:s4], s20  }
0x9e: {  	_ =	swait.ge [sflag:s22], s20  }
0x9f: {  	s3 =	ssub.s32 $0x0, s20;
	[sflag:s22] =	ssyncset.done $0x0  }
0xa0: {  	[sflag:s22] =	ssyncadd.s32 s3;
	_ =	sdelay $0x1  }
0xa1: {  	s23 =	simm.s32 $0x1B8B  }
0xa2: {  	_ =	swait.ge [sflag:s23], $0x1  }
0xa3: {  	[sflag:s23] =	ssyncset.done $0x0  }
0xa4: {  	s25 =	simm.s32 $0x1B8E;
	s24 =	sld [smem:$0x3FFE];
	[sflag:s23] =	ssyncadd.s32 $0xFFFFFFFF  }
0xa5: {  	s26 =	simm.s32 $execute0_lowered;
	[smem:$0x3FD2] =	sst s25  }
0xa6: {  	s4 =	sshll.u32 s26, $0x1;
	_ =	strace $0x80000049;
	[dreg:$0x1] =	wrdreg $0xFFFFFFFF  }
0xa7: {  	s28 =	simm.s32 $_size_execute0_lowered;
	s2 =	sadd.s32 s2, s4;
	[dreg:$0x0] =	wrdreg $0x0  }
0xa8: {  	s4 =	sshll.u32 s28, $0x1;
	[dreg:$0x2] =	wrdreg s2  }
0xa9: {  	[dreg:$0x3] =	wrdreg s4  }
0xaa: {  	[dreg:$0x4] =	wrdreg $0xC0  }
0xab: {  	_ =	task [dreg:s6], $0x5FFFF  }
0xac: {  	[dreg:$0x1] =	wrdreg $0xFFFFFFFF  }
0xad: {  	[dreg:$0x0] =	wrdreg $0x60  }
0xae: {  	[dreg:$0x2] =	wrdreg s24  }
0xaf: {  	[dreg:$0x3] =	wrdreg $0x0  }
0xb0: {  	[dreg:$0x4] =	wrdreg $0x9  }
0xb1: {  	_ =	task.clear_ibuf [dreg:s6], $0x5FFFF;
	_ =	strace $0x90000049  }
0xb2: {  	s29 =	simm.s32 $0x9;
	_ =	strace $0x8000004B  }
0xb3: {  	_ =	swait.ge [sflag:s29], $0x1  }
0xb4: {  	[sflag:s29] =	ssyncadd.s32 $0xFFFFFFFF  }
0xb5: {  	_ =	strace $0x9000004B  }
0xb6: {  	_ =	sfence  }
0xb7: {  	s30 =	sld [smem:$0x0];
	_ =	sdelay $0x2  }
0xb8: {  	s31 =	sshll.u32 s1, $0xD;
	s1 =	sshrl.u32 s1, $0x2  }
0xb9: {  	s3 =	sand.u32 $0x4000, s31;
	s1 =	sadd.s32 s1, s30  }
0xba: {  	s0 =	sor.u32 s3, s0;
	s1 =	sshll.u32 s1, $0x11  }
0xbb: {  	s0 =	sor.u32 s1, s0  }
0xbc: {  	s0 =	sadd.s32 $0x8F2B, s0  }
0xbd: {  	[sflag:s0] =	ssyncadd.remote.s32 $0x1  }
0xbe: {  	_ =	sfence.sel $0xFFFF  }
0xbf: {  	[dreg:$0x0] =	wrdreg $0xFFFFFFFF;
	(pc) =	sbr.abs _section_cstart, $3  }
0xc0: {  	[dreg:$0x1] =	wrdreg $0xFFFFFFFF  }
0xc1: {  	_ =	task.clear_ibuf [dreg:s6], $0x2FFFF;
	_ =	strace $0x9FFFFFFF  }
0xc2: {  	(tm) =	ssettm $0x7FFFFFFF  }
0xc3: {  	_ =	shalt  }
tec
execute0_lowered:
.L_overlay_start_1:
0x0: {  	(tag) =	ssettag $0x1  }
0x1: {  	s0 =	rddreg [dreg:$0x0]  }
0x2: {  	s1 =	rddreg [dreg:$0x1];
	s2 =	simm.s32 $0x0  }
0x3: {  	s5 =	srdreg.scid;
	s7 =	stileid.u32;
	s28 =	simm.s32 $0x2  }
0x4: {  	s29 =	simm.s32 $0x16380;
	s30 =	simm.s32 $0x13A80;
	s31 =	simm.s32 $0x4  }
0x5: {  	[smem:$0x7FF] =	sst s2;
	s3 =	sadd.s32 $0xA5A00, s0;
	s4 =	sadd.s32 $0x67200, s0  }
0x6: {  	s5 =	sand.u32 $0x1, s5;
	s6 =	sadd.s32 $0x1E00, s0;
	s25 =	smul.u32 $0x4E000, s7  }
0x7: {  	s0 =	sadd.s32 $0xF3C00, s0;
	s26 =	smul.u32 $0x2700, s7;
	s17 =	sshll.u32 s7, $0x6  }
0x8: {  	s13 =	sadd.s32 $0x138000, s1;
	s21 =	smul.u32 $0xFA00, s7;
	p0 =	sne.s32 s7, $0x0  }
0x9: {  	_ =	strace $0x8000004A;
	[dreg:$0x4] =	wrdreg s6;
	s12 =	smul.u32 $0x27100, s5  }
0xa: {  	s8 =	sshll.u32 s5, $0x4;
	s9 =	ssub.s32 $0x2, s5;
	s18 =	smul.u32 $0x138800, s5  }
0xb: {  	s5 =	smul.u32 $0xFA000, s5;
	s8 =	sor.u32 s7, s8;
	s10 =	sshrl.u32 s9, $0x1  }
0xc: {  	s6 =	sshrl.u32 s25, $0x2;
	s7 =	simm.s32 $0x0;
	s8 =	smul.u32 $0xFA00, s8  }
0xd: {  	s9 =	ssub.s32 s9, s10;
	s11 =	sadd.s32 s6, s1;
	s6 =	sor.u32 $0x1C0A, s17  }
0xe: {  	s10 =	sadd.s32 s26, s12;
	s5 =	sadd.s32 s21, s5;
	s21 =	sshrl.u32 @!p0 s13, $0x3  }
0xf: {  	s12 =	simm.s32 $0x13A00;
	s13 =	simm.s32 $0x8;
	s10 =	sadd.s32 s0, s10  }
0x10: {  	s23 =	sadd.s32 $0x500, s5;
	s25 =	sadd.s32 $0x400, s5;
	[dreg:$0x11] =	wrdreg s21  }
0x11: {  	s9 =	smax.u32 s9, $0x1;
	s26 =	sadd.s32 $0x300, s5;
	[dreg:$0xc] =	wrdreg s10  }
0x12: {  	s8 =	sshrl.u32 s8, $0x3;
	s24 =	sshrl.u32 s23, $0x3;
	[dreg:$0xe] =	wrdreg s9  }
0x13: {  	[dreg:$0xf] =	wrdreg s26;
	s23 =	simm.s32 $0x13980;
	s15 =	sadd.s32 s4, s8  }
0x14: {  	s26 =	simm.s32 $0x13B80;
	s14 =	sadd.s32 $0x20, s15;
	[dreg:$0x5] =	wrdreg s15  }
0x15: {  	s9 =	simm.s32 $0x18B80;
	s19 =	sadd.s32 $0x40, s15;
	[dreg:$0x6] =	wrdreg s14  }
0x16: {  	s10 =	simm.s32 $0x7;
	s20 =	sadd.s32 $0x1EC0, s15;
	[dreg:$0x7] =	wrdreg s19  }
0x17: {  	s8 =	sshrl.u32 s18, $0x3;
	s16 =	sadd.s32 $0x1EE0, s15;
	[dreg:$0x8] =	wrdreg s20  }
0x18: {  	s22 =	sadd.s32 $0x1F00, s15;
	s15 =	sadd.s32 $0x1F20, s15;
	[dreg:$0x9] =	wrdreg s16  }
0x19: {  	s0 =	sadd.s32 s0, s8;
	s8 =	sshrl.u32 s25, $0x3;
	[dreg:$0xa] =	wrdreg s22  }
0x1a: {  	s25 =	simm.s32 $0x50;
	[dreg:$0xb] =	wrdreg s15;
	s0 =	sadd.s32 $0x27000, s0  }
0x1b: {  	s17 =	sadd.s32 s8, s4;
	s19 =	sshrl.u32 s11, $0x3;
	s20 =	simm.s32 $0xA  }
0x1c: {  	s22 =	simm.s32 $0x13880;
	s8 =	simm.s32 $0x3;
	s11 =	simm.s32 $0x5  }
0x1d: {  	s14 =	simm.s32 $0x6;
	s15 =	simm.s32 $0x13B00;
	[dreg:$0xd] =	wrdreg s0  }
0x1e: {  	s16 =	simm.s32 $0x9;
	s0 =	sadd.s32 s24, s4;
	[dreg:$0x10] =	wrdreg s19  }
0x1f: {  	s24 =	simm.s32 $0x1;
	[dreg:$0x3] =	wrdreg s0;
	s0 =	simm.s32 $0x13900  }
.LBB2_1:
0x20: {  	s5 =	rddreg [dreg:$0x4]  }
0x21: {  	[spmem:s19], [sflag:s6] =	dma.local [hbm:s5], $0x2700  }
0x22: {  	_ =	swait.ge [sflag:s20], $0x2700  }
0x23: {  	[sflag:s20] =	ssyncset.done $0x0  }
0x24: {  	[sflag:s20] =	ssyncadd.s32 $0xFFFFD900  }
0x25: {  	[spmem:s21], [sflag:s6] =	dma.local @!p0 [hbm:s5], $0x100  }
0x26: {  	s5 =	simm.s32 @!p0 $0xA  }
0x27: {  	_ =	swait.ge @!p0 [sflag:s5], $0x100  }
0x28: {  	[sflag:s5] =	ssyncset.done @!p0 $0x0  }
0x29: {  	s21 =	rddreg [dreg:$0x5];
	[sflag:s5] =	ssyncadd.s32 @!p0 $0xFFFFFF00  }
0x2a: {  	[tilespmem:s22], [sflag:$0x1] =	stream.linear.gather [hbm4b:s21+s2], $0x100, $0x38;
	[tilespmem:$0x1B380] =	vst v63  }
0x2b: {  	s18 =	rddreg [dreg:$0x6]  }
0x2c: {  	[tilespmem:s23], [sflag:$0x2] =	stream.linear.gather [hbm4b:s18+s2], $0x100, $0x38;
	[tilespmem:$0x1B380] =	vst v63  }
0x2d: {  	[bflag:$0x0] =	sbarrier.arrive $0xFFFF  }
0x2e: {  	_ =	swait.ge [sflag:s24], $0x100  }
0x2f: {  	[sflag:s24] =	ssyncset.done $0x0  }
0x30: {  	[sflag:s24] =	ssyncadd.s32 $0xFFFFFF00  }
0x31: {  	[tilespmem:s26], [sflag:$0x4] =	stream.indirect.gather [hbm4b:s3+s25], $0x80, s22, s25, $0xb8;
	[tilespmem:$0x1B380] =	vst v63  }
0x32: {  	_ =	swait.ge [sflag:s28], $0x100  }
0x33: {  	[sflag:s28] =	ssyncset.done $0x0  }
0x34: {  	[sflag:s28] =	ssyncadd.s32 $0xFFFFFF00  }
0x35: {  	[tilespmem:s29], [sflag:$0x5] =	stream.indirect.gather [hbm4b:s3+s25], $0x80, s23, s25, $0xb8;
	[tilespmem:$0x1B380] =	vst v63  }
0x36: {  	s19 =	rddreg [dreg:$0x7]  }
0x37: {  	[tilespmem:s30], [sflag:$0x3] =	stream.linear.gather [hbm4b:s19+s2], $0x100, $0x38;
	[tilespmem:$0x1B380] =	vst v63  }
0x38: {  	_ =	swait.ge [sflag:s31], $0x2800  }
0x39: {  	[sflag:s31] =	ssyncset.done $0x0  }
0x3a: {  	[sflag:s31] =	ssyncadd.s32 $0xFFFFD800  }
0x3b: {  	[spmem:s1] =	stream.indirect.scatter.add.f32 [tilespmem:s26], [sflag:$0x7], $0x80, s0, s25, $0xb8;
	[tilespmem:$0x1B380] =	vst v63  }
0x3c: {  	_ =	swait.ge [sflag:s8], $0x100  }
0x3d: {  	[sflag:s8] =	ssyncset.done $0x0  }
0x3e: {  	[sflag:s8] =	ssyncadd.s32 $0xFFFFFF00  }
0x3f: {  	[tilespmem:s9], [sflag:$0x6] =	stream.indirect.gather [hbm4b:s3+s25], $0x80, s30, s25, $0xb8;
	[tilespmem:$0x1B380] =	vst v63  }
0x40: {  	_ =	swait.ge [sflag:s10], $0x2800  }
0x41: {  	s18 =	rddreg [dreg:$0xf]  }
0x42: {  	[sflag:s10] =	ssyncset.done $0x0;
	s21 =	sshrl.u32 s18, $0x3  }
0x43: {  	[sflag:s10] =	ssyncadd.s32 $0xFFFFD800;
	s5 =	sadd.s32 s4, s21  }
0x44: {  	[tilespmem:s22], [sflag:$0x1] =	stream.linear.gather [hbm4b:s5+s2], $0x100, $0x38;
	[tilespmem:$0x1B380] =	vst v63  }
0x45: {  	_ =	swait.ge [sflag:s11], $0x2800  }
0x46: {  	[sflag:s11] =	ssyncset.done $0x0  }
0x47: {  	[sflag:s11] =	ssyncadd.s32 $0xFFFFD800  }
0x48: {  	[spmem:s1] =	stream.indirect.scatter.add.f32 [tilespmem:s29], [sflag:$0x8], $0x80, s12, s25, $0xb8;
	[tilespmem:$0x1B380] =	vst v63  }
0x49: {  	_ =	swait.ge [sflag:s24], $0x100  }
0x4a: {  	[sflag:s24] =	ssyncset.done $0x0  }
0x4b: {  	[sflag:s24] =	ssyncadd.s32 $0xFFFFFF00  }
0x4c: {  	[tilespmem:s26], [sflag:$0x4] =	stream.indirect.gather [hbm4b:s3+s25], $0x80, s22, s25, $0xb8;
	[tilespmem:$0x1B380] =	vst v63  }
0x4d: {  	_ =	swait.ge [sflag:s13], $0x2800  }
0x4e: {  	[sflag:s13] =	ssyncset.done $0x0  }
0x4f: {  	s19 =	sadd.s32 $0x0, s17;
	[sflag:s13] =	ssyncadd.s32 $0xFFFFD800  }
0x50: {  	[tilespmem:s23], [sflag:$0x2] =	stream.linear.gather [hbm4b:s19+s2], $0x100, $0x38;
	[tilespmem:$0x1B380] =	vst v63  }
0x51: {  	_ =	swait.ge [sflag:s14], $0x2800  }
0x52: {  	[sflag:s14] =	ssyncset.done $0x0  }
0x53: {  	[sflag:s14] =	ssyncadd.s32 $0xFFFFD800  }
0x54: {  	[spmem:s1] =	stream.indirect.scatter.add.f32 [tilespmem:s9], [sflag:$0x9], $0x80, s15, s25, $0xb8;
	[tilespmem:$0x1B380] =	vst v63  }
0x55: {  	_ =	swait.ge [sflag:s28], $0x100  }
0x56: {  	[sflag:s28] =	ssyncset.done $0x0  }
0x57: {  	[sflag:s28] =	ssyncadd.s32 $0xFFFFFF00  }
0x58: {  	[tilespmem:s29], [sflag:$0x5] =	stream.indirect.gather [hbm4b:s3+s25], $0x80, s23, s25, $0xb8;
	[tilespmem:$0x1B380] =	vst v63  }
0x59: {  	_ =	swait.ge [sflag:s16], $0x2800  }
0x5a: {  	s21 =	rddreg [dreg:$0x3];
	[sflag:s16] =	ssyncset.done $0x0  }
0x5b: {  	[sflag:s16] =	ssyncadd.s32 $0xFFFFD800;
	s5 =	sadd.s32 $0x0, s21  }
0x5c: {  	[tilespmem:s30], [sflag:$0x3] =	stream.linear.gather [hbm4b:s5+s2], $0x100, $0x38;
	[tilespmem:$0x1B380] =	vst v63  }
0x5d: {  	_ =	swait.ge [sflag:s31], $0x2800  }
0x5e: {  	[sflag:s31] =	ssyncset.done $0x0  }
0x5f: {  	[sflag:s31] =	ssyncadd.s32 $0xFFFFD800  }
0x60: {  	[spmem:s1] =	stream.indirect.scatter.add.f32 [tilespmem:s26], [sflag:$0x7], $0x80, s0, s25, $0xb8;
	[tilespmem:$0x1B380] =	vst v63  }
0x61: {  	_ =	swait.ge [sflag:s8], $0x100  }
0x62: {  	[sflag:s8] =	ssyncset.done $0x0  }
0x63: {  	s18 =	sadd.s32 $0x300, s18;
	s5 =	simm.s32 $0x60;
	[sflag:s8] =	ssyncadd.s32 $0xFFFFFF00  }
.LBB2_2:
0x64: {  	[tilespmem:s9], [sflag:$0x6] =	stream.indirect.gather [hbm4b:s3+s25], $0x80, s30, s25, $0xb8;
	[tilespmem:$0x1B380] =	vst v63  }
0x65: {  	_ =	swait.ge [sflag:s10], $0x2800  }
0x66: {  	s21 =	sshrl.u32 s18, $0x3;
	[sflag:s10] =	ssyncset.done $0x0  }
0x67: {  	s21 =	sadd.s32 s4, s21;
	[sflag:s10] =	ssyncadd.s32 $0xFFFFD800  }
0x68: {  	[tilespmem:s22], [sflag:$0x1] =	stream.linear.gather [hbm4b:s21+s2], $0x100, $0x38;
	[tilespmem:$0x1B380] =	vst v63  }
0x69: {  	_ =	swait.ge [sflag:s11], $0x2800  }
0x6a: {  	[sflag:s11] =	ssyncset.done $0x0  }
0x6b: {  	[sflag:s11] =	ssyncadd.s32 $0xFFFFD800  }
0x6c: {  	[spmem:s1] =	stream.indirect.scatter.add.f32 [tilespmem:s29], [sflag:$0x8], $0x80, s12, s25, $0xb8;
	[tilespmem:$0x1B380] =	vst v63  }
0x6d: {  	_ =	swait.ge [sflag:s24], $0x100  }
0x6e: {  	[sflag:s24] =	ssyncset.done $0x0  }
0x6f: {  	[sflag:s24] =	ssyncadd.s32 $0xFFFFFF00  }
0x70: {  	[tilespmem:s26], [sflag:$0x4] =	stream.indirect.gather [hbm4b:s3+s25], $0x80, s22, s25, $0xb8;
	[tilespmem:$0x1B380] =	vst v63  }
0x71: {  	_ =	swait.ge [sflag:s13], $0x2800  }
0x72: {  	s19 =	smov.u32 s5;
	[sflag:s13] =	ssyncset.done $0x0  }
0x73: {  	s21 =	sadd.s32 s19, s17;
	[sflag:s13] =	ssyncadd.s32 $0xFFFFD800  }
0x74: {  	[tilespmem:s23], [sflag:$0x2] =	stream.linear.gather [hbm4b:s21+s2], $0x100, $0x38;
	[tilespmem:$0x1B380] =	vst v63  }
0x75: {  	_ =	swait.ge [sflag:s14], $0x2800  }
0x76: {  	[sflag:s14] =	ssyncset.done $0x0  }
0x77: {  	[sflag:s14] =	ssyncadd.s32 $0xFFFFD800  }
0x78: {  	[spmem:s1] =	stream.indirect.scatter.add.f32 [tilespmem:s9], [sflag:$0x9], $0x80, s15, s25, $0xb8;
	[tilespmem:$0x1B380] =	vst v63  }
0x79: {  	_ =	swait.ge [sflag:s28], $0x100  }
0x7a: {  	[sflag:s28] =	ssyncset.done $0x0  }
0x7b: {  	[sflag:s28] =	ssyncadd.s32 $0xFFFFFF00  }
0x7c: {  	[tilespmem:s29], [sflag:$0x5] =	stream.indirect.gather [hbm4b:s3+s25], $0x80, s23, s25, $0xb8;
	[tilespmem:$0x1B380] =	vst v63  }
0x7d: {  	_ =	swait.ge [sflag:s16], $0x2800  }
0x7e: {  	s21 =	rddreg [dreg:$0x3];
	[sflag:s16] =	ssyncset.done $0x0  }
0x7f: {  	[sflag:s16] =	ssyncadd.s32 $0xFFFFD800;
	s19 =	sadd.s32 s19, s21  }
0x80: {  	[tilespmem:s30], [sflag:$0x3] =	stream.linear.gather [hbm4b:s19+s2], $0x100, $0x38;
	[tilespmem:$0x1B380] =	vst v63  }
0x81: {  	_ =	swait.ge [sflag:s31], $0x2800  }
0x82: {  	p1 =	sne.s32 s5, $0x1E00;
	[sflag:s31] =	ssyncset.done $0x0  }
.Ltmp0:
0x83: {  	[sflag:s31] =	ssyncadd.s32 $0xFFFFD800;
	(pc) =	sbr.rel @p1 .LBB2_2-.Ltmp0, $4  }
0x84: {  	[spmem:s1] =	stream.indirect.scatter.add.f32 [tilespmem:s26], [sflag:$0x7], $0x80, s0, s25, $0xb8;
	[tilespmem:$0x1B380] =	vst v63  }
0x85: {  	_ =	swait.ge [sflag:s8], $0x100  }
0x86: {  	[sflag:s8] =	ssyncset.done $0x0  }
0x87: {  	s5 =	sadd.s32 $0x60, s5;
	s18 =	sadd.s32 $0x300, s18;
	[sflag:s8] =	ssyncadd.s32 $0xFFFFFF00  }
0x88: {  	[tilespmem:s9], [sflag:$0x6] =	stream.indirect.gather [hbm4b:s3+s25], $0x80, s30, s25, $0xb8;
	[tilespmem:$0x1B380] =	vst v63  }
0x89: {  	_ =	swait.ge [sflag:s10], $0x2800  }
0x8a: {  	[sflag:s10] =	ssyncset.done $0x0  }
0x8b: {  	s5 =	rddreg [dreg:$0x8];
	[sflag:s10] =	ssyncadd.s32 $0xFFFFD800  }
0x8c: {  	[tilespmem:s22], [sflag:$0x1] =	stream.linear.gather [hbm4b:s5+s2], $0x100, $0x38;
	[tilespmem:$0x1B380] =	vst v63  }
0x8d: {  	_ =	swait.ge [sflag:s11], $0x2800  }
0x8e: {  	[sflag:s11] =	ssyncset.done $0x0  }
0x8f: {  	[sflag:s11] =	ssyncadd.s32 $0xFFFFD800  }
0x90: {  	[spmem:s1] =	stream.indirect.scatter.add.f32 [tilespmem:s29], [sflag:$0x8], $0x80, s12, s25, $0xb8;
	[tilespmem:$0x1B380] =	vst v63  }
0x91: {  	_ =	swait.ge [sflag:s24], $0x100  }
0x92: {  	[sflag:s24] =	ssyncset.done $0x0  }
0x93: {  	[sflag:s24] =	ssyncadd.s32 $0xFFFFFF00  }
0x94: {  	[tilespmem:s26], [sflag:$0x4] =	stream.indirect.gather [hbm4b:s3+s25], $0x80, s22, s25, $0xb8;
	[tilespmem:$0x1B380] =	vst v63  }
0x95: {  	_ =	swait.ge [sflag:s13], $0x2800  }
0x96: {  	[sflag:s13] =	ssyncset.done $0x0  }
0x97: {  	s21 =	rddreg [dreg:$0x9];
	[sflag:s13] =	ssyncadd.s32 $0xFFFFD800  }
0x98: {  	[tilespmem:s23], [sflag:$0x2] =	stream.linear.gather [hbm4b:s21+s2], $0x100, $0x38;
	[tilespmem:$0x1B380] =	vst v63  }
0x99: {  	_ =	swait.ge [sflag:s14], $0x2800  }
0x9a: {  	[sflag:s14] =	ssyncset.done $0x0  }
0x9b: {  	[sflag:s14] =	ssyncadd.s32 $0xFFFFD800  }
0x9c: {  	[spmem:s1] =	stream.indirect.scatter.add.f32 [tilespmem:s9], [sflag:$0x9], $0x80, s15, s25, $0xb8;
	[tilespmem:$0x1B380] =	vst v63  }
0x9d: {  	_ =	swait.ge [sflag:s28], $0x100  }
0x9e: {  	[sflag:s28] =	ssyncset.done $0x0  }
0x9f: {  	[sflag:s28] =	ssyncadd.s32 $0xFFFFFF00  }
0xa0: {  	[tilespmem:s29], [sflag:$0x5] =	stream.indirect.gather [hbm4b:s3+s25], $0x80, s23, s25, $0xb8;
	[tilespmem:$0x1B380] =	vst v63  }
0xa1: {  	_ =	swait.ge [sflag:s16], $0x2800  }
0xa2: {  	[sflag:s16] =	ssyncset.done $0x0  }
0xa3: {  	s18 =	rddreg [dreg:$0xa];
	[sflag:s16] =	ssyncadd.s32 $0xFFFFD800  }
0xa4: {  	[tilespmem:s30], [sflag:$0x3] =	stream.linear.gather [hbm4b:s18+s2], $0x100, $0x38;
	[tilespmem:$0x1B380] =	vst v63  }
0xa5: {  	_ =	swait.ge [sflag:s31], $0x2800  }
0xa6: {  	[sflag:s31] =	ssyncset.done $0x0  }
0xa7: {  	[sflag:s31] =	ssyncadd.s32 $0xFFFFD800  }
0xa8: {  	[spmem:s1] =	stream.indirect.scatter.add.f32 [tilespmem:s26], [sflag:$0x7], $0x80, s0, s25, $0xb8;
	[tilespmem:$0x1B380] =	vst v63  }
0xa9: {  	_ =	swait.ge [sflag:s8], $0x100  }
0xaa: {  	[sflag:s8] =	ssyncset.done $0x0  }
0xab: {  	[sflag:s8] =	ssyncadd.s32 $0xFFFFFF00  }
0xac: {  	[tilespmem:s9], [sflag:$0x6] =	stream.indirect.gather [hbm4b:s3+s25], $0x80, s30, s25, $0xb8;
	[tilespmem:$0x1B380] =	vst v63  }
0xad: {  	_ =	swait.ge [sflag:s10], $0x2800  }
0xae: {  	[sflag:s10] =	ssyncset.done $0x0  }
0xaf: {  	s19 =	rddreg [dreg:$0xb];
	[sflag:s10] =	ssyncadd.s32 $0xFFFFD800  }
0xb0: {  	[tilespmem:s22], [sflag:$0x1] =	stream.linear.gather [hbm4b:s19+s2], $0x100, $0x38;
	[tilespmem:$0x1B380] =	vst v63  }
0xb1: {  	_ =	swait.ge [sflag:s11], $0x2800  }
0xb2: {  	[sflag:s11] =	ssyncset.done $0x0  }
0xb3: {  	[sflag:s11] =	ssyncadd.s32 $0xFFFFD800  }
0xb4: {  	[spmem:s1] =	stream.indirect.scatter.add.f32 [tilespmem:s29], [sflag:$0x8], $0x80, s12, s25, $0xb8;
	[tilespmem:$0x1B380] =	vst v63  }
0xb5: {  	_ =	swait.ge [sflag:s24], $0x100  }
0xb6: {  	[sflag:s24] =	ssyncset.done $0x0  }
0xb7: {  	[sflag:s24] =	ssyncadd.s32 $0xFFFFFF00  }
0xb8: {  	[tilespmem:s26], [sflag:$0x4] =	stream.indirect.gather [hbm4b:s3+s25], $0x80, s22, s25, $0xb8;
	[tilespmem:$0x1B380] =	vst v63  }
0xb9: {  	_ =	swait.ge [sflag:s13], $0x2800  }
0xba: {  	[sflag:s13] =	ssyncset.done $0x0  }
0xbb: {  	[sflag:s13] =	ssyncadd.s32 $0xFFFFD800  }
0xbc: {  	_ =	swait.ge [sflag:s14], $0x2800  }
0xbd: {  	[sflag:s14] =	ssyncset.done $0x0  }
0xbe: {  	[sflag:s14] =	ssyncadd.s32 $0xFFFFD800  }
0xbf: {  	[spmem:s1] =	stream.indirect.scatter.add.f32 [tilespmem:s9], [sflag:$0x9], $0x80, s15, s25, $0xb8;
	[tilespmem:$0x1B380] =	vst v63  }
0xc0: {  	_ =	swait.ge [sflag:s16], $0x2800  }
0xc1: {  	[sflag:s16] =	ssyncset.done $0x0  }
0xc2: {  	[sflag:s16] =	ssyncadd.s32 $0xFFFFD800  }
0xc3: {  	_ =	swait.ge [sflag:s31], $0x2800  }
0xc4: {  	[sflag:s31] =	ssyncset.done $0x0  }
0xc5: {  	[sflag:s31] =	ssyncadd.s32 $0xFFFFD800  }
0xc6: {  	[spmem:s1] =	stream.indirect.scatter.add.f32 [tilespmem:s26], [sflag:$0x7], $0x80, s0, s25, $0xb8;
	[tilespmem:$0x1B380] =	vst v63  }
0xc7: {  	_ =	swait.ge [sflag:s10], $0x2800  }
0xc8: {  	[sflag:s10] =	ssyncset.done $0x0  }
0xc9: {  	[sflag:s10] =	ssyncadd.s32 $0xFFFFD800  }
0xca: {  	[bflag:$0x0] =	sbarrier.arrive $0xFFFF  }
0xcb: {  	s21 =	rddreg [dreg:$0xc]  }
0xcc: {  	s19 =	rddreg [dreg:$0x10]  }
0xcd: {  	[hbm:s21], [sflag:s6] =	dma.local [spmem:s19], $0x2700  }
0xce: {  	_ =	swait.ge [sflag:s20], $0x2700  }
0xcf: {  	[sflag:s20] =	ssyncset.done $0x0;
	s5 =	rddreg [dreg:$0xd]  }
0xd0: {  	s21 =	rddreg [dreg:$0x11];
	[sflag:s20] =	ssyncadd.s32 $0xFFFFD900  }
0xd1: {  	[hbm:s5], [sflag:s6] =	dma.local @!p0 [spmem:s21], $0x100  }
0xd2: {  	s5 =	simm.s32 @!p0 $0xA  }
0xd3: {  	_ =	swait.ge @!p0 [sflag:s5], $0x100  }
0xd4: {  	s7 =	sadd.s32 $0x1, s7;
	s18 =	rddreg [dreg:$0xe]  }
0xd5: {  	p1 =	sne.s32 s7, s18  }
.Ltmp1:
0xd6: {  	_ = 	snop;
	(pc) =	sbr.rel @p1 .LBB2_1-.Ltmp1, $3  }
0xd7: {  	_ =	sdelay $0x1  }
0xd8: {  	[sflag:s5] =	ssyncset.done @!p0 $0x0  }
0xd9: {  	[sflag:s5] =	ssyncadd.s32 @!p0 $0xFFFFFF00  }
0xda: {  	_ =	sfence.sel $0x180000  }
0xdb: {  	[bflag:$0x0] =	sbarrier.arrive $0xFFFF  }
0xdc: {  	_ =	strace $0x9000004A  }
0xdd: {  	[bflag:$0x2] =	sbarrier.arrive $0xFFFF  }
0xde: {  	s0 =	rddreg [dreg:$0x2]  }
0xdf: {  	s0 =	sadd.s32 @!p0 $0x100000, s0  }
0xe0: {  	[sflag:s0] =	ssyncadd.tile.s32 @!p0 $0x1;
	_ =	shalt  }
.Lfunc_end2:
_tile_overlayer_lowered:
.L_overlay_start_2:
0xe1: {  	(tag) =	ssettag $0x2  }
0xe2: {  	s0 =	rddreg [dreg:$0x0];
	s2 =	stileid.u32  }
0xe3: {  	s1 =	rddreg [dreg:$0x1];
	p0 =	sne.s32 s2, $0x0  }
0xe4: {  	s3 =	rddreg [dreg:$0x2];
	[bflag:$0x3] =	sbarrier.arrive $0xFFFF;
	s2 =	simm.s32 @!p0 $0x1C0A  }
0xe5: {  	[timem:s3], [sflag:s2] =	dma.local @!p0 [hbm:s0], s1  }
0xe6: {  	s0 =	simm.s32 @!p0 $0xA  }
0xe7: {  	_ =	swait.ge @!p0 [sflag:s0], s1  }
0xe8: {  	s1 =	ssub.s32 @!p0 $0x0, s1;
	[sflag:s0] =	ssyncset.done @!p0 $0x0  }
0xe9: {  	[sflag:s0] =	ssyncadd.s32 @!p0 s1  }
0xea: {  	[bflag:$0x3] =	sbarrier.arrive $0xFFFF  }
0xeb: {  	_ =	shalt  }

// kernel: kernel.14.cloned.1.call-start
scs
__scs_entry_jumppad:
0x0: {  	(pc) =	sbr.rel $0x88, $3  }
0x1: {  	(tag) =	ssettag $0x0;
	lr =	simm.s32 $0x1  }
0x2: {  	[smem:$0x3F98] =	sst lr;
	_ =	strace $0xD0000000  }
0x3: {  	_ = 	snop  }
0x4: {  	_ = 	snop  }
0x5: {  	_ = 	snop  }
0x6: {  	_ = 	snop  }
0x7: {  	_ = 	snop  }
__scs_overlays_trampoline_lowered:
0x8: {  	[smem:$0x3FA7] =	sst s0  }
0x9: {  	[smem:$0x3FA8] =	sst s1  }
0xa: {  	[smem:$0x3FA9] =	sst s2  }
0xb: {  	[smem:$0x3FAA] =	sst s3  }
0xc: {  	[smem:$0x3FAB] =	sst s4  }
0xd: {  	[smem:$0x3FAC] =	sst s5  }
0xe: {  	[smem:$0x3FAD] =	sst s6  }
0xf: {  	[smem:$0x3FAE] =	sst s7  }
0x10: {  	[smem:$0x3FAF] =	sst s8  }
0x11: {  	[smem:$0x3FB0] =	sst s9;
	s0 =	simm.s32 @!p0 $0x0  }
0x12: {  	s1 =	sld [smem:$0x3F96];
	s0 =	simm.s32 @p0 $0x1  }
0x13: {  	[smem:$0x3FB1] =	sst s0;
	s0 =	simm.s32 @!p1 $0x0  }
0x14: {  	s2 =	sld [smem:$0x3F95];
	s0 =	simm.s32 @p1 $0x1  }
0x15: {  	[smem:$0x3FB2] =	sst s0;
	s0 =	simm.s32 @!p2 $0x0  }
0x16: {  	s3 =	sld [smem:$0x3FDB];
	s0 =	simm.s32 @p2 $0x1  }
0x17: {  	s4 =	simm.s32 $0x1BF5;
	[smem:$0x3FB4] =	sst s0  }
0x18: {  	s0 =	sld [smem:$0x3F97];
	_ =	swait.ge [sflag:s4], $0x0  }
0x19: {  	s7 =	sld [smem:$0x3F98]  }
0x1a: {  	s8 =	sadd.s32 $0xFFFFE003, lr  }
0x1b: {  	s9 =	sadd.s32 $0xFFFFFEF7, lr;
	s5 =	simm.s32 $0xFFFFFFFF;
	p2 =	slt.u32 s8, $0xFFFFF086  }
0x1c: {  	p1 =	slt.u32 s9, $0xF7A;
	s5 =	simm.s32 @!p2 $0x0  }
0x1d: {  	s5 =	simm.s32 @p1 $0x1;
	p0 =	seq.s32 s7, s2  }
0x1e: {  	s7 =	smul.u32 @!p0 $0xF7A, s2;
	p2 =	seq.s32 @!p0 s5, $0x0  }
0x1f: {  	s9 =	smul.u32 $0xF7A, s1;
	s8 =	simm.s32 @!p0 $0x1BF5;
	p2 =	por !p2, p0  }
0x20: {  	[sflag:s8] =	ssyncset.s32 @!p0 $0xFFFFF086;
	s6 =	sadd.s32 @!p0 s3, s7;
	s7 =	simm.s32 @!p0 $0x108  }
0x21: {  	s3 =	sadd.s32 s3, s9;
	s6 =	sadd.s32 @!p0 $0x88, s6;
	s7 =	simm.s32 @p2 $0x1082  }
0x22: {  	[simem:s7], [sflag:s8] =	dma.local @!p0 [hbm:s6], $0xF7A  }
0x23: {  	s9 =	sor.u32 $0xD0000000, s2;
	s6 =	simm.s32 $0x108;
	_ =	swait.ge @!p0 [sflag:s8], $0x0  }
0x24: {  	s3 =	sadd.s32 $0x88, s3;
	s6 =	simm.s32 @!p1 $0x1082;
	[sflag:s4] =	ssyncset.s32 $0xFFFFF086  }
0x25: {  	[simem:s6], [sflag:s4] =	dma.local [hbm:s3], $0xF7A  }
0x26: {  	[smem:$0x3F98] =	sst s1;
	(tag) =	ssettag s2;
	_ =	strace s9  }
0x27: {  	s1 =	sld [smem:$0x3FA8]  }
0x28: {  	s2 =	sld [smem:$0x3FA9]  }
0x29: {  	s4 =	sld [smem:$0x3FAB]  }
0x2a: {  	p0 =	seq.s32 s5, $0x0;
	s5 =	sld [smem:$0x3FAC]  }
0x2b: {  	s6 =	sld [smem:$0x3FAD]  }
0x2c: {  	s7 =	sld [smem:$0x3FAE]  }
0x2d: {  	s3 =	simm.s32 $0x108;
	s8 =	sld [smem:$0x3FAF]  }
0x2e: {  	s3 =	simm.s32 @!p0 $0x1082;
	s9 =	sld [smem:$0x3FB0]  }
0x2f: {  	lr =	sadd.s32 s0, s3;
	s0 =	sld [smem:$0x3FA7]  }
0x30: {  	s3 =	sld [smem:$0x3FAA]  }
0x31: {  	[smem:$0x3FB3] =	sst s10  }
0x32: {  	s10 =	sld [smem:$0x3FB1];
	_ =	sdelay $0x3  }
0x33: {  	p0 =	seq.s32 s10, $0x1;
	s10 =	sld [smem:$0x3FB3];
	_ =	sdelay $0x3  }
0x34: {  	[smem:$0x3FB3] =	sst s10  }
0x35: {  	s10 =	sld [smem:$0x3FB2];
	_ =	sdelay $0x3  }
0x36: {  	p1 =	seq.s32 s10, $0x1;
	s10 =	sld [smem:$0x3FB3];
	_ =	sdelay $0x3  }
0x37: {  	[smem:$0x3FB3] =	sst s10  }
0x38: {  	s10 =	sld [smem:$0x3FB4]  }
0x39: {  	_ = 	snop;
	(pc) =	sbr.ind lr, $3  }
0x3a: {  	_ = 	snop  }
0x3b: {  	_ = 	snop  }
0x3c: {  	p2 =	seq.s32 s10, $0x1;
	s10 =	sld [smem:$0x3FB3]  }
0x3d: {  	_ =	shalt  }
0x3e: {  	_ =	shalt  }
0x3f: {  	_ =	shalt  }
0x40: {  	_ =	shalt  }
0x41: {  	_ =	shalt  }
0x42: {  	_ =	shalt  }
0x43: {  	_ =	shalt  }
0x44: {  	_ =	shalt  }
0x45: {  	_ =	shalt  }
0x46: {  	_ =	shalt  }
0x47: {  	_ =	shalt  }
0x48: {  	_ =	shalt  }
0x49: {  	_ =	shalt  }
0x4a: {  	_ =	shalt  }
0x4b: {  	_ =	shalt  }
0x4c: {  	_ =	shalt  }
0x4d: {  	_ =	shalt  }
0x4e: {  	_ =	shalt  }
0x4f: {  	_ =	shalt  }
0x50: {  	_ =	shalt  }
0x51: {  	_ =	shalt  }
0x52: {  	_ =	shalt  }
0x53: {  	_ =	shalt  }
0x54: {  	_ =	shalt  }
0x55: {  	_ =	shalt  }
0x56: {  	_ =	shalt  }
0x57: {  	_ =	shalt  }
0x58: {  	_ =	shalt  }
0x59: {  	_ =	shalt  }
0x5a: {  	_ =	shalt  }
0x5b: {  	_ =	shalt  }
0x5c: {  	_ =	shalt  }
0x5d: {  	_ =	shalt  }
0x5e: {  	_ =	shalt  }
0x5f: {  	_ =	shalt  }
0x60: {  	_ =	shalt  }
0x61: {  	_ =	shalt  }
0x62: {  	_ =	shalt  }
0x63: {  	_ =	shalt  }
0x64: {  	_ =	shalt  }
0x65: {  	_ =	shalt  }
0x66: {  	_ =	shalt  }
0x67: {  	_ =	shalt  }
0x68: {  	_ =	shalt  }
0x69: {  	_ =	shalt  }
0x6a: {  	_ =	shalt  }
0x6b: {  	_ =	shalt  }
0x6c: {  	_ =	shalt  }
0x6d: {  	_ =	shalt  }
0x6e: {  	_ =	shalt  }
0x6f: {  	_ =	shalt  }
0x70: {  	_ =	shalt  }
0x71: {  	_ =	shalt  }
0x72: {  	_ =	shalt  }
0x73: {  	_ =	shalt  }
0x74: {  	_ =	shalt  }
0x75: {  	_ =	shalt  }
0x76: {  	_ =	shalt  }
0x77: {  	_ =	shalt  }
0x78: {  	_ =	shalt  }
0x79: {  	_ =	shalt  }
0x7a: {  	_ =	shalt  }
0x7b: {  	_ =	shalt  }
0x7c: {  	_ =	shalt  }
0x7d: {  	_ =	shalt  }
0x7e: {  	_ =	shalt  }
0x7f: {  	_ =	shalt  }
0x80: {  	_ =	shalt  }
0x81: {  	_ =	shalt  }
0x82: {  	_ =	shalt  }
0x83: {  	_ =	shalt  }
0x84: {  	_ =	shalt  }
0x85: {  	_ =	shalt  }
0x86: {  	_ =	shalt  }
0x87: {  	_ =	shalt  }
.Lfunc_end0:
.L_simem_size_0:
called_computation.2_lowered:
.L_overlay_start_0:
0x88: {  	s2 =	sld [smem:$0x3FD9]  }
0x89: {  	s3 =	sld [smem:$0x3FFE];
	_ =	sdelay $0x1  }
0x8a: {  	s1 =	srdreg.scid  }
0x8b: {  	s0 =	sand.u32 $0x1, s1  }
0x8c: {  	s16 =	sshll.u32 s0, $0xA;
	s2 =	sadd.s32 s3, s2  }
0x8d: {  	s2 =	sadd.s32 s2, s16  }
0x8e: {  	[smem:$0x3FBF] =	sst s2  }
0x8f: {  	_ = 	snop  }
0x90: {  	(tm) =	ssettm $0x1  }
0x91: {  	s17 =	sld [smem:$0x3FFB];
	_ =	sdelay $0x3  }
0x92: {  	_ =	strace s17  }
0x93: {  	s2 =	sld [smem:$0x3FFC];
	_ =	sdelay $0x3  }
0x94: {  	_ =	strace s2  }
0x95: {  	s2 =	sld [smem:$0x3FFD];
	_ =	sdelay $0x3  }
0x96: {  	_ =	strace s2  }
0x97: {  	_ =	strace $0x8FFFFFFF  }
0x98: {  	s18 =	sld [smem:$0x3FDB];
	_ =	sdelay $0x1  }
0x99: {  	s19 =	simm.s32 $_scs_section_size  }
0x9a: {  	s4 =	simm.s32 $_size__tile_overlayer_lowered;
	s5 =	simm.s32 $_tile_overlayer_lowered  }
0x9b: {  	s22 =	simm.s32 $0x1BFF;
	s21 =	sshll.u32 s5, $0x1;
	s2 =	sadd.s32 s19, s18  }
0x9c: {  	s6 =	simm.s32 $0x0;
	s20 =	sshll.u32 s4, $0x1;
	s4 =	sadd.s32 s21, s2  }
0x9d: {  	[timem:s6], [sflag:s22] =	dma.local [hbm:s4], s20  }
0x9e: {  	_ =	swait.ge [sflag:s22], s20  }
0x9f: {  	s3 =	ssub.s32 $0x0, s20;
	[sflag:s22] =	ssyncset.done $0x0  }
0xa0: {  	[sflag:s22] =	ssyncadd.s32 s3;
	_ =	sdelay $0x1  }
0xa1: {  	s23 =	simm.s32 $0x1B8B  }
0xa2: {  	_ =	swait.ge [sflag:s23], $0x1  }
0xa3: {  	[sflag:s23] =	ssyncset.done $0x0  }
0xa4: {  	s25 =	simm.s32 $0x1B8E;
	s24 =	sld [smem:$0x3FFE];
	[sflag:s23] =	ssyncadd.s32 $0xFFFFFFFF  }
0xa5: {  	s26 =	simm.s32 $execute0_lowered;
	[smem:$0x3FD2] =	sst s25  }
0xa6: {  	s4 =	sshll.u32 s26, $0x1;
	_ =	strace $0x8000004C;
	[dreg:$0x1] =	wrdreg $0xFFFFFFFF  }
0xa7: {  	s28 =	simm.s32 $_size_execute0_lowered;
	s2 =	sadd.s32 s2, s4;
	[dreg:$0x0] =	wrdreg $0x0  }
0xa8: {  	s4 =	sshll.u32 s28, $0x1;
	[dreg:$0x2] =	wrdreg s2  }
0xa9: {  	[dreg:$0x3] =	wrdreg s4  }
0xaa: {  	[dreg:$0x4] =	wrdreg $0xC0  }
0xab: {  	_ =	task [dreg:s6], $0x5FFFF  }
0xac: {  	[dreg:$0x1] =	wrdreg $0xFFFFFFFF  }
0xad: {  	[dreg:$0x0] =	wrdreg $0x60  }
0xae: {  	[dreg:$0x2] =	wrdreg s24  }
0xaf: {  	[dreg:$0x3] =	wrdreg $0x0  }
0xb0: {  	[dreg:$0x4] =	wrdreg $0x9  }
0xb1: {  	_ =	task.clear_ibuf [dreg:s6], $0x5FFFF;
	_ =	strace $0x9000004C  }
0xb2: {  	s29 =	simm.s32 $0x9;
	_ =	strace $0x8000004E  }
0xb3: {  	_ =	swait.ge [sflag:s29], $0x1  }
0xb4: {  	[sflag:s29] =	ssyncadd.s32 $0xFFFFFFFF  }
0xb5: {  	_ =	strace $0x9000004E  }
0xb6: {  	_ =	sfence  }
0xb7: {  	s30 =	sld [smem:$0x0];
	_ =	sdelay $0x2  }
0xb8: {  	s31 =	sshll.u32 s1, $0xD;
	s1 =	sshrl.u32 s1, $0x2  }
0xb9: {  	s3 =	sand.u32 $0x4000, s31;
	s1 =	sadd.s32 s1, s30  }
0xba: {  	s0 =	sor.u32 s3, s0;
	s1 =	sshll.u32 s1, $0x11  }
0xbb: {  	s0 =	sor.u32 s1, s0  }
0xbc: {  	s0 =	sadd.s32 $0x8F2B, s0  }
0xbd: {  	[sflag:s0] =	ssyncadd.remote.s32 $0x1  }
0xbe: {  	_ =	sfence.sel $0xFFFF  }
0xbf: {  	[dreg:$0x0] =	wrdreg $0xFFFFFFFF;
	(pc) =	sbr.abs _section_cstart, $3  }
0xc0: {  	[dreg:$0x1] =	wrdreg $0xFFFFFFFF  }
0xc1: {  	_ =	task.clear_ibuf [dreg:s6], $0x2FFFF;
	_ =	strace $0x9FFFFFFF  }
0xc2: {  	(tm) =	ssettm $0x7FFFFFFF  }
0xc3: {  	_ =	shalt  }
tec
execute0_lowered:
.L_overlay_start_1:
0x0: {  	(tag) =	ssettag $0x1  }
0x1: {  	s0 =	rddreg [dreg:$0x0]  }
0x2: {  	s1 =	rddreg [dreg:$0x1];
	s2 =	simm.s32 $0x0  }
0x3: {  	s5 =	srdreg.scid;
	s7 =	stileid.u32;
	s28 =	simm.s32 $0x2  }
0x4: {  	s29 =	simm.s32 $0x16380;
	s30 =	simm.s32 $0x13A80;
	s31 =	simm.s32 $0x4  }
0x5: {  	[smem:$0x7FF] =	sst s2;
	s3 =	sadd.s32 $0xA5A00, s0;
	s4 =	sadd.s32 $0x67200, s0  }
0x6: {  	s5 =	sand.u32 $0x1, s5;
	s6 =	sadd.s32 $0x1E00, s0;
	s25 =	smul.u32 $0x4E000, s7  }
0x7: {  	s0 =	sadd.s32 $0xF3C00, s0;
	s26 =	smul.u32 $0x2700, s7;
	s17 =	sshll.u32 s7, $0x6  }
0x8: {  	s13 =	sadd.s32 $0x138000, s1;
	s21 =	smul.u32 $0xFA00, s7;
	p0 =	sne.s32 s7, $0x0  }
0x9: {  	_ =	strace $0x8000004D;
	[dreg:$0x4] =	wrdreg s6;
	s12 =	smul.u32 $0x27100, s5  }
0xa: {  	s8 =	sshll.u32 s5, $0x4;
	s9 =	ssub.s32 $0x2, s5;
	s18 =	smul.u32 $0x138800, s5  }
0xb: {  	s5 =	smul.u32 $0xFA000, s5;
	s8 =	sor.u32 s7, s8;
	s10 =	sshrl.u32 s9, $0x1  }
0xc: {  	s6 =	sshrl.u32 s25, $0x2;
	s7 =	simm.s32 $0x0;
	s8 =	smul.u32 $0xFA00, s8  }
0xd: {  	s9 =	ssub.s32 s9, s10;
	s11 =	sadd.s32 s6, s1;
	s6 =	sor.u32 $0x1C0A, s17  }
0xe: {  	s10 =	sadd.s32 s26, s12;
	s5 =	sadd.s32 s21, s5;
	s21 =	sshrl.u32 @!p0 s13, $0x3  }
0xf: {  	s12 =	simm.s32 $0x13A00;
	s13 =	simm.s32 $0x8;
	s10 =	sadd.s32 s0, s10  }
0x10: {  	s23 =	sadd.s32 $0x500, s5;
	s25 =	sadd.s32 $0x400, s5;
	[dreg:$0x11] =	wrdreg s21  }
0x11: {  	s9 =	smax.u32 s9, $0x1;
	s26 =	sadd.s32 $0x300, s5;
	[dreg:$0xc] =	wrdreg s10  }
0x12: {  	s8 =	sshrl.u32 s8, $0x3;
	s24 =	sshrl.u32 s23, $0x3;
	[dreg:$0xe] =	wrdreg s9  }
0x13: {  	[dreg:$0xf] =	wrdreg s26;
	s23 =	simm.s32 $0x13980;
	s15 =	sadd.s32 s4, s8  }
0x14: {  	s26 =	simm.s32 $0x13B80;
	s14 =	sadd.s32 $0x20, s15;
	[dreg:$0x5] =	wrdreg s15  }
0x15: {  	s9 =	simm.s32 $0x18B80;
	s19 =	sadd.s32 $0x40, s15;
	[dreg:$0x6] =	wrdreg s14  }
0x16: {  	s10 =	simm.s32 $0x7;
	s20 =	sadd.s32 $0x1EC0, s15;
	[dreg:$0x7] =	wrdreg s19  }
0x17: {  	s8 =	sshrl.u32 s18, $0x3;
	s16 =	sadd.s32 $0x1EE0, s15;
	[dreg:$0x8] =	wrdreg s20  }
0x18: {  	s22 =	sadd.s32 $0x1F00, s15;
	s15 =	sadd.s32 $0x1F20, s15;
	[dreg:$0x9] =	wrdreg s16  }
0x19: {  	s0 =	sadd.s32 s0, s8;
	s8 =	sshrl.u32 s25, $0x3;
	[dreg:$0xa] =	wrdreg s22  }
0x1a: {  	s25 =	simm.s32 $0x50;
	[dreg:$0xb] =	wrdreg s15;
	s0 =	sadd.s32 $0x27000, s0  }
0x1b: {  	s17 =	sadd.s32 s8, s4;
	s19 =	sshrl.u32 s11, $0x3;
	s20 =	simm.s32 $0xA  }
0x1c: {  	s22 =	simm.s32 $0x13880;
	s8 =	simm.s32 $0x3;
	s11 =	simm.s32 $0x5  }
0x1d: {  	s14 =	simm.s32 $0x6;
	s15 =	simm.s32 $0x13B00;
	[dreg:$0xd] =	wrdreg s0  }
0x1e: {  	s16 =	simm.s32 $0x9;
	s0 =	sadd.s32 s24, s4;
	[dreg:$0x10] =	wrdreg s19  }
0x1f: {  	s24 =	simm.s32 $0x1;
	[dreg:$0x3] =	wrdreg s0;
	s0 =	simm.s32 $0x13900  }
.LBB2_1:
0x20: {  	s5 =	rddreg [dreg:$0x4]  }
0x21: {  	[spmem:s19], [sflag:s6] =	dma.local [hbm:s5], $0x2700  }
0x22: {  	_ =	swait.ge [sflag:s20], $0x2700  }
0x23: {  	[sflag:s20] =	ssyncset.done $0x0  }
0x24: {  	[sflag:s20] =	ssyncadd.s32 $0xFFFFD900  }
0x25: {  	[spmem:s21], [sflag:s6] =	dma.local @!p0 [hbm:s5], $0x100  }
0x26: {  	s5 =	simm.s32 @!p0 $0xA  }
0x27: {  	_ =	swait.ge @!p0 [sflag:s5], $0x100  }
0x28: {  	[sflag:s5] =	ssyncset.done @!p0 $0x0  }
0x29: {  	s21 =	rddreg [dreg:$0x5];
	[sflag:s5] =	ssyncadd.s32 @!p0 $0xFFFFFF00  }
0x2a: {  	[tilespmem:s22], [sflag:$0x1] =	stream.linear.gather [hbm4b:s21+s2], $0x100, $0x38;
	[tilespmem:$0x1B380] =	vst v63  }
0x2b: {  	s18 =	rddreg [dreg:$0x6]  }
0x2c: {  	[tilespmem:s23], [sflag:$0x2] =	stream.linear.gather [hbm4b:s18+s2], $0x100, $0x38;
	[tilespmem:$0x1B380] =	vst v63  }
0x2d: {  	[bflag:$0x0] =	sbarrier.arrive $0xFFFF  }
0x2e: {  	_ =	swait.ge [sflag:s24], $0x100  }
0x2f: {  	[sflag:s24] =	ssyncset.done $0x0  }
0x30: {  	[sflag:s24] =	ssyncadd.s32 $0xFFFFFF00  }
0x31: {  	[tilespmem:s26], [sflag:$0x4] =	stream.indirect.gather [hbm4b:s3+s25], $0x80, s22, s25, $0xb8;
	[tilespmem:$0x1B380] =	vst v63  }
0x32: {  	_ =	swait.ge [sflag:s28], $0x100  }
0x33: {  	[sflag:s28] =	ssyncset.done $0x0  }
0x34: {  	[sflag:s28] =	ssyncadd.s32 $0xFFFFFF00  }
0x35: {  	[tilespmem:s29], [sflag:$0x5] =	stream.indirect.gather [hbm4b:s3+s25], $0x80, s23, s25, $0xb8;
	[tilespmem:$0x1B380] =	vst v63  }
0x36: {  	s19 =	rddreg [dreg:$0x7]  }
0x37: {  	[tilespmem:s30], [sflag:$0x3] =	stream.linear.gather [hbm4b:s19+s2], $0x100, $0x38;
	[tilespmem:$0x1B380] =	vst v63  }
0x38: {  	_ =	swait.ge [sflag:s31], $0x2800  }
0x39: {  	[sflag:s31] =	ssyncset.done $0x0  }
0x3a: {  	[sflag:s31] =	ssyncadd.s32 $0xFFFFD800  }
0x3b: {  	[spmem:s1] =	stream.indirect.scatter.add.f32 [tilespmem:s26], [sflag:$0x7], $0x80, s0, s25, $0xb8;
	[tilespmem:$0x1B380] =	vst v63  }
0x3c: {  	_ =	swait.ge [sflag:s8], $0x100  }
0x3d: {  	[sflag:s8] =	ssyncset.done $0x0  }
0x3e: {  	[sflag:s8] =	ssyncadd.s32 $0xFFFFFF00  }
0x3f: {  	[tilespmem:s9], [sflag:$0x6] =	stream.indirect.gather [hbm4b:s3+s25], $0x80, s30, s25, $0xb8;
	[tilespmem:$0x1B380] =	vst v63  }
0x40: {  	_ =	swait.ge [sflag:s10], $0x2800  }
0x41: {  	s18 =	rddreg [dreg:$0xf]  }
0x42: {  	[sflag:s10] =	ssyncset.done $0x0;
	s21 =	sshrl.u32 s18, $0x3  }
0x43: {  	[sflag:s10] =	ssyncadd.s32 $0xFFFFD800;
	s5 =	sadd.s32 s4, s21  }
0x44: {  	[tilespmem:s22], [sflag:$0x1] =	stream.linear.gather [hbm4b:s5+s2], $0x100, $0x38;
	[tilespmem:$0x1B380] =	vst v63  }
0x45: {  	_ =	swait.ge [sflag:s11], $0x2800  }
0x46: {  	[sflag:s11] =	ssyncset.done $0x0  }
0x47: {  	[sflag:s11] =	ssyncadd.s32 $0xFFFFD800  }
0x48: {  	[spmem:s1] =	stream.indirect.scatter.add.f32 [tilespmem:s29], [sflag:$0x8], $0x80, s12, s25, $0xb8;
	[tilespmem:$0x1B380] =	vst v63  }
0x49: {  	_ =	swait.ge [sflag:s24], $0x100  }
0x4a: {  	[sflag:s24] =	ssyncset.done $0x0  }
0x4b: {  	[sflag:s24] =	ssyncadd.s32 $0xFFFFFF00  }
0x4c: {  	[tilespmem:s26], [sflag:$0x4] =	stream.indirect.gather [hbm4b:s3+s25], $0x80, s22, s25, $0xb8;
	[tilespmem:$0x1B380] =	vst v63  }
0x4d: {  	_ =	swait.ge [sflag:s13], $0x2800  }
0x4e: {  	[sflag:s13] =	ssyncset.done $0x0  }
0x4f: {  	s19 =	sadd.s32 $0x0, s17;
	[sflag:s13] =	ssyncadd.s32 $0xFFFFD800  }
0x50: {  	[tilespmem:s23], [sflag:$0x2] =	stream.linear.gather [hbm4b:s19+s2], $0x100, $0x38;
	[tilespmem:$0x1B380] =	vst v63  }
0x51: {  	_ =	swait.ge [sflag:s14], $0x2800  }
0x52: {  	[sflag:s14] =	ssyncset.done $0x0  }
0x53: {  	[sflag:s14] =	ssyncadd.s32 $0xFFFFD800  }
0x54: {  	[spmem:s1] =	stream.indirect.scatter.add.f32 [tilespmem:s9], [sflag:$0x9], $0x80, s15, s25, $0xb8;
	[tilespmem:$0x1B380] =	vst v63  }
0x55: {  	_ =	swait.ge [sflag:s28], $0x100  }
0x56: {  	[sflag:s28] =	ssyncset.done $0x0  }
0x57: {  	[sflag:s28] =	ssyncadd.s32 $0xFFFFFF00  }
0x58: {  	[tilespmem:s29], [sflag:$0x5] =	stream.indirect.gather [hbm4b:s3+s25], $0x80, s23, s25, $0xb8;
	[tilespmem:$0x1B380] =	vst v63  }
0x59: {  	_ =	swait.ge [sflag:s16], $0x2800  }
0x5a: {  	s21 =	rddreg [dreg:$0x3];
	[sflag:s16] =	ssyncset.done $0x0  }
0x5b: {  	[sflag:s16] =	ssyncadd.s32 $0xFFFFD800;
	s5 =	sadd.s32 $0x0, s21  }
0x5c: {  	[tilespmem:s30], [sflag:$0x3] =	stream.linear.gather [hbm4b:s5+s2], $0x100, $0x38;
	[tilespmem:$0x1B380] =	vst v63  }
0x5d: {  	_ =	swait.ge [sflag:s31], $0x2800  }
0x5e: {  	[sflag:s31] =	ssyncset.done $0x0  }
0x5f: {  	[sflag:s31] =	ssyncadd.s32 $0xFFFFD800  }
0x60: {  	[spmem:s1] =	stream.indirect.scatter.add.f32 [tilespmem:s26], [sflag:$0x7], $0x80, s0, s25, $0xb8;
	[tilespmem:$0x1B380] =	vst v63  }
0x61: {  	_ =	swait.ge [sflag:s8], $0x100  }
0x62: {  	[sflag:s8] =	ssyncset.done $0x0  }
0x63: {  	s18 =	sadd.s32 $0x300, s18;
	s5 =	simm.s32 $0x60;
	[sflag:s8] =	ssyncadd.s32 $0xFFFFFF00  }
.LBB2_2:
0x64: {  	[tilespmem:s9], [sflag:$0x6] =	stream.indirect.gather [hbm4b:s3+s25], $0x80, s30, s25, $0xb8;
	[tilespmem:$0x1B380] =	vst v63  }
0x65: {  	_ =	swait.ge [sflag:s10], $0x2800  }
0x66: {  	s21 =	sshrl.u32 s18, $0x3;
	[sflag:s10] =	ssyncset.done $0x0  }
0x67: {  	s21 =	sadd.s32 s4, s21;
	[sflag:s10] =	ssyncadd.s32 $0xFFFFD800  }
0x68: {  	[tilespmem:s22], [sflag:$0x1] =	stream.linear.gather [hbm4b:s21+s2], $0x100, $0x38;
	[tilespmem:$0x1B380] =	vst v63  }
0x69: {  	_ =	swait.ge [sflag:s11], $0x2800  }
0x6a: {  	[sflag:s11] =	ssyncset.done $0x0  }
0x6b: {  	[sflag:s11] =	ssyncadd.s32 $0xFFFFD800  }
0x6c: {  	[spmem:s1] =	stream.indirect.scatter.add.f32 [tilespmem:s29], [sflag:$0x8], $0x80, s12, s25, $0xb8;
	[tilespmem:$0x1B380] =	vst v63  }
0x6d: {  	_ =	swait.ge [sflag:s24], $0x100  }
0x6e: {  	[sflag:s24] =	ssyncset.done $0x0  }
0x6f: {  	[sflag:s24] =	ssyncadd.s32 $0xFFFFFF00  }
0x70: {  	[tilespmem:s26], [sflag:$0x4] =	stream.indirect.gather [hbm4b:s3+s25], $0x80, s22, s25, $0xb8;
	[tilespmem:$0x1B380] =	vst v63  }
0x71: {  	_ =	swait.ge [sflag:s13], $0x2800  }
0x72: {  	s19 =	smov.u32 s5;
	[sflag:s13] =	ssyncset.done $0x0  }
0x73: {  	s21 =	sadd.s32 s19, s17;
	[sflag:s13] =	ssyncadd.s32 $0xFFFFD800  }
0x74: {  	[tilespmem:s23], [sflag:$0x2] =	stream.linear.gather [hbm4b:s21+s2], $0x100, $0x38;
	[tilespmem:$0x1B380] =	vst v63  }
0x75: {  	_ =	swait.ge [sflag:s14], $0x2800  }
0x76: {  	[sflag:s14] =	ssyncset.done $0x0  }
0x77: {  	[sflag:s14] =	ssyncadd.s32 $0xFFFFD800  }
0x78: {  	[spmem:s1] =	stream.indirect.scatter.add.f32 [tilespmem:s9], [sflag:$0x9], $0x80, s15, s25, $0xb8;
	[tilespmem:$0x1B380] =	vst v63  }
0x79: {  	_ =	swait.ge [sflag:s28], $0x100  }
0x7a: {  	[sflag:s28] =	ssyncset.done $0x0  }
0x7b: {  	[sflag:s28] =	ssyncadd.s32 $0xFFFFFF00  }
0x7c: {  	[tilespmem:s29], [sflag:$0x5] =	stream.indirect.gather [hbm4b:s3+s25], $0x80, s23, s25, $0xb8;
	[tilespmem:$0x1B380] =	vst v63  }
0x7d: {  	_ =	swait.ge [sflag:s16], $0x2800  }
0x7e: {  	s21 =	rddreg [dreg:$0x3];
	[sflag:s16] =	ssyncset.done $0x0  }
0x7f: {  	[sflag:s16] =	ssyncadd.s32 $0xFFFFD800;
	s19 =	sadd.s32 s19, s21  }
0x80: {  	[tilespmem:s30], [sflag:$0x3] =	stream.linear.gather [hbm4b:s19+s2], $0x100, $0x38;
	[tilespmem:$0x1B380] =	vst v63  }
0x81: {  	_ =	swait.ge [sflag:s31], $0x2800  }
0x82: {  	p1 =	sne.s32 s5, $0x1E00;
	[sflag:s31] =	ssyncset.done $0x0  }
.Ltmp0:
0x83: {  	[sflag:s31] =	ssyncadd.s32 $0xFFFFD800;
	(pc) =	sbr.rel @p1 .LBB2_2-.Ltmp0, $4  }
0x84: {  	[spmem:s1] =	stream.indirect.scatter.add.f32 [tilespmem:s26], [sflag:$0x7], $0x80, s0, s25, $0xb8;
	[tilespmem:$0x1B380] =	vst v63  }
0x85: {  	_ =	swait.ge [sflag:s8], $0x100  }
0x86: {  	[sflag:s8] =	ssyncset.done $0x0  }
0x87: {  	s5 =	sadd.s32 $0x60, s5;
	s18 =	sadd.s32 $0x300, s18;
	[sflag:s8] =	ssyncadd.s32 $0xFFFFFF00  }
0x88: {  	[tilespmem:s9], [sflag:$0x6] =	stream.indirect.gather [hbm4b:s3+s25], $0x80, s30, s25, $0xb8;
	[tilespmem:$0x1B380] =	vst v63  }
0x89: {  	_ =	swait.ge [sflag:s10], $0x2800  }
0x8a: {  	[sflag:s10] =	ssyncset.done $0x0  }
0x8b: {  	s5 =	rddreg [dreg:$0x8];
	[sflag:s10] =	ssyncadd.s32 $0xFFFFD800  }
0x8c: {  	[tilespmem:s22], [sflag:$0x1] =	stream.linear.gather [hbm4b:s5+s2], $0x100, $0x38;
	[tilespmem:$0x1B380] =	vst v63  }
0x8d: {  	_ =	swait.ge [sflag:s11], $0x2800  }
0x8e: {  	[sflag:s11] =	ssyncset.done $0x0  }
0x8f: {  	[sflag:s11] =	ssyncadd.s32 $0xFFFFD800  }
0x90: {  	[spmem:s1] =	stream.indirect.scatter.add.f32 [tilespmem:s29], [sflag:$0x8], $0x80, s12, s25, $0xb8;
	[tilespmem:$0x1B380] =	vst v63  }
0x91: {  	_ =	swait.ge [sflag:s24], $0x100  }
0x92: {  	[sflag:s24] =	ssyncset.done $0x0  }
0x93: {  	[sflag:s24] =	ssyncadd.s32 $0xFFFFFF00  }
0x94: {  	[tilespmem:s26], [sflag:$0x4] =	stream.indirect.gather [hbm4b:s3+s25], $0x80, s22, s25, $0xb8;
	[tilespmem:$0x1B380] =	vst v63  }
0x95: {  	_ =	swait.ge [sflag:s13], $0x2800  }
0x96: {  	[sflag:s13] =	ssyncset.done $0x0  }
0x97: {  	s21 =	rddreg [dreg:$0x9];
	[sflag:s13] =	ssyncadd.s32 $0xFFFFD800  }
0x98: {  	[tilespmem:s23], [sflag:$0x2] =	stream.linear.gather [hbm4b:s21+s2], $0x100, $0x38;
	[tilespmem:$0x1B380] =	vst v63  }
0x99: {  	_ =	swait.ge [sflag:s14], $0x2800  }
0x9a: {  	[sflag:s14] =	ssyncset.done $0x0  }
0x9b: {  	[sflag:s14] =	ssyncadd.s32 $0xFFFFD800  }
0x9c: {  	[spmem:s1] =	stream.indirect.scatter.add.f32 [tilespmem:s9], [sflag:$0x9], $0x80, s15, s25, $0xb8;
	[tilespmem:$0x1B380] =	vst v63  }
0x9d: {  	_ =	swait.ge [sflag:s28], $0x100  }
0x9e: {  	[sflag:s28] =	ssyncset.done $0x0  }
0x9f: {  	[sflag:s28] =	ssyncadd.s32 $0xFFFFFF00  }
0xa0: {  	[tilespmem:s29], [sflag:$0x5] =	stream.indirect.gather [hbm4b:s3+s25], $0x80, s23, s25, $0xb8;
	[tilespmem:$0x1B380] =	vst v63  }
0xa1: {  	_ =	swait.ge [sflag:s16], $0x2800  }
0xa2: {  	[sflag:s16] =	ssyncset.done $0x0  }
0xa3: {  	s18 =	rddreg [dreg:$0xa];
	[sflag:s16] =	ssyncadd.s32 $0xFFFFD800  }
0xa4: {  	[tilespmem:s30], [sflag:$0x3] =	stream.linear.gather [hbm4b:s18+s2], $0x100, $0x38;
	[tilespmem:$0x1B380] =	vst v63  }
0xa5: {  	_ =	swait.ge [sflag:s31], $0x2800  }
0xa6: {  	[sflag:s31] =	ssyncset.done $0x0  }
0xa7: {  	[sflag:s31] =	ssyncadd.s32 $0xFFFFD800  }
0xa8: {  	[spmem:s1] =	stream.indirect.scatter.add.f32 [tilespmem:s26], [sflag:$0x7], $0x80, s0, s25, $0xb8;
	[tilespmem:$0x1B380] =	vst v63  }
0xa9: {  	_ =	swait.ge [sflag:s8], $0x100  }
0xaa: {  	[sflag:s8] =	ssyncset.done $0x0  }
0xab: {  	[sflag:s8] =	ssyncadd.s32 $0xFFFFFF00  }
0xac: {  	[tilespmem:s9], [sflag:$0x6] =	stream.indirect.gather [hbm4b:s3+s25], $0x80, s30, s25, $0xb8;
	[tilespmem:$0x1B380] =	vst v63  }
0xad: {  	_ =	swait.ge [sflag:s10], $0x2800  }
0xae: {  	[sflag:s10] =	ssyncset.done $0x0  }
0xaf: {  	s19 =	rddreg [dreg:$0xb];
	[sflag:s10] =	ssyncadd.s32 $0xFFFFD800  }
0xb0: {  	[tilespmem:s22], [sflag:$0x1] =	stream.linear.gather [hbm4b:s19+s2], $0x100, $0x38;
	[tilespmem:$0x1B380] =	vst v63  }
0xb1: {  	_ =	swait.ge [sflag:s11], $0x2800  }
0xb2: {  	[sflag:s11] =	ssyncset.done $0x0  }
0xb3: {  	[sflag:s11] =	ssyncadd.s32 $0xFFFFD800  }
0xb4: {  	[spmem:s1] =	stream.indirect.scatter.add.f32 [tilespmem:s29], [sflag:$0x8], $0x80, s12, s25, $0xb8;
	[tilespmem:$0x1B380] =	vst v63  }
0xb5: {  	_ =	swait.ge [sflag:s24], $0x100  }
0xb6: {  	[sflag:s24] =	ssyncset.done $0x0  }
0xb7: {  	[sflag:s24] =	ssyncadd.s32 $0xFFFFFF00  }
0xb8: {  	[tilespmem:s26], [sflag:$0x4] =	stream.indirect.gather [hbm4b:s3+s25], $0x80, s22, s25, $0xb8;
	[tilespmem:$0x1B380] =	vst v63  }
0xb9: {  	_ =	swait.ge [sflag:s13], $0x2800  }
0xba: {  	[sflag:s13] =	ssyncset.done $0x0  }
0xbb: {  	[sflag:s13] =	ssyncadd.s32 $0xFFFFD800  }
0xbc: {  	_ =	swait.ge [sflag:s14], $0x2800  }
0xbd: {  	[sflag:s14] =	ssyncset.done $0x0  }
0xbe: {  	[sflag:s14] =	ssyncadd.s32 $0xFFFFD800  }
0xbf: {  	[spmem:s1] =	stream.indirect.scatter.add.f32 [tilespmem:s9], [sflag:$0x9], $0x80, s15, s25, $0xb8;
	[tilespmem:$0x1B380] =	vst v63  }
0xc0: {  	_ =	swait.ge [sflag:s16], $0x2800  }
0xc1: {  	[sflag:s16] =	ssyncset.done $0x0  }
0xc2: {  	[sflag:s16] =	ssyncadd.s32 $0xFFFFD800  }
0xc3: {  	_ =	swait.ge [sflag:s31], $0x2800  }
0xc4: {  	[sflag:s31] =	ssyncset.done $0x0  }
0xc5: {  	[sflag:s31] =	ssyncadd.s32 $0xFFFFD800  }
0xc6: {  	[spmem:s1] =	stream.indirect.scatter.add.f32 [tilespmem:s26], [sflag:$0x7], $0x80, s0, s25, $0xb8;
	[tilespmem:$0x1B380] =	vst v63  }
0xc7: {  	_ =	swait.ge [sflag:s10], $0x2800  }
0xc8: {  	[sflag:s10] =	ssyncset.done $0x0  }
0xc9: {  	[sflag:s10] =	ssyncadd.s32 $0xFFFFD800  }
0xca: {  	[bflag:$0x0] =	sbarrier.arrive $0xFFFF  }
0xcb: {  	s21 =	rddreg [dreg:$0xc]  }
0xcc: {  	s19 =	rddreg [dreg:$0x10]  }
0xcd: {  	[hbm:s21], [sflag:s6] =	dma.local [spmem:s19], $0x2700  }
0xce: {  	_ =	swait.ge [sflag:s20], $0x2700  }
0xcf: {  	[sflag:s20] =	ssyncset.done $0x0;
	s5 =	rddreg [dreg:$0xd]  }
0xd0: {  	s21 =	rddreg [dreg:$0x11];
	[sflag:s20] =	ssyncadd.s32 $0xFFFFD900  }
0xd1: {  	[hbm:s5], [sflag:s6] =	dma.local @!p0 [spmem:s21], $0x100  }
0xd2: {  	s5 =	simm.s32 @!p0 $0xA  }
0xd3: {  	_ =	swait.ge @!p0 [sflag:s5], $0x100  }
0xd4: {  	s7 =	sadd.s32 $0x1, s7;
	s18 =	rddreg [dreg:$0xe]  }
0xd5: {  	p1 =	sne.s32 s7, s18  }
.Ltmp1:
0xd6: {  	_ = 	snop;
	(pc) =	sbr.rel @p1 .LBB2_1-.Ltmp1, $3  }
0xd7: {  	_ =	sdelay $0x1  }
0xd8: {  	[sflag:s5] =	ssyncset.done @!p0 $0x0  }
0xd9: {  	[sflag:s5] =	ssyncadd.s32 @!p0 $0xFFFFFF00  }
0xda: {  	_ =	sfence.sel $0x180000  }
0xdb: {  	[bflag:$0x0] =	sbarrier.arrive $0xFFFF  }
0xdc: {  	_ =	strace $0x9000004D  }
0xdd: {  	[bflag:$0x2] =	sbarrier.arrive $0xFFFF  }
0xde: {  	s0 =	rddreg [dreg:$0x2]  }
0xdf: {  	s0 =	sadd.s32 @!p0 $0x100000, s0  }
0xe0: {  	[sflag:s0] =	ssyncadd.tile.s32 @!p0 $0x1;
	_ =	shalt  }
.Lfunc_end2:
_tile_overlayer_lowered:
.L_overlay_start_2:
0xe1: {  	(tag) =	ssettag $0x2  }
0xe2: {  	s0 =	rddreg [dreg:$0x0];
	s2 =	stileid.u32  }
0xe3: {  	s1 =	rddreg [dreg:$0x1];
	p0 =	sne.s32 s2, $0x0  }
0xe4: {  	s3 =	rddreg [dreg:$0x2];
	[bflag:$0x3] =	sbarrier.arrive $0xFFFF;
	s2 =	simm.s32 @!p0 $0x1C0A  }
0xe5: {  	[timem:s3], [sflag:s2] =	dma.local @!p0 [hbm:s0], s1  }
0xe6: {  	s0 =	simm.s32 @!p0 $0xA  }
0xe7: {  	_ =	swait.ge @!p0 [sflag:s0], s1  }
0xe8: {  	s1 =	ssub.s32 @!p0 $0x0, s1;
	[sflag:s0] =	ssyncset.done @!p0 $0x0  }
0xe9: {  	[sflag:s0] =	ssyncadd.s32 @!p0 s1  }
0xea: {  	[bflag:$0x3] =	sbarrier.arrive $0xFFFF  }
0xeb: {  	_ =	shalt  }

// kernel: kernel.8.cloned.1.call-start
scs
__scs_entry_jumppad:
0x0: {  	(pc) =	sbr.rel $0x88, $3  }
0x1: {  	(tag) =	ssettag $0x0;
	lr =	simm.s32 $0x1  }
0x2: {  	[smem:$0x3F98] =	sst lr;
	_ =	strace $0xD0000000  }
0x3: {  	_ = 	snop  }
0x4: {  	_ = 	snop  }
0x5: {  	_ = 	snop  }
0x6: {  	_ = 	snop  }
0x7: {  	_ = 	snop  }
__scs_overlays_trampoline_lowered:
0x8: {  	[smem:$0x3FA7] =	sst s0  }
0x9: {  	[smem:$0x3FA8] =	sst s1  }
0xa: {  	[smem:$0x3FA9] =	sst s2  }
0xb: {  	[smem:$0x3FAA] =	sst s3  }
0xc: {  	[smem:$0x3FAB] =	sst s4  }
0xd: {  	[smem:$0x3FAC] =	sst s5  }
0xe: {  	[smem:$0x3FAD] =	sst s6  }
0xf: {  	[smem:$0x3FAE] =	sst s7  }
0x10: {  	[smem:$0x3FAF] =	sst s8  }
0x11: {  	[smem:$0x3FB0] =	sst s9;
	s0 =	simm.s32 @!p0 $0x0  }
0x12: {  	s1 =	sld [smem:$0x3F96];
	s0 =	simm.s32 @p0 $0x1  }
0x13: {  	[smem:$0x3FB1] =	sst s0;
	s0 =	simm.s32 @!p1 $0x0  }
0x14: {  	s2 =	sld [smem:$0x3F95];
	s0 =	simm.s32 @p1 $0x1  }
0x15: {  	[smem:$0x3FB2] =	sst s0;
	s0 =	simm.s32 @!p2 $0x0  }
0x16: {  	s3 =	sld [smem:$0x3FDB];
	s0 =	simm.s32 @p2 $0x1  }
0x17: {  	s4 =	simm.s32 $0x1BF5;
	[smem:$0x3FB4] =	sst s0  }
0x18: {  	s0 =	sld [smem:$0x3F97];
	_ =	swait.ge [sflag:s4], $0x0  }
0x19: {  	s7 =	sld [smem:$0x3F98]  }
0x1a: {  	s8 =	sadd.s32 $0xFFFFE003, lr  }
0x1b: {  	s9 =	sadd.s32 $0xFFFFFEF7, lr;
	s5 =	simm.s32 $0xFFFFFFFF;
	p2 =	slt.u32 s8, $0xFFFFF086  }
0x1c: {  	p1 =	slt.u32 s9, $0xF7A;
	s5 =	simm.s32 @!p2 $0x0  }
0x1d: {  	s5 =	simm.s32 @p1 $0x1;
	p0 =	seq.s32 s7, s2  }
0x1e: {  	s7 =	smul.u32 @!p0 $0xF7A, s2;
	p2 =	seq.s32 @!p0 s5, $0x0  }
0x1f: {  	s9 =	smul.u32 $0xF7A, s1;
	s8 =	simm.s32 @!p0 $0x1BF5;
	p2 =	por !p2, p0  }
0x20: {  	[sflag:s8] =	ssyncset.s32 @!p0 $0xFFFFF086;
	s6 =	sadd.s32 @!p0 s3, s7;
	s7 =	simm.s32 @!p0 $0x108  }
0x21: {  	s3 =	sadd.s32 s3, s9;
	s6 =	sadd.s32 @!p0 $0x88, s6;
	s7 =	simm.s32 @p2 $0x1082  }
0x22: {  	[simem:s7], [sflag:s8] =	dma.local @!p0 [hbm:s6], $0xF7A  }
0x23: {  	s9 =	sor.u32 $0xD0000000, s2;
	s6 =	simm.s32 $0x108;
	_ =	swait.ge @!p0 [sflag:s8], $0x0  }
0x24: {  	s3 =	sadd.s32 $0x88, s3;
	s6 =	simm.s32 @!p1 $0x1082;
	[sflag:s4] =	ssyncset.s32 $0xFFFFF086  }
0x25: {  	[simem:s6], [sflag:s4] =	dma.local [hbm:s3], $0xF7A  }
0x26: {  	[smem:$0x3F98] =	sst s1;
	(tag) =	ssettag s2;
	_ =	strace s9  }
0x27: {  	s1 =	sld [smem:$0x3FA8]  }
0x28: {  	s2 =	sld [smem:$0x3FA9]  }
0x29: {  	s4 =	sld [smem:$0x3FAB]  }
0x2a: {  	p0 =	seq.s32 s5, $0x0;
	s5 =	sld [smem:$0x3FAC]  }
0x2b: {  	s6 =	sld [smem:$0x3FAD]  }
0x2c: {  	s7 =	sld [smem:$0x3FAE]  }
0x2d: {  	s3 =	simm.s32 $0x108;
	s8 =	sld [smem:$0x3FAF]  }
0x2e: {  	s3 =	simm.s32 @!p0 $0x1082;
	s9 =	sld [smem:$0x3FB0]  }
0x2f: {  	lr =	sadd.s32 s0, s3;
	s0 =	sld [smem:$0x3FA7]  }
0x30: {  	s3 =	sld [smem:$0x3FAA]  }
0x31: {  	[smem:$0x3FB3] =	sst s10  }
0x32: {  	s10 =	sld [smem:$0x3FB1];
	_ =	sdelay $0x3  }
0x33: {  	p0 =	seq.s32 s10, $0x1;
	s10 =	sld [smem:$0x3FB3];
	_ =	sdelay $0x3  }
0x34: {  	[smem:$0x3FB3] =	sst s10  }
0x35: {  	s10 =	sld [smem:$0x3FB2];
	_ =	sdelay $0x3  }
0x36: {  	p1 =	seq.s32 s10, $0x1;
	s10 =	sld [smem:$0x3FB3];
	_ =	sdelay $0x3  }
0x37: {  	[smem:$0x3FB3] =	sst s10  }
0x38: {  	s10 =	sld [smem:$0x3FB4]  }
0x39: {  	_ = 	snop;
	(pc) =	sbr.ind lr, $3  }
0x3a: {  	_ = 	snop  }
0x3b: {  	_ = 	snop  }
0x3c: {  	p2 =	seq.s32 s10, $0x1;
	s10 =	sld [smem:$0x3FB3]  }
0x3d: {  	_ =	shalt  }
0x3e: {  	_ =	shalt  }
0x3f: {  	_ =	shalt  }
0x40: {  	_ =	shalt  }
0x41: {  	_ =	shalt  }
0x42: {  	_ =	shalt  }
0x43: {  	_ =	shalt  }
0x44: {  	_ =	shalt  }
0x45: {  	_ =	shalt  }
0x46: {  	_ =	shalt  }
0x47: {  	_ =	shalt  }
0x48: {  	_ =	shalt  }
0x49: {  	_ =	shalt  }
0x4a: {  	_ =	shalt  }
0x4b: {  	_ =	shalt  }
0x4c: {  	_ =	shalt  }
0x4d: {  	_ =	shalt  }
0x4e: {  	_ =	shalt  }
0x4f: {  	_ =	shalt  }
0x50: {  	_ =	shalt  }
0x51: {  	_ =	shalt  }
0x52: {  	_ =	shalt  }
0x53: {  	_ =	shalt  }
0x54: {  	_ =	shalt  }
0x55: {  	_ =	shalt  }
0x56: {  	_ =	shalt  }
0x57: {  	_ =	shalt  }
0x58: {  	_ =	shalt  }
0x59: {  	_ =	shalt  }
0x5a: {  	_ =	shalt  }
0x5b: {  	_ =	shalt  }
0x5c: {  	_ =	shalt  }
0x5d: {  	_ =	shalt  }
0x5e: {  	_ =	shalt  }
0x5f: {  	_ =	shalt  }
0x60: {  	_ =	shalt  }
0x61: {  	_ =	shalt  }
0x62: {  	_ =	shalt  }
0x63: {  	_ =	shalt  }
0x64: {  	_ =	shalt  }
0x65: {  	_ =	shalt  }
0x66: {  	_ =	shalt  }
0x67: {  	_ =	shalt  }
0x68: {  	_ =	shalt  }
0x69: {  	_ =	shalt  }
0x6a: {  	_ =	shalt  }
0x6b: {  	_ =	shalt  }
0x6c: {  	_ =	shalt  }
0x6d: {  	_ =	shalt  }
0x6e: {  	_ =	shalt  }
0x6f: {  	_ =	shalt  }
0x70: {  	_ =	shalt  }
0x71: {  	_ =	shalt  }
0x72: {  	_ =	shalt  }
0x73: {  	_ =	shalt  }
0x74: {  	_ =	shalt  }
0x75: {  	_ =	shalt  }
0x76: {  	_ =	shalt  }
0x77: {  	_ =	shalt  }
0x78: {  	_ =	shalt  }
0x79: {  	_ =	shalt  }
0x7a: {  	_ =	shalt  }
0x7b: {  	_ =	shalt  }
0x7c: {  	_ =	shalt  }
0x7d: {  	_ =	shalt  }
0x7e: {  	_ =	shalt  }
0x7f: {  	_ =	shalt  }
0x80: {  	_ =	shalt  }
0x81: {  	_ =	shalt  }
0x82: {  	_ =	shalt  }
0x83: {  	_ =	shalt  }
0x84: {  	_ =	shalt  }
0x85: {  	_ =	shalt  }
0x86: {  	_ =	shalt  }
0x87: {  	_ =	shalt  }
.Lfunc_end0:
.L_simem_size_0:
called_computation_lowered:
.L_overlay_start_0:
0x88: {  	s2 =	sld [smem:$0x3FD9]  }
0x89: {  	s3 =	sld [smem:$0x3FFE];
	_ =	sdelay $0x1  }
0x8a: {  	s1 =	srdreg.scid  }
0x8b: {  	s0 =	sand.u32 $0x1, s1  }
0x8c: {  	s16 =	sshll.u32 s0, $0xA;
	s2 =	sadd.s32 s3, s2  }
0x8d: {  	s2 =	sadd.s32 s2, s16  }
0x8e: {  	[smem:$0x3FBF] =	sst s2  }
0x8f: {  	_ = 	snop  }
0x90: {  	(tm) =	ssettm $0x1  }
0x91: {  	s17 =	sld [smem:$0x3FFB];
	_ =	sdelay $0x3  }
0x92: {  	_ =	strace s17  }
0x93: {  	s2 =	sld [smem:$0x3FFC];
	_ =	sdelay $0x3  }
0x94: {  	_ =	strace s2  }
0x95: {  	s2 =	sld [smem:$0x3FFD];
	_ =	sdelay $0x3  }
0x96: {  	_ =	strace s2  }
0x97: {  	_ =	strace $0x8FFFFFFF  }
0x98: {  	s18 =	sld [smem:$0x3FDB];
	_ =	sdelay $0x1  }
0x99: {  	s19 =	simm.s32 $_scs_section_size  }
0x9a: {  	s4 =	simm.s32 $_size__tile_overlayer_lowered;
	s5 =	simm.s32 $_tile_overlayer_lowered  }
0x9b: {  	s22 =	simm.s32 $0x1BFF;
	s21 =	sshll.u32 s5, $0x1;
	s2 =	sadd.s32 s19, s18  }
0x9c: {  	s6 =	simm.s32 $0x0;
	s20 =	sshll.u32 s4, $0x1;
	s4 =	sadd.s32 s21, s2  }
0x9d: {  	[timem:s6], [sflag:s22] =	dma.local [hbm:s4], s20  }
0x9e: {  	_ =	swait.ge [sflag:s22], s20  }
0x9f: {  	s3 =	ssub.s32 $0x0, s20;
	[sflag:s22] =	ssyncset.done $0x0  }
0xa0: {  	[sflag:s22] =	ssyncadd.s32 s3;
	_ =	sdelay $0x1  }
0xa1: {  	s23 =	simm.s32 $0x1B8B  }
0xa2: {  	_ =	swait.ge [sflag:s23], $0x1  }
0xa3: {  	[sflag:s23] =	ssyncset.done $0x0  }
0xa4: {  	s25 =	simm.s32 $0x1B8E;
	s24 =	sld [smem:$0x3FFE];
	[sflag:s23] =	ssyncadd.s32 $0xFFFFFFFF  }
0xa5: {  	s26 =	simm.s32 $execute0_lowered;
	[smem:$0x3FD2] =	sst s25  }
0xa6: {  	s4 =	sshll.u32 s26, $0x1;
	_ =	strace $0x80000046;
	[dreg:$0x1] =	wrdreg $0xFFFFFFFF  }
0xa7: {  	s28 =	simm.s32 $_size_execute0_lowered;
	s2 =	sadd.s32 s2, s4;
	[dreg:$0x0] =	wrdreg $0x0  }
0xa8: {  	s4 =	sshll.u32 s28, $0x1;
	[dreg:$0x2] =	wrdreg s2  }
0xa9: {  	[dreg:$0x3] =	wrdreg s4  }
0xaa: {  	[dreg:$0x4] =	wrdreg $0xC0  }
0xab: {  	_ =	task [dreg:s6], $0x5FFFF  }
0xac: {  	[dreg:$0x1] =	wrdreg $0xFFFFFFFF  }
0xad: {  	[dreg:$0x0] =	wrdreg $0x60  }
0xae: {  	[dreg:$0x2] =	wrdreg s24  }
0xaf: {  	[dreg:$0x3] =	wrdreg $0x0  }
0xb0: {  	[dreg:$0x4] =	wrdreg $0x9  }
0xb1: {  	_ =	task.clear_ibuf [dreg:s6], $0x5FFFF;
	_ =	strace $0x90000046  }
0xb2: {  	s29 =	simm.s32 $0x9;
	_ =	strace $0x80000048  }
0xb3: {  	_ =	swait.ge [sflag:s29], $0x1  }
0xb4: {  	[sflag:s29] =	ssyncadd.s32 $0xFFFFFFFF  }
0xb5: {  	_ =	strace $0x90000048  }
0xb6: {  	_ =	sfence  }
0xb7: {  	s30 =	sld [smem:$0x0];
	_ =	sdelay $0x2  }
0xb8: {  	s31 =	sshll.u32 s1, $0xD;
	s1 =	sshrl.u32 s1, $0x2  }
0xb9: {  	s3 =	sand.u32 $0x4000, s31;
	s1 =	sadd.s32 s1, s30  }
0xba: {  	s0 =	sor.u32 s3, s0;
	s1 =	sshll.u32 s1, $0x11  }
0xbb: {  	s0 =	sor.u32 s1, s0  }
0xbc: {  	s0 =	sadd.s32 $0x8F2B, s0  }
0xbd: {  	[sflag:s0] =	ssyncadd.remote.s32 $0x1  }
0xbe: {  	_ =	sfence.sel $0xFFFF  }
0xbf: {  	[dreg:$0x0] =	wrdreg $0xFFFFFFFF;
	(pc) =	sbr.abs _section_cstart, $3  }
0xc0: {  	[dreg:$0x1] =	wrdreg $0xFFFFFFFF  }
0xc1: {  	_ =	task.clear_ibuf [dreg:s6], $0x2FFFF;
	_ =	strace $0x9FFFFFFF  }
0xc2: {  	(tm) =	ssettm $0x7FFFFFFF  }
0xc3: {  	_ =	shalt  }
tec
execute0_lowered:
.L_overlay_start_1:
0x0: {  	(tag) =	ssettag $0x1  }
0x1: {  	s0 =	srdreg.scid;
	s5 =	rddreg [dreg:$0x0]  }
0x2: {  	s1 =	rddreg [dreg:$0x1];
	s11 =	stileid.u32;
	s2 =	simm.s32 $0x0  }
0x3: {  	s18 =	simm.s32 $0x2790;
	s19 =	simm.s32 $0x2810;
	s20 =	simm.s32 $0x2890  }
0x4: {  	s21 =	simm.s32 $0x1;
	s6 =	sand.u32 $0x1, s0;
	s0 =	rddreg [dreg:$0x2]  }
0x5: {  	s22 =	simm.s32 $0x20;
	s23 =	simm.s32 $0x0;
	[smem:$0x7FF] =	sst s2  }
0x6: {  	s4 =	sshll.u32 s11, $0x4;
	s13 =	smul.u32 $0x4E000, s11;
	s14 =	sadd.s32 $0x19000, s5  }
0x7: {  	s24 =	smul.u32 $0x2700, s11;
	s26 =	sshll.u32 s11, $0x6;
	s16 =	sadd.s32 $0x138000, s1  }
0x8: {  	p0 =	sne.s32 s11, $0x0;
	s3 =	sshll.u32 s6, $0x4;
	_ =	strace $0x80000047  }
0x9: {  	s4 =	sand.u32 $0x70, s4;
	s10 =	ssub.s32 $0x2, s6;
	s28 =	smul.u32 $0x138800, s6  }
0xa: {  	s17 =	smul.u32 $0x27100, s6;
	s7 =	sor.u32 s11, s3;
	s9 =	sadd.s32 s4, s5  }
0xb: {  	s12 =	sshrl.u32 s10, $0x1;
	s4 =	sadd.s32 $0x16000, s5;
	s25 =	sshrl.u32 s13, $0x2  }
0xc: {  	s13 =	sshrl.u32 @!p0 s16, $0x3;
	s16 =	simm.s32 $0x7710;
	s3 =	smul.u32 $0xA00, s7  }
0xd: {  	s10 =	ssub.s32 s10, s12;
	s15 =	sadd.s32 s25, s1;
	s7 =	sshll.u32 s7, $0x4  }
0xe: {  	s29 =	sshrl.u32 s28, $0x3;
	s30 =	sadd.s32 s24, s17;
	s12 =	simm.s32 $0x2  }
0xf: {  	s17 =	simm.s32 $0x80;
	s7 =	sand.u32 $0x180, s7;
	s31 =	sadd.s32 s14, s29  }
0x10: {  	s10 =	smax.u32 s10, $0x1;
	s11 =	sshrl.u32 s15, $0x3;
	s15 =	simm.s32 $0x2710  }
0x11: {  	s8 =	sadd.s32 s3, s5;
	s3 =	sadd.s32 $0x18800, s5;
	s5 =	sor.u32 $0x1C02, s26  }
0x12: {  	s7 =	sadd.s32 s7, s9;
	s9 =	sadd.s32 $0x27000, s31;
	s6 =	sadd.s32 $0x2000, s8  }
0x13: {  	s7 =	sadd.s32 $0x1E00, s7;
	s8 =	sadd.s32 s14, s30;
	s14 =	simm.s32 $0x7790  }
.LBB2_1:
0x14: {  	[spmem:s11], [sflag:s5] =	dma.local [hbm:s4], $0x2700  }
0x15: {  	_ =	swait.ge [sflag:s12], $0x2700  }
0x16: {  	[sflag:s12] =	ssyncset.done $0x0  }
0x17: {  	s24 =	simm.s32 @!p0 $0x2;
	[sflag:s12] =	ssyncadd.s32 $0xFFFFD900  }
0x18: {  	[spmem:s13], [sflag:s5] =	dma.local @!p0 [hbm:s4], $0x100  }
0x19: {  	_ =	swait.ge @!p0 [sflag:s24], $0x100  }
0x1a: {  	[sflag:s24] =	ssyncset.done @!p0 $0x0  }
0x1b: {  	[sflag:s24] =	ssyncadd.s32 @!p0 $0xFFFFFF00  }
0x1c: {  	[tilespmem:s14], [sflag:$0x2] =	stream.linear.gather [hbm4b:s3+s2], $0x4000, $0x38;
	[tilespmem:$0xB790] =	vst v63  }
0x1d: {  	_ =	swait.ge [sflag:s12], $0x4000  }
0x1e: {  	[sflag:s12] =	ssyncset.done $0x0  }
0x1f: {  	[sflag:s12] =	ssyncadd.s32 $0xFFFFC000  }
0x20: {  	[tilespmem:s15], [sflag:$0x2] =	stream.linear.gather [hbm4b:s6+s2], $0x4E00, $0x38;
	[tilespmem:$0xB790] =	vst v63  }
0x21: {  	_ =	swait.ge [sflag:s12], $0x4E00  }
0x22: {  	[sflag:s12] =	ssyncset.done $0x0  }
0x23: {  	[sflag:s12] =	ssyncadd.s32 $0xFFFFB200  }
0x24: {  	[tilespmem:s16], [sflag:$0x2] =	stream.linear.gather [hbm4b:s7+s2], $0x80, $0x38;
	[tilespmem:$0xB790] =	vst v63  }
0x25: {  	_ =	swait.ge [sflag:s12], $0x80  }
0x26: {  	[sflag:s12] =	ssyncset.done $0x0  }
0x27: {  	[sflag:s12] =	ssyncadd.s32 $0xFFFFFF80  }
0x28: {  	[bflag:$0x0] =	sbarrier.arrive $0xFFFF  }
0x29: {  	[spmem:s1] =	stream.indirect.scatter.add.f32 [tilespmem:s14], [sflag:$0x1], $0x10, s15, s17, $0xb8;
	[tilespmem:$0xB790] =	vst v63  }
0x2a: {  	_ = 	snop  }
0x2b: {  	[spmem:s1] =	stream.indirect.scatter.add.f32 [tilespmem:s14], [sflag:$0x1], $0x10, s18, s17, $0xb8;
	[tilespmem:$0xB790] =	vst v63  }
0x2c: {  	_ = 	snop  }
0x2d: {  	[spmem:s1] =	stream.indirect.scatter.add.f32 [tilespmem:s14], [sflag:$0x1], $0x10, s19, s17, $0xb8;
	[tilespmem:$0xB790] =	vst v63  }
0x2e: {  	_ = 	snop  }
0x2f: {  	[spmem:s1] =	stream.indirect.scatter.add.f32 [tilespmem:s14], [sflag:$0x1], $0x10, s20, s17, $0xb8;
	[tilespmem:$0xB790] =	vst v63  }
0x30: {  	s28 =	simm.s32 $0x2910  }
0x31: {  	[spmem:s1] =	stream.indirect.scatter.add.f32 [tilespmem:s14], [sflag:$0x1], $0x10, s28, s17, $0xb8;
	[tilespmem:$0xB790] =	vst v63  }
0x32: {  	s29 =	simm.s32 $0x2990  }
0x33: {  	[spmem:s1] =	stream.indirect.scatter.add.f32 [tilespmem:s14], [sflag:$0x1], $0x10, s29, s17, $0xb8;
	[tilespmem:$0xB790] =	vst v63  }
0x34: {  	s30 =	simm.s32 $0x2A10  }
0x35: {  	[spmem:s1] =	stream.indirect.scatter.add.f32 [tilespmem:s14], [sflag:$0x1], $0x10, s30, s17, $0xb8;
	[tilespmem:$0xB790] =	vst v63  }
0x36: {  	s31 =	simm.s32 $0x2A90  }
0x37: {  	[spmem:s1] =	stream.indirect.scatter.add.f32 [tilespmem:s14], [sflag:$0x1], $0x10, s31, s17, $0xb8;
	[tilespmem:$0xB790] =	vst v63  }
0x38: {  	_ =	swait.ge [sflag:s21], $0x800  }
0x39: {  	[sflag:s21] =	ssyncset.done $0x0  }
0x3a: {  	[sflag:s21] =	ssyncadd.s32 $0xFFFFF800  }
0x3b: {  	_ =	swait.ge [sflag:s21], $0x800  }
0x3c: {  	[sflag:s21] =	ssyncset.done $0x0  }
0x3d: {  	[sflag:s21] =	ssyncadd.s32 $0xFFFFF800  }
0x3e: {  	_ =	swait.ge [sflag:s21], $0x800  }
0x3f: {  	[sflag:s21] =	ssyncset.done $0x0  }
0x40: {  	[sflag:s21] =	ssyncadd.s32 $0xFFFFF800  }
0x41: {  	_ =	swait.ge [sflag:s21], $0x800  }
0x42: {  	s25 =	simm.s32 $0xFFFEE000;
	s24 =	simm.s32 $0xFFFFB600;
	[sflag:s21] =	ssyncset.done $0x0  }
.LBB2_2:
0x43: {  	s26 =	sadd.s32 $0x7510, s24  }
0x44: {  	[sflag:s21] =	ssyncadd.s32 $0xFFFFF800;
	s28 =	smov.u32 s25;
	s29 =	sadd.s32 $0x800, s25  }
0x45: {  	[spmem:s1] =	stream.indirect.scatter.add.f32 [tilespmem:s14], [sflag:$0x1], $0x10, s26, s17, $0xb8;
	[tilespmem:$0xB790] =	vst v63  }
0x46: {  	p1 =	sne.s32 s25, $0xFFFFF800;
	s25 =	sadd.s32 $0x7590, s24  }
0x47: {  	[spmem:s1] =	stream.indirect.scatter.add.f32 [tilespmem:s14], [sflag:$0x1], $0x10, s25, s17, $0xb8;
	[tilespmem:$0xB790] =	vst v63  }
0x48: {  	s25 =	sadd.s32 $0x7610, s24  }
0x49: {  	[spmem:s1] =	stream.indirect.scatter.add.f32 [tilespmem:s14], [sflag:$0x1], $0x10, s25, s17, $0xb8;
	[tilespmem:$0xB790] =	vst v63  }
0x4a: {  	s24 =	sadd.s32 $0x7690, s24  }
0x4b: {  	[spmem:s1] =	stream.indirect.scatter.add.f32 [tilespmem:s14], [sflag:$0x1], $0x10, s24, s17, $0xb8;
	[tilespmem:$0xB790] =	vst v63  }
0x4c: {  	_ =	swait.ge [sflag:s21], $0x800  }
0x4d: {  	[sflag:s21] =	ssyncset.done $0x0  }
0x4e: {  	[sflag:s21] =	ssyncadd.s32 $0xFFFFF800  }
0x4f: {  	_ =	swait.ge [sflag:s21], $0x800  }
0x50: {  	[sflag:s21] =	ssyncset.done $0x0  }
0x51: {  	[sflag:s21] =	ssyncadd.s32 $0xFFFFF800  }
.Ltmp0:
0x52: {  	_ =	swait.ge [sflag:s21], $0x800;
	(pc) =	sbr.rel @p1 .LBB2_2-.Ltmp0, $4  }
0x53: {  	[sflag:s21] =	ssyncset.done $0x0  }
0x54: {  	[sflag:s21] =	ssyncadd.s32 $0xFFFFF800  }
0x55: {  	_ =	swait.ge [sflag:s21], $0x800  }
0x56: {  	s25 =	smov.u32 s29;
	s24 =	sshra.s32 s28, $0x2;
	[sflag:s21] =	ssyncset.done $0x0  }
0x57: {  	s25 =	sadd.s32 $0x7510, s24;
	[sflag:s21] =	ssyncadd.s32 $0xFFFFF800  }
0x58: {  	[spmem:s1] =	stream.indirect.scatter.add.f32 [tilespmem:s14], [sflag:$0x1], $0x10, s25, s17, $0xb8;
	[tilespmem:$0xB790] =	vst v63  }
0x59: {  	s29 =	sadd.s32 $0x7590, s24  }
0x5a: {  	[spmem:s1] =	stream.indirect.scatter.add.f32 [tilespmem:s14], [sflag:$0x1], $0x10, s29, s17, $0xb8;
	[tilespmem:$0xB790] =	vst v63  }
0x5b: {  	s30 =	sadd.s32 $0x7610, s24  }
0x5c: {  	[spmem:s1] =	stream.indirect.scatter.add.f32 [tilespmem:s14], [sflag:$0x1], $0x10, s30, s17, $0xb8;
	[tilespmem:$0xB790] =	vst v63  }
0x5d: {  	s31 =	sadd.s32 $0x7690, s24  }
0x5e: {  	[spmem:s1] =	stream.indirect.scatter.add.f32 [tilespmem:s14], [sflag:$0x1], $0x10, s31, s17, $0xb8;
	[tilespmem:$0xB790] =	vst v63  }
0x5f: {  	_ =	swait.ge [sflag:s21], $0x800  }
0x60: {  	[sflag:s21] =	ssyncset.done $0x0  }
0x61: {  	[sflag:s21] =	ssyncadd.s32 $0xFFFFF800  }
0x62: {  	_ =	swait.ge [sflag:s21], $0x800  }
0x63: {  	[sflag:s21] =	ssyncset.done $0x0  }
0x64: {  	[sflag:s21] =	ssyncadd.s32 $0xFFFFF800  }
0x65: {  	_ =	swait.ge [sflag:s21], $0x800  }
0x66: {  	[sflag:s21] =	ssyncset.done $0x0  }
0x67: {  	[sflag:s21] =	ssyncadd.s32 $0xFFFFF800  }
0x68: {  	_ =	swait.ge [sflag:s21], $0x800  }
0x69: {  	[sflag:s21] =	ssyncset.done $0x0  }
0x6a: {  	[sflag:s21] =	ssyncadd.s32 $0xFFFFF800  }
0x6b: {  	_ =	swait.ge [sflag:s21], $0x800  }
0x6c: {  	[sflag:s21] =	ssyncset.done $0x0  }
0x6d: {  	[sflag:s21] =	ssyncadd.s32 $0xFFFFF800  }
0x6e: {  	_ =	swait.ge [sflag:s21], $0x800  }
0x6f: {  	[sflag:s21] =	ssyncset.done $0x0  }
0x70: {  	[sflag:s21] =	ssyncadd.s32 $0xFFFFF800  }
0x71: {  	_ =	swait.ge [sflag:s21], $0x800  }
0x72: {  	[sflag:s21] =	ssyncset.done $0x0  }
0x73: {  	[sflag:s21] =	ssyncadd.s32 $0xFFFFF800  }
0x74: {  	_ =	swait.ge [sflag:s21], $0x800  }
0x75: {  	[sflag:s21] =	ssyncset.done $0x0  }
0x76: {  	[sflag:s21] =	ssyncadd.s32 $0xFFFFF800  }
0x77: {  	[spmem:s1] =	stream.indirect.scatter.add.f32 [tilespmem:s14], [sflag:$0x2], $0x10, s16, s22, $0xb8;
	[tilespmem:$0xB790] =	vst v63  }
0x78: {  	_ =	swait.ge [sflag:s12], $0x200  }
0x79: {  	[sflag:s12] =	ssyncset.done $0x0  }
0x7a: {  	[sflag:s12] =	ssyncadd.s32 $0xFFFFFE00  }
0x7b: {  	[bflag:$0x0] =	sbarrier.arrive $0xFFFF  }
0x7c: {  	[hbm:s8], [sflag:s5] =	dma.local [spmem:s11], $0x2700  }
0x7d: {  	s23 =	sadd.s32 $0x1, s23;
	_ =	swait.ge [sflag:s12], $0x2700  }
0x7e: {  	p1 =	sne.s32 s23, s10;
	[sflag:s12] =	ssyncset.done $0x0  }
.Ltmp1:
0x7f: {  	s24 =	simm.s32 @!p0 $0x2;
	[sflag:s12] =	ssyncadd.s32 $0xFFFFD900;
	(pc) =	sbr.rel @p1 .LBB2_1-.Ltmp1, $4  }
0x80: {  	[hbm:s9], [sflag:s5] =	dma.local @!p0 [spmem:s13], $0x100  }
0x81: {  	_ =	swait.ge @!p0 [sflag:s24], $0x100  }
0x82: {  	[sflag:s24] =	ssyncset.done @!p0 $0x0  }
0x83: {  	[sflag:s24] =	ssyncadd.s32 @!p0 $0xFFFFFF00  }
0x84: {  	_ =	sfence.sel $0x180000  }
0x85: {  	[bflag:$0x0] =	sbarrier.arrive $0xFFFF  }
0x86: {  	_ =	strace $0x90000047  }
0x87: {  	s0 =	sadd.s32 @!p0 $0x100000, s0;
	[bflag:$0x2] =	sbarrier.arrive $0xFFFF  }
0x88: {  	[sflag:s0] =	ssyncadd.tile.s32 @!p0 $0x1;
	_ =	shalt  }
.Lfunc_end2:
_tile_overlayer_lowered:
.L_overlay_start_2:
0x89: {  	(tag) =	ssettag $0x2  }
0x8a: {  	s0 =	rddreg [dreg:$0x0];
	s2 =	stileid.u32  }
0x8b: {  	s1 =	rddreg [dreg:$0x1];
	p0 =	sne.s32 s2, $0x0  }
0x8c: {  	s3 =	rddreg [dreg:$0x2];
	[bflag:$0x3] =	sbarrier.arrive $0xFFFF;
	s2 =	simm.s32 @!p0 $0x1C02  }
0x8d: {  	[timem:s3], [sflag:s2] =	dma.local @!p0 [hbm:s0], s1  }
0x8e: {  	s0 =	simm.s32 @!p0 $0x2  }
0x8f: {  	_ =	swait.ge @!p0 [sflag:s0], s1  }
0x90: {  	s1 =	ssub.s32 @!p0 $0x0, s1;
	[sflag:s0] =	ssyncset.done @!p0 $0x0  }
0x91: {  	[sflag:s0] =	ssyncadd.s32 @!p0 s1  }
0x92: {  	[bflag:$0x3] =	sbarrier.arrive $0xFFFF  }
0x93: {  	_ =	shalt  }

</sc_bundles>
